<compile_context>
chip_gen: v7x
topology: tpu7x:2x2x1
jax: 0.10.2.dev20260603
libtpu: 0.0.44.dev20260713+nightly
codegen_flags: <defaults>
</compile_context>

<pallas_src>
import functools

import jax
import jax.numpy as jnp
from jax import lax
from jax.experimental import pallas as pl
from jax.experimental.pallas import tpu as pltpu
from jax.experimental.pallas import tpu_sc as plsc

N_NODES_K = 10000
D = 128
N_EDGES_K = 320000

NC = 2
NS = 16
NW = NC * NS

CHUNK = 128
N_CHUNKS = N_EDGES_K // CHUNK
BASE_CHUNKS = N_CHUNKS // NW
EXTRA_TILES = N_CHUNKS - BASE_CHUNKS * NW

NB = 3
NI = 2 * NB
GROUPS = BASE_CHUNKS // NI

ZSTRIPE = N_NODES_K // NS // 16 * 16
LAST_EXTRA = N_NODES_K - NS * ZSTRIPE


def _sc_aggregate(features, e1d):
    mesh = plsc.VectorSubcoreMesh(core_axis_name="c", subcore_axis_name="s")

    @functools.partial(
        pl.kernel,
        out_type=jax.ShapeDtypeStruct((NC, N_NODES_K, D), jnp.float32),
        mesh=mesh,
        scratch_types=(
            [pltpu.VMEM((CHUNK, D), jnp.float32)] * NB
            + [pltpu.VMEM((2, CHUNK), jnp.int32)] * NI
            + [pltpu.VMEM_SHARED((N_NODES_K, D), jnp.float32)]
            + [pltpu.SemaphoreType.DMA] * (2 * NB + NI + 1)
        ),
    )
    def agg_kernel(feat_hbm, eidx_hbm, out_hbm, *rest):
        bufs = rest[:NB]
        ibufs = rest[NB:NB + NI]
        agg_sh = rest[NB + NI]
        sems = rest[NB + NI + 1:]
        gsems = sems[:NB]
        ssems = sems[NB:2 * NB]
        isems = sems[2 * NB:2 * NB + NI]
        zsem = sems[2 * NB + NI]

        c = lax.axis_index("c")
        s = lax.axis_index("s")
        wid = c * NS + s
        start = wid * BASE_CHUNKS + jnp.minimum(wid, EXTRA_TILES)
        extra = wid < EXTRA_TILES

        zvec = jnp.zeros((16,), jnp.float32)
        for r in range(16):
            for col in range(D // 16):
                bufs[0][r, pl.ds(col * 16, 16)] = zvec

        def zfire(i, carry):
            pltpu.async_copy(bufs[0].at[pl.ds(0, 16)],
                             agg_sh.at[pl.ds(s * ZSTRIPE + i * 16, 16)], zsem)
            return carry
        lax.fori_loop(0, ZSTRIPE // 16, zfire, 0)

        @pl.when(s == NS - 1)
        def _():
            pltpu.async_copy(bufs[0].at[pl.ds(0, 16)],
                             agg_sh.at[pl.ds(NS * ZSTRIPE, LAST_EXTRA)], zsem)

        def zdrain(i, carry):
            pltpu.make_async_copy(bufs[0].at[pl.ds(0, 16)],
                                  agg_sh.at[pl.ds(0, 16)], zsem).wait()
            return carry
        lax.fori_loop(0, ZSTRIPE // 16, zdrain, 0)

        @pl.when(s == NS - 1)
        def _():
            pltpu.make_async_copy(bufs[0].at[pl.ds(0, 16)],
                                  agg_sh.at[pl.ds(0, LAST_EXTRA)], zsem).wait()

        def fire_idx(chunk, slot):
            off = (start + chunk) * CHUNK
            pltpu.async_copy(eidx_hbm.at[0, pl.ds(off, CHUNK)],
                             ibufs[slot].at[0], isems[slot])
            pltpu.async_copy(eidx_hbm.at[1, pl.ds(off, CHUNK)],
                             ibufs[slot].at[1], isems[slot])

        def wait_idx(slot):
            pltpu.make_async_copy(
                eidx_hbm.at[pl.ds(0, 2), pl.ds(0, CHUNK)],
                ibufs[slot], isems[slot]).wait()

        for q in range(NI):
            fire_idx(q, q)
        for b in range(NB):
            wait_idx(b)
            pltpu.async_copy(feat_hbm.at[ibufs[b].at[0]], bufs[b], gsems[b])

        plsc.subcore_barrier()

        cnt = jnp.where(extra, BASE_CHUNKS + 1, BASE_CHUNKS)

        def group_body(g, carry):
            base = g * NI
            for h in range(2):
                for b in range(NB):
                    q = h * NB + b
                    j = base + q
                    pltpu.make_async_copy(
                        feat_hbm.at[ibufs[q].at[0]], bufs[b], gsems[b]).wait()
                    pltpu.async_copy(
                        bufs[b], agg_sh.at[ibufs[q].at[1]], ssems[b], add=True)
                for b in range(NB):
                    q = h * NB + b
                    j = base + q
                    pltpu.make_async_copy(
                        bufs[b], agg_sh.at[ibufs[q].at[1]], ssems[b]).wait()

                    @pl.when(j + NI < cnt)
                    def _():
                        fire_idx(j + NI, q)

                    @pl.when(j + NB < cnt)
                    def _():
                        qn = (q + NB) % NI
                        wait_idx(qn)
                        pltpu.async_copy(
                            feat_hbm.at[ibufs[qn].at[0]], bufs[b], gsems[b])
            return carry
        lax.fori_loop(0, GROUPS, group_body, 0)

        @pl.when(extra)
        def _():
            pltpu.make_async_copy(
                feat_hbm.at[ibufs[0].at[0]], bufs[0], gsems[0]).wait()
            pltpu.async_copy(
                bufs[0], agg_sh.at[ibufs[0].at[1]], ssems[0], add=True)
            pltpu.make_async_copy(
                bufs[0], agg_sh.at[ibufs[0].at[1]], ssems[0]).wait()

        plsc.subcore_barrier()

        pltpu.sync_copy(
            agg_sh.at[pl.ds(s * ZSTRIPE, ZSTRIPE)],
            out_hbm.at[c, pl.ds(s * ZSTRIPE, ZSTRIPE)])

        @pl.when(s == NS - 1)
        def _():
            pltpu.sync_copy(
                agg_sh.at[pl.ds(NS * ZSTRIPE, LAST_EXTRA)],
                out_hbm.at[c, pl.ds(NS * ZSTRIPE, LAST_EXTRA)])

    return agg_kernel(features, e1d)


def _tc_update(partials, W, b2d):
    BLK = 2000

    def body(p_ref, w_ref, b_ref, o_ref):
        acc = p_ref[0] + p_ref[1]
        h = jnp.dot(acc, w_ref[...], preferred_element_type=jnp.float32)
        o_ref[...] = jnp.maximum(h + b_ref[...], 0.0)

    return pl.pallas_call(
        body,
        grid=(N_NODES_K // BLK,),
        in_specs=[
            pl.BlockSpec((NC, BLK, D), lambda i: (0, i, 0)),
            pl.BlockSpec((D, D), lambda i: (0, 0)),
            pl.BlockSpec((1, D), lambda i: (0, 0)),
        ],
        out_specs=pl.BlockSpec((BLK, D), lambda i: (i, 0)),
        out_shape=jax.ShapeDtypeStruct((N_NODES_K, D), jnp.float32),
    )(partials, W, b2d)


def kernel(features, edge_index, W, b):
    partials = _sc_aggregate(features, edge_index.astype(jnp.int32))
    return _tc_update(partials, W, b.reshape(1, D))

# --- scband reference (transcript-rebuilt; emitter-appended) ---
"""Pipeline reference for scband-graph-convolution-layer-5669356831168 (READ-ONLY COPY).

The authoritative reference and input builder live on the scoring server;
editing this copy changes nothing except your own understanding.
"""

import jax, jax.numpy as jnp
import numpy as np

N_NODES = 10000
N_EDGES = 320000
D_IN = 128
D_OUT = 128


def setup_inputs(seed: int = 0) -> dict:
    key = jax.random.key(seed)
    k1, k2, k3 = jax.random.split(key, 3)
    features = jax.random.normal(k1, (N_NODES, D_IN), dtype=jnp.float32)
    edge_index = jax.random.randint(k2, (2, N_EDGES), 0, N_NODES, dtype=jnp.int64)
    W = jax.random.normal(k3, (D_IN, D_OUT), dtype=jnp.float32) * (1.0 / np.sqrt(D_IN))
    b = jnp.zeros((D_OUT,), dtype=jnp.float32)
    return {"features": features, "edge_index": edge_index, "W": W, "b": b}


def reference(features, edge_index, W, b):
    # GCN layer (Kipf & Welling 2016) as implemented via DGL update_all:
    # message: copy_src (gather source node features per edge)
    # reduce:  sum over incoming edges per destination node
    # apply:   linear + activation (NodeUpdateModule, dropout=0)
    src = edge_index[0]
    dst = edge_index[1]
    msgs = jnp.take(features, src, axis=0)              # gather  [E, D_IN]
    agg = jax.ops.segment_sum(msgs, dst, num_segments=N_NODES)  # scatter-add [N, D_IN]
    h = agg @ W + b                                      # linear  [N, D_OUT]
    h = jax.nn.relu(h)                                   # activation
    return h

if __name__ == "__main__":
    import jax
    _d = setup_inputs()
    print(jax.jit(kernel)(*tuple(_d.values())))

</pallas_src>

<mosaic_0001>
#map = affine_map<(d0, d1) -> (0, 0)>
#map1 = affine_map<(d0, d1) -> (0, 0, 0)>
module attributes {stable_mosaic.version = 14 : i64} {
  func.func @agg_kernel(%arg0: i32, %arg1: i32, %arg2: memref<10000x128xf32, #tpu.memory_space<hbm>>, %arg3: memref<2x320000xi32, #tpu.memory_space<hbm>>, %arg4: memref<2x10000x128xf32, #tpu.memory_space<hbm>>, %arg5: memref<128x128xf32, #tpu.memory_space<vmem>>, %arg6: memref<128x128xf32, #tpu.memory_space<vmem>>, %arg7: memref<128x128xf32, #tpu.memory_space<vmem>>, %arg8: memref<2x128xi32, #tpu.memory_space<vmem>>, %arg9: memref<2x128xi32, #tpu.memory_space<vmem>>, %arg10: memref<2x128xi32, #tpu.memory_space<vmem>>, %arg11: memref<2x128xi32, #tpu.memory_space<vmem>>, %arg12: memref<2x128xi32, #tpu.memory_space<vmem>>, %arg13: memref<2x128xi32, #tpu.memory_space<vmem>>, %arg14: memref<10000x128xf32, #tpu.memory_space<vmem_shared>>, %arg15: memref<!tpu.dma_semaphore, #tpu.memory_space<semaphore_mem>>, %arg16: memref<!tpu.dma_semaphore, #tpu.memory_space<semaphore_mem>>, %arg17: memref<!tpu.dma_semaphore, #tpu.memory_space<semaphore_mem>>, %arg18: memref<!tpu.dma_semaphore, #tpu.memory_space<semaphore_mem>>, %arg19: memref<!tpu.dma_semaphore, #tpu.memory_space<semaphore_mem>>, %arg20: memref<!tpu.dma_semaphore, #tpu.memory_space<semaphore_mem>>, %arg21: memref<!tpu.dma_semaphore, #tpu.memory_space<semaphore_mem>>, %arg22: memref<!tpu.dma_semaphore, #tpu.memory_space<semaphore_mem>>, %arg23: memref<!tpu.dma_semaphore, #tpu.memory_space<semaphore_mem>>, %arg24: memref<!tpu.dma_semaphore, #tpu.memory_space<semaphore_mem>>, %arg25: memref<!tpu.dma_semaphore, #tpu.memory_space<semaphore_mem>>, %arg26: memref<!tpu.dma_semaphore, #tpu.memory_space<semaphore_mem>>, %arg27: memref<!tpu.dma_semaphore, #tpu.memory_space<semaphore_mem>>) attributes {dimension_semantics = [#tpu.dimension_semantics<core_parallel>, #tpu.dimension_semantics<subcore_parallel>], iteration_bounds = array<i64: 2, 16>, scalar_prefetch = 0 : i64, scratch_operands = 23 : i64, tpu.core_type = #tpu.core_type<sc_vector_subcore>, window_params = [{transform_indices = #map}, {transform_indices = #map}, {transform_indices = #map1}]} {
    %mul3A = arith.constant 16 : i32
    %mul3A_0 = arith.muli %arg0, %mul3A : i32
    %add3A = arith.addi %mul3A_0, %arg1 : i32
    %mul3A_1 = arith.constant 78 : i32
    %mul3A_2 = arith.muli %add3A, %mul3A_1 : i32
    %min3A = arith.constant 4 : i32
    %min3A_3 = arith.minsi %add3A, %min3A : i32
    %add3A_4 = arith.addi %mul3A_2, %min3A_3 : i32
    %lt3A = arith.constant 4 : i32
    %lt3A_5 = arith.cmpi slt, %add3A, %lt3A : i32
    %broadcast_in_dim3A = arith.constant 0.000000e+00 : f32
    %broadcast_in_dim3A_6 = vector.broadcast %broadcast_in_dim3A : f32 to vector<16xf32>
    %swap3A = arith.constant 0 : i32
    %swap3A_7 = arith.index_cast %swap3A : i32 to index
    %swap3A_8 = arith.constant 0 : index
    %swap3A_9 = tpu.vector_load %arg5[%swap3A_7, %swap3A_8] {strides = array<i32>} : memref<128x128xf32, #tpu.memory_space<vmem>>, vector<1x16xf32>,
    %swap3A_10 = vector.shape_cast %swap3A_9 : vector<1x16xf32> to vector<16xf32>
    %swap3A_11 = vector.shape_cast %broadcast_in_dim3A_6 : vector<16xf32> to vector<1x16xf32>
    tpu.vector_store %arg5[%swap3A_7, %swap3A_8], %swap3A_11 {strides = array<i32>} : memref<128x128xf32, #tpu.memory_space<vmem>>, vector<1x16xf32>,
    %swap3A_12 = arith.constant 0 : i32
    %swap3A_13 = arith.index_cast %swap3A_12 : i32 to index
    %swap3A_14 = arith.constant 16 : index
    %swap3A_15 = tpu.vector_load %arg5[%swap3A_13, %swap3A_14] {strides = array<i32>} : memref<128x128xf32, #tpu.memory_space<vmem>>, vector<1x16xf32>,
    %swap3A_16 = vector.shape_cast %swap3A_15 : vector<1x16xf32> to vector<16xf32>
    %swap3A_17 = vector.shape_cast %broadcast_in_dim3A_6 : vector<16xf32> to vector<1x16xf32>
    tpu.vector_store %arg5[%swap3A_13, %swap3A_14], %swap3A_17 {strides = array<i32>} : memref<128x128xf32, #tpu.memory_space<vmem>>, vector<1x16xf32>,
    %swap3A_18 = arith.constant 0 : i32
    %swap3A_19 = arith.index_cast %swap3A_18 : i32 to index
    %swap3A_20 = arith.constant 32 : index
    %swap3A_21 = tpu.vector_load %arg5[%swap3A_19, %swap3A_20] {strides = array<i32>} : memref<128x128xf32, #tpu.memory_space<vmem>>, vector<1x16xf32>,
    %swap3A_22 = vector.shape_cast %swap3A_21 : vector<1x16xf32> to vector<16xf32>
    %swap3A_23 = vector.shape_cast %broadcast_in_dim3A_6 : vector<16xf32> to vector<1x16xf32>
    tpu.vector_store %arg5[%swap3A_19, %swap3A_20], %swap3A_23 {strides = array<i32>} : memref<128x128xf32, #tpu.memory_space<vmem>>, vector<1x16xf32>,
    %swap3A_24 = arith.constant 0 : i32
    %swap3A_25 = arith.index_cast %swap3A_24 : i32 to index
    %swap3A_26 = arith.constant 48 : index
    %swap3A_27 = tpu.vector_load %arg5[%swap3A_25, %swap3A_26] {strides = array<i32>} : memref<128x128xf32, #tpu.memory_space<vmem>>, vector<1x16xf32>,
    %swap3A_28 = vector.shape_cast %swap3A_27 : vector<1x16xf32> to vector<16xf32>
    %swap3A_29 = vector.shape_cast %broadcast_in_dim3A_6 : vector<16xf32> to vector<1x16xf32>
    tpu.vector_store %arg5[%swap3A_25, %swap3A_26], %swap3A_29 {strides = array<i32>} : memref<128x128xf32, #tpu.memory_space<vmem>>, vector<1x16xf32>,
    %swap3A_30 = arith.constant 0 : i32
    %swap3A_31 = arith.index_cast %swap3A_30 : i32 to index
    %swap3A_32 = arith.constant 64 : index
    %swap3A_33 = tpu.vector_load %arg5[%swap3A_31, %swap3A_32] {strides = array<i32>} : memref<128x128xf32, #tpu.memory_space<vmem>>, vector<1x16xf32>,
    %swap3A_34 = vector.shape_cast %swap3A_33 : vector<1x16xf32> to vector<16xf32>
    %swap3A_35 = vector.shape_cast %broadcast_in_dim3A_6 : vector<16xf32> to vector<1x16xf32>
    tpu.vector_store %arg5[%swap3A_31, %swap3A_32], %swap3A_35 {strides = array<i32>} : memref<128x128xf32, #tpu.memory_space<vmem>>, vector<1x16xf32>,
    %swap3A_36 = arith.constant 0 : i32
    %swap3A_37 = arith.index_cast %swap3A_36 : i32 to index
    %swap3A_38 = arith.constant 80 : index
    %swap3A_39 = tpu.vector_load %arg5[%swap3A_37, %swap3A_38] {strides = array<i32>} : memref<128x128xf32, #tpu.memory_space<vmem>>, vector<1x16xf32>,
    %swap3A_40 = vector.shape_cast %swap3A_39 : vector<1x16xf32> to vector<16xf32>
    %swap3A_41 = vector.shape_cast %broadcast_in_dim3A_6 : vector<16xf32> to vector<1x16xf32>
    tpu.vector_store %arg5[%swap3A_37, %swap3A_38], %swap3A_41 {strides = array<i32>} : memref<128x128xf32, #tpu.memory_space<vmem>>, vector<1x16xf32>,
    %swap3A_42 = arith.constant 0 : i32
    %swap3A_43 = arith.index_cast %swap3A_42 : i32 to index
    %swap3A_44 = arith.constant 96 : index
    %swap3A_45 = tpu.vector_load %arg5[%swap3A_43, %swap3A_44] {strides = array<i32>} : memref<128x128xf32, #tpu.memory_space<vmem>>, vector<1x16xf32>,
    %swap3A_46 = vector.shape_cast %swap3A_45 : vector<1x16xf32> to vector<16xf32>
    %swap3A_47 = vector.shape_cast %broadcast_in_dim3A_6 : vector<16xf32> to vector<1x16xf32>
    tpu.vector_store %arg5[%swap3A_43, %swap3A_44], %swap3A_47 {strides = array<i32>} : memref<128x128xf32, #tpu.memory_space<vmem>>, vector<1x16xf32>,
    %swap3A_48 = arith.constant 0 : i32
    %swap3A_49 = arith.index_cast %swap3A_48 : i32 to index
    %swap3A_50 = arith.constant 112 : index
    %swap3A_51 = tpu.vector_load %arg5[%swap3A_49, %swap3A_50] {strides = array<i32>} : memref<128x128xf32, #tpu.memory_space<vmem>>, vector<1x16xf32>,
    %swap3A_52 = vector.shape_cast %swap3A_51 : vector<1x16xf32> to vector<16xf32>
    %swap3A_53 = vector.shape_cast %broadcast_in_dim3A_6 : vector<16xf32> to vector<1x16xf32>
    tpu.vector_store %arg5[%swap3A_49, %swap3A_50], %swap3A_53 {strides = array<i32>} : memref<128x128xf32, #tpu.memory_space<vmem>>, vector<1x16xf32>,
    %swap3A_54 = arith.constant 1 : i32
    %swap3A_55 = arith.index_cast %swap3A_54 : i32 to index
    %swap3A_56 = arith.constant 0 : index
    %swap3A_57 = tpu.vector_load %arg5[%swap3A_55, %swap3A_56] {strides = array<i32>} : memref<128x128xf32, #tpu.memory_space<vmem>>, vector<1x16xf32>,
    %swap3A_58 = vector.shape_cast %swap3A_57 : vector<1x16xf32> to vector<16xf32>
    %swap3A_59 = vector.shape_cast %broadcast_in_dim3A_6 : vector<16xf32> to vector<1x16xf32>
    tpu.vector_store %arg5[%swap3A_55, %swap3A_56], %swap3A_59 {strides = array<i32>} : memref<128x128xf32, #tpu.memory_space<vmem>>, vector<1x16xf32>,
    %swap3A_60 = arith.constant 1 : i32
    %swap3A_61 = arith.index_cast %swap3A_60 : i32 to index
    %swap3A_62 = arith.constant 16 : index
    %swap3A_63 = tpu.vector_load %arg5[%swap3A_61, %swap3A_62] {strides = array<i32>} : memref<128x128xf32, #tpu.memory_space<vmem>>, vector<1x16xf32>,
    %swap3A_64 = vector.shape_cast %swap3A_63 : vector<1x16xf32> to vector<16xf32>
    %swap3A_65 = vector.shape_cast %broadcast_in_dim3A_6 : vector<16xf32> to vector<1x16xf32>
    tpu.vector_store %arg5[%swap3A_61, %swap3A_62], %swap3A_65 {strides = array<i32>} : memref<128x128xf32, #tpu.memory_space<vmem>>, vector<1x16xf32>,
    %swap3A_66 = arith.constant 1 : i32
    %swap3A_67 = arith.index_cast %swap3A_66 : i32 to index
    %swap3A_68 = arith.constant 32 : index
    %swap3A_69 = tpu.vector_load %arg5[%swap3A_67, %swap3A_68] {strides = array<i32>} : memref<128x128xf32, #tpu.memory_space<vmem>>, vector<1x16xf32>,
    %swap3A_70 = vector.shape_cast %swap3A_69 : vector<1x16xf32> to vector<16xf32>
    %swap3A_71 = vector.shape_cast %broadcast_in_dim3A_6 : vector<16xf32> to vector<1x16xf32>
    tpu.vector_store %arg5[%swap3A_67, %swap3A_68], %swap3A_71 {strides = array<i32>} : memref<128x128xf32, #tpu.memory_space<vmem>>, vector<1x16xf32>,
    %swap3A_72 = arith.constant 1 : i32
    %swap3A_73 = arith.index_cast %swap3A_72 : i32 to index
    %swap3A_74 = arith.constant 48 : index
    %swap3A_75 = tpu.vector_load %arg5[%swap3A_73, %swap3A_74] {strides = array<i32>} : memref<128x128xf32, #tpu.memory_space<vmem>>, vector<1x16xf32>,
    %swap3A_76 = vector.shape_cast %swap3A_75 : vector<1x16xf32> to vector<16xf32>
    %swap3A_77 = vector.shape_cast %broadcast_in_dim3A_6 : vector<16xf32> to vector<1x16xf32>
    tpu.vector_store %arg5[%swap3A_73, %swap3A_74], %swap3A_77 {strides = array<i32>} : memref<128x128xf32, #tpu.memory_space<vmem>>, vector<1x16xf32>,
    %swap3A_78 = arith.constant 1 : i32
    %swap3A_79 = arith.index_cast %swap3A_78 : i32 to index
    %swap3A_80 = arith.constant 64 : index
    %swap3A_81 = tpu.vector_load %arg5[%swap3A_79, %swap3A_80] {strides = array<i32>} : memref<128x128xf32, #tpu.memory_space<vmem>>, vector<1x16xf32>,
    %swap3A_82 = vector.shape_cast %swap3A_81 : vector<1x16xf32> to vector<16xf32>
    %swap3A_83 = vector.shape_cast %broadcast_in_dim3A_6 : vector<16xf32> to vector<1x16xf32>
    tpu.vector_store %arg5[%swap3A_79, %swap3A_80], %swap3A_83 {strides = array<i32>} : memref<128x128xf32, #tpu.memory_space<vmem>>, vector<1x16xf32>,
    %swap3A_84 = arith.constant 1 : i32
    %swap3A_85 = arith.index_cast %swap3A_84 : i32 to index
    %swap3A_86 = arith.constant 80 : index
    %swap3A_87 = tpu.vector_load %arg5[%swap3A_85, %swap3A_86] {strides = array<i32>} : memref<128x128xf32, #tpu.memory_space<vmem>>, vector<1x16xf32>,
    %swap3A_88 = vector.shape_cast %swap3A_87 : vector<1x16xf32> to vector<16xf32>
    %swap3A_89 = vector.shape_cast %broadcast_in_dim3A_6 : vector<16xf32> to vector<1x16xf32>
    tpu.vector_store %arg5[%swap3A_85, %swap3A_86], %swap3A_89 {strides = array<i32>} : memref<128x128xf32, #tpu.memory_space<vmem>>, vector<1x16xf32>,
    %swap3A_90 = arith.constant 1 : i32
    %swap3A_91 = arith.index_cast %swap3A_90 : i32 to index
    %swap3A_92 = arith.constant 96 : index
    %swap3A_93 = tpu.vector_load %arg5[%swap3A_91, %swap3A_92] {strides = array<i32>} : memref<128x128xf32, #tpu.memory_space<vmem>>, vector<1x16xf32>,
    %swap3A_94 = vector.shape_cast %swap3A_93 : vector<1x16xf32> to vector<16xf32>
    %swap3A_95 = vector.shape_cast %broadcast_in_dim3A_6 : vector<16xf32> to vector<1x16xf32>
    tpu.vector_store %arg5[%swap3A_91, %swap3A_92], %swap3A_95 {strides = array<i32>} : memref<128x128xf32, #tpu.memory_space<vmem>>, vector<1x16xf32>,
    %swap3A_96 = arith.constant 1 : i32
    %swap3A_97 = arith.index_cast %swap3A_96 : i32 to index
    %swap3A_98 = arith.constant 112 : index
    %swap3A_99 = tpu.vector_load %arg5[%swap3A_97, %swap3A_98] {strides = array<i32>} : memref<128x128xf32, #tpu.memory_space<vmem>>, vector<1x16xf32>,
    %swap3A_100 = vector.shape_cast %swap3A_99 : vector<1x16xf32> to vector<16xf32>
    %swap3A_101 = vector.shape_cast %broadcast_in_dim3A_6 : vector<16xf32> to vector<1x16xf32>
    tpu.vector_store %arg5[%swap3A_97, %swap3A_98], %swap3A_101 {strides = array<i32>} : memref<128x128xf32, #tpu.memory_space<vmem>>, vector<1x16xf32>,
    %swap3A_102 = arith.constant 2 : i32
    %swap3A_103 = arith.index_cast %swap3A_102 : i32 to index
    %swap3A_104 = arith.constant 0 : index
    %swap3A_105 = tpu.vector_load %arg5[%swap3A_103, %swap3A_104] {strides = array<i32>} : memref<128x128xf32, #tpu.memory_space<vmem>>, vector<1x16xf32>,
    %swap3A_106 = vector.shape_cast %swap3A_105 : vector<1x16xf32> to vector<16xf32>
    %swap3A_107 = vector.shape_cast %broadcast_in_dim3A_6 : vector<16xf32> to vector<1x16xf32>
    tpu.vector_store %arg5[%swap3A_103, %swap3A_104], %swap3A_107 {strides = array<i32>} : memref<128x128xf32, #tpu.memory_space<vmem>>, vector<1x16xf32>,
    %swap3A_108 = arith.constant 2 : i32
    %swap3A_109 = arith.index_cast %swap3A_108 : i32 to index
    %swap3A_110 = arith.constant 16 : index
    %swap3A_111 = tpu.vector_load %arg5[%swap3A_109, %swap3A_110] {strides = array<i32>} : memref<128x128xf32, #tpu.memory_space<vmem>>, vector<1x16xf32>,
    %swap3A_112 = vector.shape_cast %swap3A_111 : vector<1x16xf32> to vector<16xf32>
    %swap3A_113 = vector.shape_cast %broadcast_in_dim3A_6 : vector<16xf32> to vector<1x16xf32>
    tpu.vector_store %arg5[%swap3A_109, %swap3A_110], %swap3A_113 {strides = array<i32>} : memref<128x128xf32, #tpu.memory_space<vmem>>, vector<1x16xf32>,
    %swap3A_114 = arith.constant 2 : i32
    %swap3A_115 = arith.index_cast %swap3A_114 : i32 to index
    %swap3A_116 = arith.constant 32 : index
    %swap3A_117 = tpu.vector_load %arg5[%swap3A_115, %swap3A_116] {strides = array<i32>} : memref<128x128xf32, #tpu.memory_space<vmem>>, vector<1x16xf32>,
    %swap3A_118 = vector.shape_cast %swap3A_117 : vector<1x16xf32> to vector<16xf32>
    %swap3A_119 = vector.shape_cast %broadcast_in_dim3A_6 : vector<16xf32> to vector<1x16xf32>
    tpu.vector_store %arg5[%swap3A_115, %swap3A_116], %swap3A_119 {strides = array<i32>} : memref<128x128xf32, #tpu.memory_space<vmem>>, vector<1x16xf32>,
    %swap3A_120 = arith.constant 2 : i32
    %swap3A_121 = arith.index_cast %swap3A_120 : i32 to index
    %swap3A_122 = arith.constant 48 : index
    %swap3A_123 = tpu.vector_load %arg5[%swap3A_121, %swap3A_122] {strides = array<i32>} : memref<128x128xf32, #tpu.memory_space<vmem>>, vector<1x16xf32>,
    %swap3A_124 = vector.shape_cast %swap3A_123 : vector<1x16xf32> to vector<16xf32>
    %swap3A_125 = vector.shape_cast %broadcast_in_dim3A_6 : vector<16xf32> to vector<1x16xf32>
    tpu.vector_store %arg5[%swap3A_121, %swap3A_122], %swap3A_125 {strides = array<i32>} : memref<128x128xf32, #tpu.memory_space<vmem>>, vector<1x16xf32>,
    %swap3A_126 = arith.constant 2 : i32
    %swap3A_127 = arith.index_cast %swap3A_126 : i32 to index
    %swap3A_128 = arith.constant 64 : index
    %swap3A_129 = tpu.vector_load %arg5[%swap3A_127, %swap3A_128] {strides = array<i32>} : memref<128x128xf32, #tpu.memory_space<vmem>>, vector<1x16xf32>,
    %swap3A_130 = vector.shape_cast %swap3A_129 : vector<1x16xf32> to vector<16xf32>
    %swap3A_131 = vector.shape_cast %broadcast_in_dim3A_6 : vector<16xf32> to vector<1x16xf32>
    tpu.vector_store %arg5[%swap3A_127, %swap3A_128], %swap3A_131 {strides = array<i32>} : memref<128x128xf32, #tpu.memory_space<vmem>>, vector<1x16xf32>,
    %swap3A_132 = arith.constant 2 : i32
    %swap3A_133 = arith.index_cast %swap3A_132 : i32 to index
    %swap3A_134 = arith.constant 80 : index
    %swap3A_135 = tpu.vector_load %arg5[%swap3A_133, %swap3A_134] {strides = array<i32>} : memref<128x128xf32, #tpu.memory_space<vmem>>, vector<1x16xf32>,
    %swap3A_136 = vector.shape_cast %swap3A_135 : vector<1x16xf32> to vector<16xf32>
    %swap3A_137 = vector.shape_cast %broadcast_in_dim3A_6 : vector<16xf32> to vector<1x16xf32>
    tpu.vector_store %arg5[%swap3A_133, %swap3A_134], %swap3A_137 {strides = array<i32>} : memref<128x128xf32, #tpu.memory_space<vmem>>, vector<1x16xf32>,
    %swap3A_138 = arith.constant 2 : i32
    %swap3A_139 = arith.index_cast %swap3A_138 : i32 to index
    %swap3A_140 = arith.constant 96 : index
    %swap3A_141 = tpu.vector_load %arg5[%swap3A_139, %swap3A_140] {strides = array<i32>} : memref<128x128xf32, #tpu.memory_space<vmem>>, vector<1x16xf32>,
    %swap3A_142 = vector.shape_cast %swap3A_141 : vector<1x16xf32> to vector<16xf32>
    %swap3A_143 = vector.shape_cast %broadcast_in_dim3A_6 : vector<16xf32> to vector<1x16xf32>
    tpu.vector_store %arg5[%swap3A_139, %swap3A_140], %swap3A_143 {strides = array<i32>} : memref<128x128xf32, #tpu.memory_space<vmem>>, vector<1x16xf32>,
    %swap3A_144 = arith.constant 2 : i32
    %swap3A_145 = arith.index_cast %swap3A_144 : i32 to index
    %swap3A_146 = arith.constant 112 : index
    %swap3A_147 = tpu.vector_load %arg5[%swap3A_145, %swap3A_146] {strides = array<i32>} : memref<128x128xf32, #tpu.memory_space<vmem>>, vector<1x16xf32>,
    %swap3A_148 = vector.shape_cast %swap3A_147 : vector<1x16xf32> to vector<16xf32>
    %swap3A_149 = vector.shape_cast %broadcast_in_dim3A_6 : vector<16xf32> to vector<1x16xf32>
    tpu.vector_store %arg5[%swap3A_145, %swap3A_146], %swap3A_149 {strides = array<i32>} : memref<128x128xf32, #tpu.memory_space<vmem>>, vector<1x16xf32>,
    %swap3A_150 = arith.constant 3 : i32
    %swap3A_151 = arith.index_cast %swap3A_150 : i32 to index
    %swap3A_152 = arith.constant 0 : index
    %swap3A_153 = tpu.vector_load %arg5[%swap3A_151, %swap3A_152] {strides = array<i32>} : memref<128x128xf32, #tpu.memory_space<vmem>>, vector<1x16xf32>,
    %swap3A_154 = vector.shape_cast %swap3A_153 : vector<1x16xf32> to vector<16xf32>
    %swap3A_155 = vector.shape_cast %broadcast_in_dim3A_6 : vector<16xf32> to vector<1x16xf32>
    tpu.vector_store %arg5[%swap3A_151, %swap3A_152], %swap3A_155 {strides = array<i32>} : memref<128x128xf32, #tpu.memory_space<vmem>>, vector<1x16xf32>,
    %swap3A_156 = arith.constant 3 : i32
    %swap3A_157 = arith.index_cast %swap3A_156 : i32 to index
    %swap3A_158 = arith.constant 16 : index
    %swap3A_159 = tpu.vector_load %arg5[%swap3A_157, %swap3A_158] {strides = array<i32>} : memref<128x128xf32, #tpu.memory_space<vmem>>, vector<1x16xf32>,
    %swap3A_160 = vector.shape_cast %swap3A_159 : vector<1x16xf32> to vector<16xf32>
    %swap3A_161 = vector.shape_cast %broadcast_in_dim3A_6 : vector<16xf32> to vector<1x16xf32>
    tpu.vector_store %arg5[%swap3A_157, %swap3A_158], %swap3A_161 {strides = array<i32>} : memref<128x128xf32, #tpu.memory_space<vmem>>, vector<1x16xf32>,
    %swap3A_162 = arith.constant 3 : i32
    %swap3A_163 = arith.index_cast %swap3A_162 : i32 to index
    %swap3A_164 = arith.constant 32 : index
    %swap3A_165 = tpu.vector_load %arg5[%swap3A_163, %swap3A_164] {strides = array<i32>} : memref<128x128xf32, #tpu.memory_space<vmem>>, vector<1x16xf32>,
    %swap3A_166 = vector.shape_cast %swap3A_165 : vector<1x16xf32> to vector<16xf32>
    %swap3A_167 = vector.shape_cast %broadcast_in_dim3A_6 : vector<16xf32> to vector<1x16xf32>
    tpu.vector_store %arg5[%swap3A_163, %swap3A_164], %swap3A_167 {strides = array<i32>} : memref<128x128xf32, #tpu.memory_space<vmem>>, vector<1x16xf32>,
    %swap3A_168 = arith.constant 3 : i32
    %swap3A_169 = arith.index_cast %swap3A_168 : i32 to index
    %swap3A_170 = arith.constant 48 : index
    %swap3A_171 = tpu.vector_load %arg5[%swap3A_169, %swap3A_170] {strides = array<i32>} : memref<128x128xf32, #tpu.memory_space<vmem>>, vector<1x16xf32>,
    %swap3A_172 = vector.shape_cast %swap3A_171 : vector<1x16xf32> to vector<16xf32>
    %swap3A_173 = vector.shape_cast %broadcast_in_dim3A_6 : vector<16xf32> to vector<1x16xf32>
    tpu.vector_store %arg5[%swap3A_169, %swap3A_170], %swap3A_173 {strides = array<i32>} : memref<128x128xf32, #tpu.memory_space<vmem>>, vector<1x16xf32>,
    %swap3A_174 = arith.constant 3 : i32
    %swap3A_175 = arith.index_cast %swap3A_174 : i32 to index
    %swap3A_176 = arith.constant 64 : index
    %swap3A_177 = tpu.vector_load %arg5[%swap3A_175, %swap3A_176] {strides = array<i32>} : memref<128x128xf32, #tpu.memory_space<vmem>>, vector<1x16xf32>,
    %swap3A_178 = vector.shape_cast %swap3A_177 : vector<1x16xf32> to vector<16xf32>
    %swap3A_179 = vector.shape_cast %broadcast_in_dim3A_6 : vector<16xf32> to vector<1x16xf32>
    tpu.vector_store %arg5[%swap3A_175, %swap3A_176], %swap3A_179 {strides = array<i32>} : memref<128x128xf32, #tpu.memory_space<vmem>>, vector<1x16xf32>,
    %swap3A_180 = arith.constant 3 : i32
    %swap3A_181 = arith.index_cast %swap3A_180 : i32 to index
    %swap3A_182 = arith.constant 80 : index
    %swap3A_183 = tpu.vector_load %arg5[%swap3A_181, %swap3A_182] {strides = array<i32>} : memref<128x128xf32, #tpu.memory_space<vmem>>, vector<1x16xf32>,
    %swap3A_184 = vector.shape_cast %swap3A_183 : vector<1x16xf32> to vector<16xf32>
    %swap3A_185 = vector.shape_cast %broadcast_in_dim3A_6 : vector<16xf32> to vector<1x16xf32>
    tpu.vector_store %arg5[%swap3A_181, %swap3A_182], %swap3A_185 {strides = array<i32>} : memref<128x128xf32, #tpu.memory_space<vmem>>, vector<1x16xf32>,
    %swap3A_186 = arith.constant 3 : i32
    %swap3A_187 = arith.index_cast %swap3A_186 : i32 to index
    %swap3A_188 = arith.constant 96 : index
    %swap3A_189 = tpu.vector_load %arg5[%swap3A_187, %swap3A_188] {strides = array<i32>} : memref<128x128xf32, #tpu.memory_space<vmem>>, vector<1x16xf32>,
    %swap3A_190 = vector.shape_cast %swap3A_189 : vector<1x16xf32> to vector<16xf32>
    %swap3A_191 = vector.shape_cast %broadcast_in_dim3A_6 : vector<16xf32> to vector<1x16xf32>
    tpu.vector_store %arg5[%swap3A_187, %swap3A_188], %swap3A_191 {strides = array<i32>} : memref<128x128xf32, #tpu.memory_space<vmem>>, vector<1x16xf32>,
    %swap3A_192 = arith.constant 3 : i32
    %swap3A_193 = arith.index_cast %swap3A_192 : i32 to index
    %swap3A_194 = arith.constant 112 : index
    %swap3A_195 = tpu.vector_load %arg5[%swap3A_193, %swap3A_194] {strides = array<i32>} : memref<128x128xf32, #tpu.memory_space<vmem>>, vector<1x16xf32>,
    %swap3A_196 = vector.shape_cast %swap3A_195 : vector<1x16xf32> to vector<16xf32>
    %swap3A_197 = vector.shape_cast %broadcast_in_dim3A_6 : vector<16xf32> to vector<1x16xf32>
    tpu.vector_store %arg5[%swap3A_193, %swap3A_194], %swap3A_197 {strides = array<i32>} : memref<128x128xf32, #tpu.memory_space<vmem>>, vector<1x16xf32>,
    %swap3A_198 = arith.constant 4 : i32
    %swap3A_199 = arith.index_cast %swap3A_198 : i32 to index
    %swap3A_200 = arith.constant 0 : index
    %swap3A_201 = tpu.vector_load %arg5[%swap3A_199, %swap3A_200] {strides = array<i32>} : memref<128x128xf32, #tpu.memory_space<vmem>>, vector<1x16xf32>,
    %swap3A_202 = vector.shape_cast %swap3A_201 : vector<1x16xf32> to vector<16xf32>
    %swap3A_203 = vector.shape_cast %broadcast_in_dim3A_6 : vector<16xf32> to vector<1x16xf32>
    tpu.vector_store %arg5[%swap3A_199, %swap3A_200], %swap3A_203 {strides = array<i32>} : memref<128x128xf32, #tpu.memory_space<vmem>>, vector<1x16xf32>,
    %swap3A_204 = arith.constant 4 : i32
    %swap3A_205 = arith.index_cast %swap3A_204 : i32 to index
    %swap3A_206 = arith.constant 16 : index
    %swap3A_207 = tpu.vector_load %arg5[%swap3A_205, %swap3A_206] {strides = array<i32>} : memref<128x128xf32, #tpu.memory_space<vmem>>, vector<1x16xf32>,
    %swap3A_208 = vector.shape_cast %swap3A_207 : vector<1x16xf32> to vector<16xf32>
    %swap3A_209 = vector.shape_cast %broadcast_in_dim3A_6 : vector<16xf32> to vector<1x16xf32>
    tpu.vector_store %arg5[%swap3A_205, %swap3A_206], %swap3A_209 {strides = array<i32>} : memref<128x128xf32, #tpu.memory_space<vmem>>, vector<1x16xf32>,
    %swap3A_210 = arith.constant 4 : i32
    %swap3A_211 = arith.index_cast %swap3A_210 : i32 to index
    %swap3A_212 = arith.constant 32 : index
    %swap3A_213 = tpu.vector_load %arg5[%swap3A_211, %swap3A_212] {strides = array<i32>} : memref<128x128xf32, #tpu.memory_space<vmem>>, vector<1x16xf32>,
    %swap3A_214 = vector.shape_cast %swap3A_213 : vector<1x16xf32> to vector<16xf32>
    %swap3A_215 = vector.shape_cast %broadcast_in_dim3A_6 : vector<16xf32> to vector<1x16xf32>
    tpu.vector_store %arg5[%swap3A_211, %swap3A_212], %swap3A_215 {strides = array<i32>} : memref<128x128xf32, #tpu.memory_space<vmem>>, vector<1x16xf32>,
    %swap3A_216 = arith.constant 4 : i32
    %swap3A_217 = arith.index_cast %swap3A_216 : i32 to index
    %swap3A_218 = arith.constant 48 : index
    %swap3A_219 = tpu.vector_load %arg5[%swap3A_217, %swap3A_218] {strides = array<i32>} : memref<128x128xf32, #tpu.memory_space<vmem>>, vector<1x16xf32>,
    %swap3A_220 = vector.shape_cast %swap3A_219 : vector<1x16xf32> to vector<16xf32>
    %swap3A_221 = vector.shape_cast %broadcast_in_dim3A_6 : vector<16xf32> to vector<1x16xf32>
    tpu.vector_store %arg5[%swap3A_217, %swap3A_218], %swap3A_221 {strides = array<i32>} : memref<128x128xf32, #tpu.memory_space<vmem>>, vector<1x16xf32>,
    %swap3A_222 = arith.constant 4 : i32
    %swap3A_223 = arith.index_cast %swap3A_222 : i32 to index
    %swap3A_224 = arith.constant 64 : index
    %swap3A_225 = tpu.vector_load %arg5[%swap3A_223, %swap3A_224] {strides = array<i32>} : memref<128x128xf32, #tpu.memory_space<vmem>>, vector<1x16xf32>,
    %swap3A_226 = vector.shape_cast %swap3A_225 : vector<1x16xf32> to vector<16xf32>
    %swap3A_227 = vector.shape_cast %broadcast_in_dim3A_6 : vector<16xf32> to vector<1x16xf32>
    tpu.vector_store %arg5[%swap3A_223, %swap3A_224], %swap3A_227 {strides = array<i32>} : memref<128x128xf32, #tpu.memory_space<vmem>>, vector<1x16xf32>,
    %swap3A_228 = arith.constant 4 : i32
    %swap3A_229 = arith.index_cast %swap3A_228 : i32 to index
    %swap3A_230 = arith.constant 80 : index
    %swap3A_231 = tpu.vector_load %arg5[%swap3A_229, %swap3A_230] {strides = array<i32>} : memref<128x128xf32, #tpu.memory_space<vmem>>, vector<1x16xf32>,
    %swap3A_232 = vector.shape_cast %swap3A_231 : vector<1x16xf32> to vector<16xf32>
    %swap3A_233 = vector.shape_cast %broadcast_in_dim3A_6 : vector<16xf32> to vector<1x16xf32>
    tpu.vector_store %arg5[%swap3A_229, %swap3A_230], %swap3A_233 {strides = array<i32>} : memref<128x128xf32, #tpu.memory_space<vmem>>, vector<1x16xf32>,
    %swap3A_234 = arith.constant 4 : i32
    %swap3A_235 = arith.index_cast %swap3A_234 : i32 to index
    %swap3A_236 = arith.constant 96 : index
    %swap3A_237 = tpu.vector_load %arg5[%swap3A_235, %swap3A_236] {strides = array<i32>} : memref<128x128xf32, #tpu.memory_space<vmem>>, vector<1x16xf32>,
    %swap3A_238 = vector.shape_cast %swap3A_237 : vector<1x16xf32> to vector<16xf32>
    %swap3A_239 = vector.shape_cast %broadcast_in_dim3A_6 : vector<16xf32> to vector<1x16xf32>
    tpu.vector_store %arg5[%swap3A_235, %swap3A_236], %swap3A_239 {strides = array<i32>} : memref<128x128xf32, #tpu.memory_space<vmem>>, vector<1x16xf32>,
    %swap3A_240 = arith.constant 4 : i32
    %swap3A_241 = arith.index_cast %swap3A_240 : i32 to index
    %swap3A_242 = arith.constant 112 : index
    %swap3A_243 = tpu.vector_load %arg5[%swap3A_241, %swap3A_242] {strides = array<i32>} : memref<128x128xf32, #tpu.memory_space<vmem>>, vector<1x16xf32>,
    %swap3A_244 = vector.shape_cast %swap3A_243 : vector<1x16xf32> to vector<16xf32>
    %swap3A_245 = vector.shape_cast %broadcast_in_dim3A_6 : vector<16xf32> to vector<1x16xf32>
    tpu.vector_store %arg5[%swap3A_241, %swap3A_242], %swap3A_245 {strides = array<i32>} : memref<128x128xf32, #tpu.memory_space<vmem>>, vector<1x16xf32>,
    %swap3A_246 = arith.constant 5 : i32
    %swap3A_247 = arith.index_cast %swap3A_246 : i32 to index
    %swap3A_248 = arith.constant 0 : index
    %swap3A_249 = tpu.vector_load %arg5[%swap3A_247, %swap3A_248] {strides = array<i32>} : memref<128x128xf32, #tpu.memory_space<vmem>>, vector<1x16xf32>,
    %swap3A_250 = vector.shape_cast %swap3A_249 : vector<1x16xf32> to vector<16xf32>
    %swap3A_251 = vector.shape_cast %broadcast_in_dim3A_6 : vector<16xf32> to vector<1x16xf32>
    tpu.vector_store %arg5[%swap3A_247, %swap3A_248], %swap3A_251 {strides = array<i32>} : memref<128x128xf32, #tpu.memory_space<vmem>>, vector<1x16xf32>,
    %swap3A_252 = arith.constant 5 : i32
    %swap3A_253 = arith.index_cast %swap3A_252 : i32 to index
    %swap3A_254 = arith.constant 16 : index
    %swap3A_255 = tpu.vector_load %arg5[%swap3A_253, %swap3A_254] {strides = array<i32>} : memref<128x128xf32, #tpu.memory_space<vmem>>, vector<1x16xf32>,
    %swap3A_256 = vector.shape_cast %swap3A_255 : vector<1x16xf32> to vector<16xf32>
    %swap3A_257 = vector.shape_cast %broadcast_in_dim3A_6 : vector<16xf32> to vector<1x16xf32>
    tpu.vector_store %arg5[%swap3A_253, %swap3A_254], %swap3A_257 {strides = array<i32>} : memref<128x128xf32, #tpu.memory_space<vmem>>, vector<1x16xf32>,
    %swap3A_258 = arith.constant 5 : i32
    %swap3A_259 = arith.index_cast %swap3A_258 : i32 to index
    %swap3A_260 = arith.constant 32 : index
    %swap3A_261 = tpu.vector_load %arg5[%swap3A_259, %swap3A_260] {strides = array<i32>} : memref<128x128xf32, #tpu.memory_space<vmem>>, vector<1x16xf32>,
    %swap3A_262 = vector.shape_cast %swap3A_261 : vector<1x16xf32> to vector<16xf32>
    %swap3A_263 = vector.shape_cast %broadcast_in_dim3A_6 : vector<16xf32> to vector<1x16xf32>
    tpu.vector_store %arg5[%swap3A_259, %swap3A_260], %swap3A_263 {strides = array<i32>} : memref<128x128xf32, #tpu.memory_space<vmem>>, vector<1x16xf32>,
    %swap3A_264 = arith.constant 5 : i32
    %swap3A_265 = arith.index_cast %swap3A_264 : i32 to index
    %swap3A_266 = arith.constant 48 : index
    %swap3A_267 = tpu.vector_load %arg5[%swap3A_265, %swap3A_266] {strides = array<i32>} : memref<128x128xf32, #tpu.memory_space<vmem>>, vector<1x16xf32>,
    %swap3A_268 = vector.shape_cast %swap3A_267 : vector<1x16xf32> to vector<16xf32>
    %swap3A_269 = vector.shape_cast %broadcast_in_dim3A_6 : vector<16xf32> to vector<1x16xf32>
    tpu.vector_store %arg5[%swap3A_265, %swap3A_266], %swap3A_269 {strides = array<i32>} : memref<128x128xf32, #tpu.memory_space<vmem>>, vector<1x16xf32>,
    %swap3A_270 = arith.constant 5 : i32
    %swap3A_271 = arith.index_cast %swap3A_270 : i32 to index
    %swap3A_272 = arith.constant 64 : index
    %swap3A_273 = tpu.vector_load %arg5[%swap3A_271, %swap3A_272] {strides = array<i32>} : memref<128x128xf32, #tpu.memory_space<vmem>>, vector<1x16xf32>,
    %swap3A_274 = vector.shape_cast %swap3A_273 : vector<1x16xf32> to vector<16xf32>
    %swap3A_275 = vector.shape_cast %broadcast_in_dim3A_6 : vector<16xf32> to vector<1x16xf32>
    tpu.vector_store %arg5[%swap3A_271, %swap3A_272], %swap3A_275 {strides = array<i32>} : memref<128x128xf32, #tpu.memory_space<vmem>>, vector<1x16xf32>,
    %swap3A_276 = arith.constant 5 : i32
    %swap3A_277 = arith.index_cast %swap3A_276 : i32 to index
    %swap3A_278 = arith.constant 80 : index
    %swap3A_279 = tpu.vector_load %arg5[%swap3A_277, %swap3A_278] {strides = array<i32>} : memref<128x128xf32, #tpu.memory_space<vmem>>, vector<1x16xf32>,
    %swap3A_280 = vector.shape_cast %swap3A_279 : vector<1x16xf32> to vector<16xf32>
    %swap3A_281 = vector.shape_cast %broadcast_in_dim3A_6 : vector<16xf32> to vector<1x16xf32>
    tpu.vector_store %arg5[%swap3A_277, %swap3A_278], %swap3A_281 {strides = array<i32>} : memref<128x128xf32, #tpu.memory_space<vmem>>, vector<1x16xf32>,
    %swap3A_282 = arith.constant 5 : i32
    %swap3A_283 = arith.index_cast %swap3A_282 : i32 to index
    %swap3A_284 = arith.constant 96 : index
    %swap3A_285 = tpu.vector_load %arg5[%swap3A_283, %swap3A_284] {strides = array<i32>} : memref<128x128xf32, #tpu.memory_space<vmem>>, vector<1x16xf32>,
    %swap3A_286 = vector.shape_cast %swap3A_285 : vector<1x16xf32> to vector<16xf32>
    %swap3A_287 = vector.shape_cast %broadcast_in_dim3A_6 : vector<16xf32> to vector<1x16xf32>
    tpu.vector_store %arg5[%swap3A_283, %swap3A_284], %swap3A_287 {strides = array<i32>} : memref<128x128xf32, #tpu.memory_space<vmem>>, vector<1x16xf32>,
    %swap3A_288 = arith.constant 5 : i32
    %swap3A_289 = arith.index_cast %swap3A_288 : i32 to index
    %swap3A_290 = arith.constant 112 : index
    %swap3A_291 = tpu.vector_load %arg5[%swap3A_289, %swap3A_290] {strides = array<i32>} : memref<128x128xf32, #tpu.memory_space<vmem>>, vector<1x16xf32>,
    %swap3A_292 = vector.shape_cast %swap3A_291 : vector<1x16xf32> to vector<16xf32>
    %swap3A_293 = vector.shape_cast %broadcast_in_dim3A_6 : vector<16xf32> to vector<1x16xf32>
    tpu.vector_store %arg5[%swap3A_289, %swap3A_290], %swap3A_293 {strides = array<i32>} : memref<128x128xf32, #tpu.memory_space<vmem>>, vector<1x16xf32>,
    %swap3A_294 = arith.constant 6 : i32
    %swap3A_295 = arith.index_cast %swap3A_294 : i32 to index
    %swap3A_296 = arith.constant 0 : index
    %swap3A_297 = tpu.vector_load %arg5[%swap3A_295, %swap3A_296] {strides = array<i32>} : memref<128x128xf32, #tpu.memory_space<vmem>>, vector<1x16xf32>,
    %swap3A_298 = vector.shape_cast %swap3A_297 : vector<1x16xf32> to vector<16xf32>
    %swap3A_299 = vector.shape_cast %broadcast_in_dim3A_6 : vector<16xf32> to vector<1x16xf32>
    tpu.vector_store %arg5[%swap3A_295, %swap3A_296], %swap3A_299 {strides = array<i32>} : memref<128x128xf32, #tpu.memory_space<vmem>>, vector<1x16xf32>,
    %swap3A_300 = arith.constant 6 : i32
    %swap3A_301 = arith.index_cast %swap3A_300 : i32 to index
    %swap3A_302 = arith.constant 16 : index
    %swap3A_303 = tpu.vector_load %arg5[%swap3A_301, %swap3A_302] {strides = array<i32>} : memref<128x128xf32, #tpu.memory_space<vmem>>, vector<1x16xf32>,
    %swap3A_304 = vector.shape_cast %swap3A_303 : vector<1x16xf32> to vector<16xf32>
    %swap3A_305 = vector.shape_cast %broadcast_in_dim3A_6 : vector<16xf32> to vector<1x16xf32>
    tpu.vector_store %arg5[%swap3A_301, %swap3A_302], %swap3A_305 {strides = array<i32>} : memref<128x128xf32, #tpu.memory_space<vmem>>, vector<1x16xf32>,
    %swap3A_306 = arith.constant 6 : i32
    %swap3A_307 = arith.index_cast %swap3A_306 : i32 to index
    %swap3A_308 = arith.constant 32 : index
    %swap3A_309 = tpu.vector_load %arg5[%swap3A_307, %swap3A_308] {strides = array<i32>} : memref<128x128xf32, #tpu.memory_space<vmem>>, vector<1x16xf32>,
    %swap3A_310 = vector.shape_cast %swap3A_309 : vector<1x16xf32> to vector<16xf32>
    %swap3A_311 = vector.shape_cast %broadcast_in_dim3A_6 : vector<16xf32> to vector<1x16xf32>
    tpu.vector_store %arg5[%swap3A_307, %swap3A_308], %swap3A_311 {strides = array<i32>} : memref<128x128xf32, #tpu.memory_space<vmem>>, vector<1x16xf32>,
    %swap3A_312 = arith.constant 6 : i32
    %swap3A_313 = arith.index_cast %swap3A_312 : i32 to index
    %swap3A_314 = arith.constant 48 : index
    %swap3A_315 = tpu.vector_load %arg5[%swap3A_313, %swap3A_314] {strides = array<i32>} : memref<128x128xf32, #tpu.memory_space<vmem>>, vector<1x16xf32>,
    %swap3A_316 = vector.shape_cast %swap3A_315 : vector<1x16xf32> to vector<16xf32>
    %swap3A_317 = vector.shape_cast %broadcast_in_dim3A_6 : vector<16xf32> to vector<1x16xf32>
    tpu.vector_store %arg5[%swap3A_313, %swap3A_314], %swap3A_317 {strides = array<i32>} : memref<128x128xf32, #tpu.memory_space<vmem>>, vector<1x16xf32>,
    %swap3A_318 = arith.constant 6 : i32
    %swap3A_319 = arith.index_cast %swap3A_318 : i32 to index
    %swap3A_320 = arith.constant 64 : index
    %swap3A_321 = tpu.vector_load %arg5[%swap3A_319, %swap3A_320] {strides = array<i32>} : memref<128x128xf32, #tpu.memory_space<vmem>>, vector<1x16xf32>,
    %swap3A_322 = vector.shape_cast %swap3A_321 : vector<1x16xf32> to vector<16xf32>
    %swap3A_323 = vector.shape_cast %broadcast_in_dim3A_6 : vector<16xf32> to vector<1x16xf32>
    tpu.vector_store %arg5[%swap3A_319, %swap3A_320], %swap3A_323 {strides = array<i32>} : memref<128x128xf32, #tpu.memory_space<vmem>>, vector<1x16xf32>,
    %swap3A_324 = arith.constant 6 : i32
    %swap3A_325 = arith.index_cast %swap3A_324 : i32 to index
    %swap3A_326 = arith.constant 80 : index
    %swap3A_327 = tpu.vector_load %arg5[%swap3A_325, %swap3A_326] {strides = array<i32>} : memref<128x128xf32, #tpu.memory_space<vmem>>, vector<1x16xf32>,
    %swap3A_328 = vector.shape_cast %swap3A_327 : vector<1x16xf32> to vector<16xf32>
    %swap3A_329 = vector.shape_cast %broadcast_in_dim3A_6 : vector<16xf32> to vector<1x16xf32>
    tpu.vector_store %arg5[%swap3A_325, %swap3A_326], %swap3A_329 {strides = array<i32>} : memref<128x128xf32, #tpu.memory_space<vmem>>, vector<1x16xf32>,
    %swap3A_330 = arith.constant 6 : i32
    %swap3A_331 = arith.index_cast %swap3A_330 : i32 to index
    %swap3A_332 = arith.constant 96 : index
    %swap3A_333 = tpu.vector_load %arg5[%swap3A_331, %swap3A_332] {strides = array<i32>} : memref<128x128xf32, #tpu.memory_space<vmem>>, vector<1x16xf32>,
    %swap3A_334 = vector.shape_cast %swap3A_333 : vector<1x16xf32> to vector<16xf32>
    %swap3A_335 = vector.shape_cast %broadcast_in_dim3A_6 : vector<16xf32> to vector<1x16xf32>
    tpu.vector_store %arg5[%swap3A_331, %swap3A_332], %swap3A_335 {strides = array<i32>} : memref<128x128xf32, #tpu.memory_space<vmem>>, vector<1x16xf32>,
    %swap3A_336 = arith.constant 6 : i32
    %swap3A_337 = arith.index_cast %swap3A_336 : i32 to index
    %swap3A_338 = arith.constant 112 : index
    %swap3A_339 = tpu.vector_load %arg5[%swap3A_337, %swap3A_338] {strides = array<i32>} : memref<128x128xf32, #tpu.memory_space<vmem>>, vector<1x16xf32>,
    %swap3A_340 = vector.shape_cast %swap3A_339 : vector<1x16xf32> to vector<16xf32>
    %swap3A_341 = vector.shape_cast %broadcast_in_dim3A_6 : vector<16xf32> to vector<1x16xf32>
    tpu.vector_store %arg5[%swap3A_337, %swap3A_338], %swap3A_341 {strides = array<i32>} : memref<128x128xf32, #tpu.memory_space<vmem>>, vector<1x16xf32>,
    %swap3A_342 = arith.constant 7 : i32
    %swap3A_343 = arith.index_cast %swap3A_342 : i32 to index
    %swap3A_344 = arith.constant 0 : index
    %swap3A_345 = tpu.vector_load %arg5[%swap3A_343, %swap3A_344] {strides = array<i32>} : memref<128x128xf32, #tpu.memory_space<vmem>>, vector<1x16xf32>,
    %swap3A_346 = vector.shape_cast %swap3A_345 : vector<1x16xf32> to vector<16xf32>
    %swap3A_347 = vector.shape_cast %broadcast_in_dim3A_6 : vector<16xf32> to vector<1x16xf32>
    tpu.vector_store %arg5[%swap3A_343, %swap3A_344], %swap3A_347 {strides = array<i32>} : memref<128x128xf32, #tpu.memory_space<vmem>>, vector<1x16xf32>,
    %swap3A_348 = arith.constant 7 : i32
    %swap3A_349 = arith.index_cast %swap3A_348 : i32 to index
    %swap3A_350 = arith.constant 16 : index
    %swap3A_351 = tpu.vector_load %arg5[%swap3A_349, %swap3A_350] {strides = array<i32>} : memref<128x128xf32, #tpu.memory_space<vmem>>, vector<1x16xf32>,
    %swap3A_352 = vector.shape_cast %swap3A_351 : vector<1x16xf32> to vector<16xf32>
    %swap3A_353 = vector.shape_cast %broadcast_in_dim3A_6 : vector<16xf32> to vector<1x16xf32>
    tpu.vector_store %arg5[%swap3A_349, %swap3A_350], %swap3A_353 {strides = array<i32>} : memref<128x128xf32, #tpu.memory_space<vmem>>, vector<1x16xf32>,
    %swap3A_354 = arith.constant 7 : i32
    %swap3A_355 = arith.index_cast %swap3A_354 : i32 to index
    %swap3A_356 = arith.constant 32 : index
    %swap3A_357 = tpu.vector_load %arg5[%swap3A_355, %swap3A_356] {strides = array<i32>} : memref<128x128xf32, #tpu.memory_space<vmem>>, vector<1x16xf32>,
    %swap3A_358 = vector.shape_cast %swap3A_357 : vector<1x16xf32> to vector<16xf32>
    %swap3A_359 = vector.shape_cast %broadcast_in_dim3A_6 : vector<16xf32> to vector<1x16xf32>
    tpu.vector_store %arg5[%swap3A_355, %swap3A_356], %swap3A_359 {strides = array<i32>} : memref<128x128xf32, #tpu.memory_space<vmem>>, vector<1x16xf32>,
    %swap3A_360 = arith.constant 7 : i32
    %swap3A_361 = arith.index_cast %swap3A_360 : i32 to index
    %swap3A_362 = arith.constant 48 : index
    %swap3A_363 = tpu.vector_load %arg5[%swap3A_361, %swap3A_362] {strides = array<i32>} : memref<128x128xf32, #tpu.memory_space<vmem>>, vector<1x16xf32>,
    %swap3A_364 = vector.shape_cast %swap3A_363 : vector<1x16xf32> to vector<16xf32>
    %swap3A_365 = vector.shape_cast %broadcast_in_dim3A_6 : vector<16xf32> to vector<1x16xf32>
    tpu.vector_store %arg5[%swap3A_361, %swap3A_362], %swap3A_365 {strides = array<i32>} : memref<128x128xf32, #tpu.memory_space<vmem>>, vector<1x16xf32>,
    %swap3A_366 = arith.constant 7 : i32
    %swap3A_367 = arith.index_cast %swap3A_366 : i32 to index
    %swap3A_368 = arith.constant 64 : index
    %swap3A_369 = tpu.vector_load %arg5[%swap3A_367, %swap3A_368] {strides = array<i32>} : memref<128x128xf32, #tpu.memory_space<vmem>>, vector<1x16xf32>,
    %swap3A_370 = vector.shape_cast %swap3A_369 : vector<1x16xf32> to vector<16xf32>
    %swap3A_371 = vector.shape_cast %broadcast_in_dim3A_6 : vector<16xf32> to vector<1x16xf32>
    tpu.vector_store %arg5[%swap3A_367, %swap3A_368], %swap3A_371 {strides = array<i32>} : memref<128x128xf32, #tpu.memory_space<vmem>>, vector<1x16xf32>,
    %swap3A_372 = arith.constant 7 : i32
    %swap3A_373 = arith.index_cast %swap3A_372 : i32 to index
    %swap3A_374 = arith.constant 80 : index
    %swap3A_375 = tpu.vector_load %arg5[%swap3A_373, %swap3A_374] {strides = array<i32>} : memref<128x128xf32, #tpu.memory_space<vmem>>, vector<1x16xf32>,
    %swap3A_376 = vector.shape_cast %swap3A_375 : vector<1x16xf32> to vector<16xf32>
    %swap3A_377 = vector.shape_cast %broadcast_in_dim3A_6 : vector<16xf32> to vector<1x16xf32>
    tpu.vector_store %arg5[%swap3A_373, %swap3A_374], %swap3A_377 {strides = array<i32>} : memref<128x128xf32, #tpu.memory_space<vmem>>, vector<1x16xf32>,
    %swap3A_378 = arith.constant 7 : i32
    %swap3A_379 = arith.index_cast %swap3A_378 : i32 to index
    %swap3A_380 = arith.constant 96 : index
    %swap3A_381 = tpu.vector_load %arg5[%swap3A_379, %swap3A_380] {strides = array<i32>} : memref<128x128xf32, #tpu.memory_space<vmem>>, vector<1x16xf32>,
    %swap3A_382 = vector.shape_cast %swap3A_381 : vector<1x16xf32> to vector<16xf32>
    %swap3A_383 = vector.shape_cast %broadcast_in_dim3A_6 : vector<16xf32> to vector<1x16xf32>
    tpu.vector_store %arg5[%swap3A_379, %swap3A_380], %swap3A_383 {strides = array<i32>} : memref<128x128xf32, #tpu.memory_space<vmem>>, vector<1x16xf32>,
    %swap3A_384 = arith.constant 7 : i32
    %swap3A_385 = arith.index_cast %swap3A_384 : i32 to index
    %swap3A_386 = arith.constant 112 : index
    %swap3A_387 = tpu.vector_load %arg5[%swap3A_385, %swap3A_386] {strides = array<i32>} : memref<128x128xf32, #tpu.memory_space<vmem>>, vector<1x16xf32>,
    %swap3A_388 = vector.shape_cast %swap3A_387 : vector<1x16xf32> to vector<16xf32>
    %swap3A_389 = vector.shape_cast %broadcast_in_dim3A_6 : vector<16xf32> to vector<1x16xf32>
    tpu.vector_store %arg5[%swap3A_385, %swap3A_386], %swap3A_389 {strides = array<i32>} : memref<128x128xf32, #tpu.memory_space<vmem>>, vector<1x16xf32>,
    %swap3A_390 = arith.constant 8 : i32
    %swap3A_391 = arith.index_cast %swap3A_390 : i32 to index
    %swap3A_392 = arith.constant 0 : index
    %swap3A_393 = tpu.vector_load %arg5[%swap3A_391, %swap3A_392] {strides = array<i32>} : memref<128x128xf32, #tpu.memory_space<vmem>>, vector<1x16xf32>,
    %swap3A_394 = vector.shape_cast %swap3A_393 : vector<1x16xf32> to vector<16xf32>
    %swap3A_395 = vector.shape_cast %broadcast_in_dim3A_6 : vector<16xf32> to vector<1x16xf32>
    tpu.vector_store %arg5[%swap3A_391, %swap3A_392], %swap3A_395 {strides = array<i32>} : memref<128x128xf32, #tpu.memory_space<vmem>>, vector<1x16xf32>,
    %swap3A_396 = arith.constant 8 : i32
    %swap3A_397 = arith.index_cast %swap3A_396 : i32 to index
    %swap3A_398 = arith.constant 16 : index
    %swap3A_399 = tpu.vector_load %arg5[%swap3A_397, %swap3A_398] {strides = array<i32>} : memref<128x128xf32, #tpu.memory_space<vmem>>, vector<1x16xf32>,
    %swap3A_400 = vector.shape_cast %swap3A_399 : vector<1x16xf32> to vector<16xf32>
    %swap3A_401 = vector.shape_cast %broadcast_in_dim3A_6 : vector<16xf32> to vector<1x16xf32>
    tpu.vector_store %arg5[%swap3A_397, %swap3A_398], %swap3A_401 {strides = array<i32>} : memref<128x128xf32, #tpu.memory_space<vmem>>, vector<1x16xf32>,
    %swap3A_402 = arith.constant 8 : i32
    %swap3A_403 = arith.index_cast %swap3A_402 : i32 to index
    %swap3A_404 = arith.constant 32 : index
    %swap3A_405 = tpu.vector_load %arg5[%swap3A_403, %swap3A_404] {strides = array<i32>} : memref<128x128xf32, #tpu.memory_space<vmem>>, vector<1x16xf32>,
    %swap3A_406 = vector.shape_cast %swap3A_405 : vector<1x16xf32> to vector<16xf32>
    %swap3A_407 = vector.shape_cast %broadcast_in_dim3A_6 : vector<16xf32> to vector<1x16xf32>
    tpu.vector_store %arg5[%swap3A_403, %swap3A_404], %swap3A_407 {strides = array<i32>} : memref<128x128xf32, #tpu.memory_space<vmem>>, vector<1x16xf32>,
    %swap3A_408 = arith.constant 8 : i32
    %swap3A_409 = arith.index_cast %swap3A_408 : i32 to index
    %swap3A_410 = arith.constant 48 : index
    %swap3A_411 = tpu.vector_load %arg5[%swap3A_409, %swap3A_410] {strides = array<i32>} : memref<128x128xf32, #tpu.memory_space<vmem>>, vector<1x16xf32>,
    %swap3A_412 = vector.shape_cast %swap3A_411 : vector<1x16xf32> to vector<16xf32>
    %swap3A_413 = vector.shape_cast %broadcast_in_dim3A_6 : vector<16xf32> to vector<1x16xf32>
    tpu.vector_store %arg5[%swap3A_409, %swap3A_410], %swap3A_413 {strides = array<i32>} : memref<128x128xf32, #tpu.memory_space<vmem>>, vector<1x16xf32>,
    %swap3A_414 = arith.constant 8 : i32
    %swap3A_415 = arith.index_cast %swap3A_414 : i32 to index
    %swap3A_416 = arith.constant 64 : index
    %swap3A_417 = tpu.vector_load %arg5[%swap3A_415, %swap3A_416] {strides = array<i32>} : memref<128x128xf32, #tpu.memory_space<vmem>>, vector<1x16xf32>,
    %swap3A_418 = vector.shape_cast %swap3A_417 : vector<1x16xf32> to vector<16xf32>
    %swap3A_419 = vector.shape_cast %broadcast_in_dim3A_6 : vector<16xf32> to vector<1x16xf32>
    tpu.vector_store %arg5[%swap3A_415, %swap3A_416], %swap3A_419 {strides = array<i32>} : memref<128x128xf32, #tpu.memory_space<vmem>>, vector<1x16xf32>,
    %swap3A_420 = arith.constant 8 : i32
    %swap3A_421 = arith.index_cast %swap3A_420 : i32 to index
    %swap3A_422 = arith.constant 80 : index
    %swap3A_423 = tpu.vector_load %arg5[%swap3A_421, %swap3A_422] {strides = array<i32>} : memref<128x128xf32, #tpu.memory_space<vmem>>, vector<1x16xf32>,
    %swap3A_424 = vector.shape_cast %swap3A_423 : vector<1x16xf32> to vector<16xf32>
    %swap3A_425 = vector.shape_cast %broadcast_in_dim3A_6 : vector<16xf32> to vector<1x16xf32>
    tpu.vector_store %arg5[%swap3A_421, %swap3A_422], %swap3A_425 {strides = array<i32>} : memref<128x128xf32, #tpu.memory_space<vmem>>, vector<1x16xf32>,
    %swap3A_426 = arith.constant 8 : i32
    %swap3A_427 = arith.index_cast %swap3A_426 : i32 to index
    %swap3A_428 = arith.constant 96 : index
    %swap3A_429 = tpu.vector_load %arg5[%swap3A_427, %swap3A_428] {strides = array<i32>} : memref<128x128xf32, #tpu.memory_space<vmem>>, vector<1x16xf32>,
    %swap3A_430 = vector.shape_cast %swap3A_429 : vector<1x16xf32> to vector<16xf32>
    %swap3A_431 = vector.shape_cast %broadcast_in_dim3A_6 : vector<16xf32> to vector<1x16xf32>
    tpu.vector_store %arg5[%swap3A_427, %swap3A_428], %swap3A_431 {strides = array<i32>} : memref<128x128xf32, #tpu.memory_space<vmem>>, vector<1x16xf32>,
    %swap3A_432 = arith.constant 8 : i32
    %swap3A_433 = arith.index_cast %swap3A_432 : i32 to index
    %swap3A_434 = arith.constant 112 : index
    %swap3A_435 = tpu.vector_load %arg5[%swap3A_433, %swap3A_434] {strides = array<i32>} : memref<128x128xf32, #tpu.memory_space<vmem>>, vector<1x16xf32>,
    %swap3A_436 = vector.shape_cast %swap3A_435 : vector<1x16xf32> to vector<16xf32>
    %swap3A_437 = vector.shape_cast %broadcast_in_dim3A_6 : vector<16xf32> to vector<1x16xf32>
    tpu.vector_store %arg5[%swap3A_433, %swap3A_434], %swap3A_437 {strides = array<i32>} : memref<128x128xf32, #tpu.memory_space<vmem>>, vector<1x16xf32>,
    %swap3A_438 = arith.constant 9 : i32
    %swap3A_439 = arith.index_cast %swap3A_438 : i32 to index
    %swap3A_440 = arith.constant 0 : index
    %swap3A_441 = tpu.vector_load %arg5[%swap3A_439, %swap3A_440] {strides = array<i32>} : memref<128x128xf32, #tpu.memory_space<vmem>>, vector<1x16xf32>,
    %swap3A_442 = vector.shape_cast %swap3A_441 : vector<1x16xf32> to vector<16xf32>
    %swap3A_443 = vector.shape_cast %broadcast_in_dim3A_6 : vector<16xf32> to vector<1x16xf32>
    tpu.vector_store %arg5[%swap3A_439, %swap3A_440], %swap3A_443 {strides = array<i32>} : memref<128x128xf32, #tpu.memory_space<vmem>>, vector<1x16xf32>,
    %swap3A_444 = arith.constant 9 : i32
    %swap3A_445 = arith.index_cast %swap3A_444 : i32 to index
    %swap3A_446 = arith.constant 16 : index
    %swap3A_447 = tpu.vector_load %arg5[%swap3A_445, %swap3A_446] {strides = array<i32>} : memref<128x128xf32, #tpu.memory_space<vmem>>, vector<1x16xf32>,
    %swap3A_448 = vector.shape_cast %swap3A_447 : vector<1x16xf32> to vector<16xf32>
    %swap3A_449 = vector.shape_cast %broadcast_in_dim3A_6 : vector<16xf32> to vector<1x16xf32>
    tpu.vector_store %arg5[%swap3A_445, %swap3A_446], %swap3A_449 {strides = array<i32>} : memref<128x128xf32, #tpu.memory_space<vmem>>, vector<1x16xf32>,
    %swap3A_450 = arith.constant 9 : i32
    %swap3A_451 = arith.index_cast %swap3A_450 : i32 to index
    %swap3A_452 = arith.constant 32 : index
    %swap3A_453 = tpu.vector_load %arg5[%swap3A_451, %swap3A_452] {strides = array<i32>} : memref<128x128xf32, #tpu.memory_space<vmem>>, vector<1x16xf32>,
    %swap3A_454 = vector.shape_cast %swap3A_453 : vector<1x16xf32> to vector<16xf32>
    %swap3A_455 = vector.shape_cast %broadcast_in_dim3A_6 : vector<16xf32> to vector<1x16xf32>
    tpu.vector_store %arg5[%swap3A_451, %swap3A_452], %swap3A_455 {strides = array<i32>} : memref<128x128xf32, #tpu.memory_space<vmem>>, vector<1x16xf32>,
    %swap3A_456 = arith.constant 9 : i32
    %swap3A_457 = arith.index_cast %swap3A_456 : i32 to index
    %swap3A_458 = arith.constant 48 : index
    %swap3A_459 = tpu.vector_load %arg5[%swap3A_457, %swap3A_458] {strides = array<i32>} : memref<128x128xf32, #tpu.memory_space<vmem>>, vector<1x16xf32>,
    %swap3A_460 = vector.shape_cast %swap3A_459 : vector<1x16xf32> to vector<16xf32>
    %swap3A_461 = vector.shape_cast %broadcast_in_dim3A_6 : vector<16xf32> to vector<1x16xf32>
    tpu.vector_store %arg5[%swap3A_457, %swap3A_458], %swap3A_461 {strides = array<i32>} : memref<128x128xf32, #tpu.memory_space<vmem>>, vector<1x16xf32>,
    %swap3A_462 = arith.constant 9 : i32
    %swap3A_463 = arith.index_cast %swap3A_462 : i32 to index
    %swap3A_464 = arith.constant 64 : index
    %swap3A_465 = tpu.vector_load %arg5[%swap3A_463, %swap3A_464] {strides = array<i32>} : memref<128x128xf32, #tpu.memory_space<vmem>>, vector<1x16xf32>,
    %swap3A_466 = vector.shape_cast %swap3A_465 : vector<1x16xf32> to vector<16xf32>
    %swap3A_467 = vector.shape_cast %broadcast_in_dim3A_6 : vector<16xf32> to vector<1x16xf32>
    tpu.vector_store %arg5[%swap3A_463, %swap3A_464], %swap3A_467 {strides = array<i32>} : memref<128x128xf32, #tpu.memory_space<vmem>>, vector<1x16xf32>,
    %swap3A_468 = arith.constant 9 : i32
    %swap3A_469 = arith.index_cast %swap3A_468 : i32 to index
    %swap3A_470 = arith.constant 80 : index
    %swap3A_471 = tpu.vector_load %arg5[%swap3A_469, %swap3A_470] {strides = array<i32>} : memref<128x128xf32, #tpu.memory_space<vmem>>, vector<1x16xf32>,
    %swap3A_472 = vector.shape_cast %swap3A_471 : vector<1x16xf32> to vector<16xf32>
    %swap3A_473 = vector.shape_cast %broadcast_in_dim3A_6 : vector<16xf32> to vector<1x16xf32>
    tpu.vector_store %arg5[%swap3A_469, %swap3A_470], %swap3A_473 {strides = array<i32>} : memref<128x128xf32, #tpu.memory_space<vmem>>, vector<1x16xf32>,
    %swap3A_474 = arith.constant 9 : i32
    %swap3A_475 = arith.index_cast %swap3A_474 : i32 to index
    %swap3A_476 = arith.constant 96 : index
    %swap3A_477 = tpu.vector_load %arg5[%swap3A_475, %swap3A_476] {strides = array<i32>} : memref<128x128xf32, #tpu.memory_space<vmem>>, vector<1x16xf32>,
    %swap3A_478 = vector.shape_cast %swap3A_477 : vector<1x16xf32> to vector<16xf32>
    %swap3A_479 = vector.shape_cast %broadcast_in_dim3A_6 : vector<16xf32> to vector<1x16xf32>
    tpu.vector_store %arg5[%swap3A_475, %swap3A_476], %swap3A_479 {strides = array<i32>} : memref<128x128xf32, #tpu.memory_space<vmem>>, vector<1x16xf32>,
    %swap3A_480 = arith.constant 9 : i32
    %swap3A_481 = arith.index_cast %swap3A_480 : i32 to index
    %swap3A_482 = arith.constant 112 : index
    %swap3A_483 = tpu.vector_load %arg5[%swap3A_481, %swap3A_482] {strides = array<i32>} : memref<128x128xf32, #tpu.memory_space<vmem>>, vector<1x16xf32>,
    %swap3A_484 = vector.shape_cast %swap3A_483 : vector<1x16xf32> to vector<16xf32>
    %swap3A_485 = vector.shape_cast %broadcast_in_dim3A_6 : vector<16xf32> to vector<1x16xf32>
    tpu.vector_store %arg5[%swap3A_481, %swap3A_482], %swap3A_485 {strides = array<i32>} : memref<128x128xf32, #tpu.memory_space<vmem>>, vector<1x16xf32>,
    %swap3A_486 = arith.constant 10 : i32
    %swap3A_487 = arith.index_cast %swap3A_486 : i32 to index
    %swap3A_488 = arith.constant 0 : index
    %swap3A_489 = tpu.vector_load %arg5[%swap3A_487, %swap3A_488] {strides = array<i32>} : memref<128x128xf32, #tpu.memory_space<vmem>>, vector<1x16xf32>,
    %swap3A_490 = vector.shape_cast %swap3A_489 : vector<1x16xf32> to vector<16xf32>
    %swap3A_491 = vector.shape_cast %broadcast_in_dim3A_6 : vector<16xf32> to vector<1x16xf32>
    tpu.vector_store %arg5[%swap3A_487, %swap3A_488], %swap3A_491 {strides = array<i32>} : memref<128x128xf32, #tpu.memory_space<vmem>>, vector<1x16xf32>,
    %swap3A_492 = arith.constant 10 : i32
    %swap3A_493 = arith.index_cast %swap3A_492 : i32 to index
    %swap3A_494 = arith.constant 16 : index
    %swap3A_495 = tpu.vector_load %arg5[%swap3A_493, %swap3A_494] {strides = array<i32>} : memref<128x128xf32, #tpu.memory_space<vmem>>, vector<1x16xf32>,
    %swap3A_496 = vector.shape_cast %swap3A_495 : vector<1x16xf32> to vector<16xf32>
    %swap3A_497 = vector.shape_cast %broadcast_in_dim3A_6 : vector<16xf32> to vector<1x16xf32>
    tpu.vector_store %arg5[%swap3A_493, %swap3A_494], %swap3A_497 {strides = array<i32>} : memref<128x128xf32, #tpu.memory_space<vmem>>, vector<1x16xf32>,
    %swap3A_498 = arith.constant 10 : i32
    %swap3A_499 = arith.index_cast %swap3A_498 : i32 to index
    %swap3A_500 = arith.constant 32 : index
    %swap3A_501 = tpu.vector_load %arg5[%swap3A_499, %swap3A_500] {strides = array<i32>} : memref<128x128xf32, #tpu.memory_space<vmem>>, vector<1x16xf32>,
    %swap3A_502 = vector.shape_cast %swap3A_501 : vector<1x16xf32> to vector<16xf32>
    %swap3A_503 = vector.shape_cast %broadcast_in_dim3A_6 : vector<16xf32> to vector<1x16xf32>
    tpu.vector_store %arg5[%swap3A_499, %swap3A_500], %swap3A_503 {strides = array<i32>} : memref<128x128xf32, #tpu.memory_space<vmem>>, vector<1x16xf32>,
    %swap3A_504 = arith.constant 10 : i32
    %swap3A_505 = arith.index_cast %swap3A_504 : i32 to index
    %swap3A_506 = arith.constant 48 : index
    %swap3A_507 = tpu.vector_load %arg5[%swap3A_505, %swap3A_506] {strides = array<i32>} : memref<128x128xf32, #tpu.memory_space<vmem>>, vector<1x16xf32>,
    %swap3A_508 = vector.shape_cast %swap3A_507 : vector<1x16xf32> to vector<16xf32>
    %swap3A_509 = vector.shape_cast %broadcast_in_dim3A_6 : vector<16xf32> to vector<1x16xf32>
    tpu.vector_store %arg5[%swap3A_505, %swap3A_506], %swap3A_509 {strides = array<i32>} : memref<128x128xf32, #tpu.memory_space<vmem>>, vector<1x16xf32>,
    %swap3A_510 = arith.constant 10 : i32
    %swap3A_511 = arith.index_cast %swap3A_510 : i32 to index
    %swap3A_512 = arith.constant 64 : index
    %swap3A_513 = tpu.vector_load %arg5[%swap3A_511, %swap3A_512] {strides = array<i32>} : memref<128x128xf32, #tpu.memory_space<vmem>>, vector<1x16xf32>,
    %swap3A_514 = vector.shape_cast %swap3A_513 : vector<1x16xf32> to vector<16xf32>
    %swap3A_515 = vector.shape_cast %broadcast_in_dim3A_6 : vector<16xf32> to vector<1x16xf32>
    tpu.vector_store %arg5[%swap3A_511, %swap3A_512], %swap3A_515 {strides = array<i32>} : memref<128x128xf32, #tpu.memory_space<vmem>>, vector<1x16xf32>,
    %swap3A_516 = arith.constant 10 : i32
    %swap3A_517 = arith.index_cast %swap3A_516 : i32 to index
    %swap3A_518 = arith.constant 80 : index
    %swap3A_519 = tpu.vector_load %arg5[%swap3A_517, %swap3A_518] {strides = array<i32>} : memref<128x128xf32, #tpu.memory_space<vmem>>, vector<1x16xf32>,
    %swap3A_520 = vector.shape_cast %swap3A_519 : vector<1x16xf32> to vector<16xf32>
    %swap3A_521 = vector.shape_cast %broadcast_in_dim3A_6 : vector<16xf32> to vector<1x16xf32>
    tpu.vector_store %arg5[%swap3A_517, %swap3A_518], %swap3A_521 {strides = array<i32>} : memref<128x128xf32, #tpu.memory_space<vmem>>, vector<1x16xf32>,
    %swap3A_522 = arith.constant 10 : i32
    %swap3A_523 = arith.index_cast %swap3A_522 : i32 to index
    %swap3A_524 = arith.constant 96 : index
    %swap3A_525 = tpu.vector_load %arg5[%swap3A_523, %swap3A_524] {strides = array<i32>} : memref<128x128xf32, #tpu.memory_space<vmem>>, vector<1x16xf32>,
    %swap3A_526 = vector.shape_cast %swap3A_525 : vector<1x16xf32> to vector<16xf32>
    %swap3A_527 = vector.shape_cast %broadcast_in_dim3A_6 : vector<16xf32> to vector<1x16xf32>
    tpu.vector_store %arg5[%swap3A_523, %swap3A_524], %swap3A_527 {strides = array<i32>} : memref<128x128xf32, #tpu.memory_space<vmem>>, vector<1x16xf32>,
    %swap3A_528 = arith.constant 10 : i32
    %swap3A_529 = arith.index_cast %swap3A_528 : i32 to index
    %swap3A_530 = arith.constant 112 : index
    %swap3A_531 = tpu.vector_load %arg5[%swap3A_529, %swap3A_530] {strides = array<i32>} : memref<128x128xf32, #tpu.memory_space<vmem>>, vector<1x16xf32>,
    %swap3A_532 = vector.shape_cast %swap3A_531 : vector<1x16xf32> to vector<16xf32>
    %swap3A_533 = vector.shape_cast %broadcast_in_dim3A_6 : vector<16xf32> to vector<1x16xf32>
    tpu.vector_store %arg5[%swap3A_529, %swap3A_530], %swap3A_533 {strides = array<i32>} : memref<128x128xf32, #tpu.memory_space<vmem>>, vector<1x16xf32>,
    %swap3A_534 = arith.constant 11 : i32
    %swap3A_535 = arith.index_cast %swap3A_534 : i32 to index
    %swap3A_536 = arith.constant 0 : index
    %swap3A_537 = tpu.vector_load %arg5[%swap3A_535, %swap3A_536] {strides = array<i32>} : memref<128x128xf32, #tpu.memory_space<vmem>>, vector<1x16xf32>,
    %swap3A_538 = vector.shape_cast %swap3A_537 : vector<1x16xf32> to vector<16xf32>
    %swap3A_539 = vector.shape_cast %broadcast_in_dim3A_6 : vector<16xf32> to vector<1x16xf32>
    tpu.vector_store %arg5[%swap3A_535, %swap3A_536], %swap3A_539 {strides = array<i32>} : memref<128x128xf32, #tpu.memory_space<vmem>>, vector<1x16xf32>,
    %swap3A_540 = arith.constant 11 : i32
    %swap3A_541 = arith.index_cast %swap3A_540 : i32 to index
    %swap3A_542 = arith.constant 16 : index
    %swap3A_543 = tpu.vector_load %arg5[%swap3A_541, %swap3A_542] {strides = array<i32>} : memref<128x128xf32, #tpu.memory_space<vmem>>, vector<1x16xf32>,
    %swap3A_544 = vector.shape_cast %swap3A_543 : vector<1x16xf32> to vector<16xf32>
    %swap3A_545 = vector.shape_cast %broadcast_in_dim3A_6 : vector<16xf32> to vector<1x16xf32>
    tpu.vector_store %arg5[%swap3A_541, %swap3A_542], %swap3A_545 {strides = array<i32>} : memref<128x128xf32, #tpu.memory_space<vmem>>, vector<1x16xf32>,
    %swap3A_546 = arith.constant 11 : i32
    %swap3A_547 = arith.index_cast %swap3A_546 : i32 to index
    %swap3A_548 = arith.constant 32 : index
    %swap3A_549 = tpu.vector_load %arg5[%swap3A_547, %swap3A_548] {strides = array<i32>} : memref<128x128xf32, #tpu.memory_space<vmem>>, vector<1x16xf32>,
    %swap3A_550 = vector.shape_cast %swap3A_549 : vector<1x16xf32> to vector<16xf32>
    %swap3A_551 = vector.shape_cast %broadcast_in_dim3A_6 : vector<16xf32> to vector<1x16xf32>
    tpu.vector_store %arg5[%swap3A_547, %swap3A_548], %swap3A_551 {strides = array<i32>} : memref<128x128xf32, #tpu.memory_space<vmem>>, vector<1x16xf32>,
    %swap3A_552 = arith.constant 11 : i32
    %swap3A_553 = arith.index_cast %swap3A_552 : i32 to index
    %swap3A_554 = arith.constant 48 : index
    %swap3A_555 = tpu.vector_load %arg5[%swap3A_553, %swap3A_554] {strides = array<i32>} : memref<128x128xf32, #tpu.memory_space<vmem>>, vector<1x16xf32>,
    %swap3A_556 = vector.shape_cast %swap3A_555 : vector<1x16xf32> to vector<16xf32>
    %swap3A_557 = vector.shape_cast %broadcast_in_dim3A_6 : vector<16xf32> to vector<1x16xf32>
    tpu.vector_store %arg5[%swap3A_553, %swap3A_554], %swap3A_557 {strides = array<i32>} : memref<128x128xf32, #tpu.memory_space<vmem>>, vector<1x16xf32>,
    %swap3A_558 = arith.constant 11 : i32
    %swap3A_559 = arith.index_cast %swap3A_558 : i32 to index
    %swap3A_560 = arith.constant 64 : index
    %swap3A_561 = tpu.vector_load %arg5[%swap3A_559, %swap3A_560] {strides = array<i32>} : memref<128x128xf32, #tpu.memory_space<vmem>>, vector<1x16xf32>,
    %swap3A_562 = vector.shape_cast %swap3A_561 : vector<1x16xf32> to vector<16xf32>
    %swap3A_563 = vector.shape_cast %broadcast_in_dim3A_6 : vector<16xf32> to vector<1x16xf32>
    tpu.vector_store %arg5[%swap3A_559, %swap3A_560], %swap3A_563 {strides = array<i32>} : memref<128x128xf32, #tpu.memory_space<vmem>>, vector<1x16xf32>,
    %swap3A_564 = arith.constant 11 : i32
    %swap3A_565 = arith.index_cast %swap3A_564 : i32 to index
    %swap3A_566 = arith.constant 80 : index
    %swap3A_567 = tpu.vector_load %arg5[%swap3A_565, %swap3A_566] {strides = array<i32>} : memref<128x128xf32, #tpu.memory_space<vmem>>, vector<1x16xf32>,
    %swap3A_568 = vector.shape_cast %swap3A_567 : vector<1x16xf32> to vector<16xf32>
    %swap3A_569 = vector.shape_cast %broadcast_in_dim3A_6 : vector<16xf32> to vector<1x16xf32>
    tpu.vector_store %arg5[%swap3A_565, %swap3A_566], %swap3A_569 {strides = array<i32>} : memref<128x128xf32, #tpu.memory_space<vmem>>, vector<1x16xf32>,
    %swap3A_570 = arith.constant 11 : i32
    %swap3A_571 = arith.index_cast %swap3A_570 : i32 to index
    %swap3A_572 = arith.constant 96 : index
    %swap3A_573 = tpu.vector_load %arg5[%swap3A_571, %swap3A_572] {strides = array<i32>} : memref<128x128xf32, #tpu.memory_space<vmem>>, vector<1x16xf32>,
    %swap3A_574 = vector.shape_cast %swap3A_573 : vector<1x16xf32> to vector<16xf32>
    %swap3A_575 = vector.shape_cast %broadcast_in_dim3A_6 : vector<16xf32> to vector<1x16xf32>
    tpu.vector_store %arg5[%swap3A_571, %swap3A_572], %swap3A_575 {strides = array<i32>} : memref<128x128xf32, #tpu.memory_space<vmem>>, vector<1x16xf32>,
    %swap3A_576 = arith.constant 11 : i32
    %swap3A_577 = arith.index_cast %swap3A_576 : i32 to index
    %swap3A_578 = arith.constant 112 : index
    %swap3A_579 = tpu.vector_load %arg5[%swap3A_577, %swap3A_578] {strides = array<i32>} : memref<128x128xf32, #tpu.memory_space<vmem>>, vector<1x16xf32>,
    %swap3A_580 = vector.shape_cast %swap3A_579 : vector<1x16xf32> to vector<16xf32>
    %swap3A_581 = vector.shape_cast %broadcast_in_dim3A_6 : vector<16xf32> to vector<1x16xf32>
    tpu.vector_store %arg5[%swap3A_577, %swap3A_578], %swap3A_581 {strides = array<i32>} : memref<128x128xf32, #tpu.memory_space<vmem>>, vector<1x16xf32>,
    %swap3A_582 = arith.constant 12 : i32
    %swap3A_583 = arith.index_cast %swap3A_582 : i32 to index
    %swap3A_584 = arith.constant 0 : index
    %swap3A_585 = tpu.vector_load %arg5[%swap3A_583, %swap3A_584] {strides = array<i32>} : memref<128x128xf32, #tpu.memory_space<vmem>>, vector<1x16xf32>,
    %swap3A_586 = vector.shape_cast %swap3A_585 : vector<1x16xf32> to vector<16xf32>
    %swap3A_587 = vector.shape_cast %broadcast_in_dim3A_6 : vector<16xf32> to vector<1x16xf32>
    tpu.vector_store %arg5[%swap3A_583, %swap3A_584], %swap3A_587 {strides = array<i32>} : memref<128x128xf32, #tpu.memory_space<vmem>>, vector<1x16xf32>,
    %swap3A_588 = arith.constant 12 : i32
    %swap3A_589 = arith.index_cast %swap3A_588 : i32 to index
    %swap3A_590 = arith.constant 16 : index
    %swap3A_591 = tpu.vector_load %arg5[%swap3A_589, %swap3A_590] {strides = array<i32>} : memref<128x128xf32, #tpu.memory_space<vmem>>, vector<1x16xf32>,
    %swap3A_592 = vector.shape_cast %swap3A_591 : vector<1x16xf32> to vector<16xf32>
    %swap3A_593 = vector.shape_cast %broadcast_in_dim3A_6 : vector<16xf32> to vector<1x16xf32>
    tpu.vector_store %arg5[%swap3A_589, %swap3A_590], %swap3A_593 {strides = array<i32>} : memref<128x128xf32, #tpu.memory_space<vmem>>, vector<1x16xf32>,
    %swap3A_594 = arith.constant 12 : i32
    %swap3A_595 = arith.index_cast %swap3A_594 : i32 to index
    %swap3A_596 = arith.constant 32 : index
    %swap3A_597 = tpu.vector_load %arg5[%swap3A_595, %swap3A_596] {strides = array<i32>} : memref<128x128xf32, #tpu.memory_space<vmem>>, vector<1x16xf32>,
    %swap3A_598 = vector.shape_cast %swap3A_597 : vector<1x16xf32> to vector<16xf32>
    %swap3A_599 = vector.shape_cast %broadcast_in_dim3A_6 : vector<16xf32> to vector<1x16xf32>
    tpu.vector_store %arg5[%swap3A_595, %swap3A_596], %swap3A_599 {strides = array<i32>} : memref<128x128xf32, #tpu.memory_space<vmem>>, vector<1x16xf32>,
    %swap3A_600 = arith.constant 12 : i32
    %swap3A_601 = arith.index_cast %swap3A_600 : i32 to index
    %swap3A_602 = arith.constant 48 : index
    %swap3A_603 = tpu.vector_load %arg5[%swap3A_601, %swap3A_602] {strides = array<i32>} : memref<128x128xf32, #tpu.memory_space<vmem>>, vector<1x16xf32>,
    %swap3A_604 = vector.shape_cast %swap3A_603 : vector<1x16xf32> to vector<16xf32>
    %swap3A_605 = vector.shape_cast %broadcast_in_dim3A_6 : vector<16xf32> to vector<1x16xf32>
    tpu.vector_store %arg5[%swap3A_601, %swap3A_602], %swap3A_605 {strides = array<i32>} : memref<128x128xf32, #tpu.memory_space<vmem>>, vector<1x16xf32>,
    %swap3A_606 = arith.constant 12 : i32
    %swap3A_607 = arith.index_cast %swap3A_606 : i32 to index
    %swap3A_608 = arith.constant 64 : index
    %swap3A_609 = tpu.vector_load %arg5[%swap3A_607, %swap3A_608] {strides = array<i32>} : memref<128x128xf32, #tpu.memory_space<vmem>>, vector<1x16xf32>,
    %swap3A_610 = vector.shape_cast %swap3A_609 : vector<1x16xf32> to vector<16xf32>
    %swap3A_611 = vector.shape_cast %broadcast_in_dim3A_6 : vector<16xf32> to vector<1x16xf32>
    tpu.vector_store %arg5[%swap3A_607, %swap3A_608], %swap3A_611 {strides = array<i32>} : memref<128x128xf32, #tpu.memory_space<vmem>>, vector<1x16xf32>,
    %swap3A_612 = arith.constant 12 : i32
    %swap3A_613 = arith.index_cast %swap3A_612 : i32 to index
    %swap3A_614 = arith.constant 80 : index
    %swap3A_615 = tpu.vector_load %arg5[%swap3A_613, %swap3A_614] {strides = array<i32>} : memref<128x128xf32, #tpu.memory_space<vmem>>, vector<1x16xf32>,
    %swap3A_616 = vector.shape_cast %swap3A_615 : vector<1x16xf32> to vector<16xf32>
    %swap3A_617 = vector.shape_cast %broadcast_in_dim3A_6 : vector<16xf32> to vector<1x16xf32>
    tpu.vector_store %arg5[%swap3A_613, %swap3A_614], %swap3A_617 {strides = array<i32>} : memref<128x128xf32, #tpu.memory_space<vmem>>, vector<1x16xf32>,
    %swap3A_618 = arith.constant 12 : i32
    %swap3A_619 = arith.index_cast %swap3A_618 : i32 to index
    %swap3A_620 = arith.constant 96 : index
    %swap3A_621 = tpu.vector_load %arg5[%swap3A_619, %swap3A_620] {strides = array<i32>} : memref<128x128xf32, #tpu.memory_space<vmem>>, vector<1x16xf32>,
    %swap3A_622 = vector.shape_cast %swap3A_621 : vector<1x16xf32> to vector<16xf32>
    %swap3A_623 = vector.shape_cast %broadcast_in_dim3A_6 : vector<16xf32> to vector<1x16xf32>
    tpu.vector_store %arg5[%swap3A_619, %swap3A_620], %swap3A_623 {strides = array<i32>} : memref<128x128xf32, #tpu.memory_space<vmem>>, vector<1x16xf32>,
    %swap3A_624 = arith.constant 12 : i32
    %swap3A_625 = arith.index_cast %swap3A_624 : i32 to index
    %swap3A_626 = arith.constant 112 : index
    %swap3A_627 = tpu.vector_load %arg5[%swap3A_625, %swap3A_626] {strides = array<i32>} : memref<128x128xf32, #tpu.memory_space<vmem>>, vector<1x16xf32>,
    %swap3A_628 = vector.shape_cast %swap3A_627 : vector<1x16xf32> to vector<16xf32>
    %swap3A_629 = vector.shape_cast %broadcast_in_dim3A_6 : vector<16xf32> to vector<1x16xf32>
    tpu.vector_store %arg5[%swap3A_625, %swap3A_626], %swap3A_629 {strides = array<i32>} : memref<128x128xf32, #tpu.memory_space<vmem>>, vector<1x16xf32>,
    %swap3A_630 = arith.constant 13 : i32
    %swap3A_631 = arith.index_cast %swap3A_630 : i32 to index
    %swap3A_632 = arith.constant 0 : index
    %swap3A_633 = tpu.vector_load %arg5[%swap3A_631, %swap3A_632] {strides = array<i32>} : memref<128x128xf32, #tpu.memory_space<vmem>>, vector<1x16xf32>,
    %swap3A_634 = vector.shape_cast %swap3A_633 : vector<1x16xf32> to vector<16xf32>
    %swap3A_635 = vector.shape_cast %broadcast_in_dim3A_6 : vector<16xf32> to vector<1x16xf32>
    tpu.vector_store %arg5[%swap3A_631, %swap3A_632], %swap3A_635 {strides = array<i32>} : memref<128x128xf32, #tpu.memory_space<vmem>>, vector<1x16xf32>,
    %swap3A_636 = arith.constant 13 : i32
    %swap3A_637 = arith.index_cast %swap3A_636 : i32 to index
    %swap3A_638 = arith.constant 16 : index
    %swap3A_639 = tpu.vector_load %arg5[%swap3A_637, %swap3A_638] {strides = array<i32>} : memref<128x128xf32, #tpu.memory_space<vmem>>, vector<1x16xf32>,
    %swap3A_640 = vector.shape_cast %swap3A_639 : vector<1x16xf32> to vector<16xf32>
    %swap3A_641 = vector.shape_cast %broadcast_in_dim3A_6 : vector<16xf32> to vector<1x16xf32>
    tpu.vector_store %arg5[%swap3A_637, %swap3A_638], %swap3A_641 {strides = array<i32>} : memref<128x128xf32, #tpu.memory_space<vmem>>, vector<1x16xf32>,
    %swap3A_642 = arith.constant 13 : i32
    %swap3A_643 = arith.index_cast %swap3A_642 : i32 to index
    %swap3A_644 = arith.constant 32 : index
    %swap3A_645 = tpu.vector_load %arg5[%swap3A_643, %swap3A_644] {strides = array<i32>} : memref<128x128xf32, #tpu.memory_space<vmem>>, vector<1x16xf32>,
    %swap3A_646 = vector.shape_cast %swap3A_645 : vector<1x16xf32> to vector<16xf32>
    %swap3A_647 = vector.shape_cast %broadcast_in_dim3A_6 : vector<16xf32> to vector<1x16xf32>
    tpu.vector_store %arg5[%swap3A_643, %swap3A_644], %swap3A_647 {strides = array<i32>} : memref<128x128xf32, #tpu.memory_space<vmem>>, vector<1x16xf32>,
    %swap3A_648 = arith.constant 13 : i32
    %swap3A_649 = arith.index_cast %swap3A_648 : i32 to index
    %swap3A_650 = arith.constant 48 : index
    %swap3A_651 = tpu.vector_load %arg5[%swap3A_649, %swap3A_650] {strides = array<i32>} : memref<128x128xf32, #tpu.memory_space<vmem>>, vector<1x16xf32>,
    %swap3A_652 = vector.shape_cast %swap3A_651 : vector<1x16xf32> to vector<16xf32>
    %swap3A_653 = vector.shape_cast %broadcast_in_dim3A_6 : vector<16xf32> to vector<1x16xf32>
    tpu.vector_store %arg5[%swap3A_649, %swap3A_650], %swap3A_653 {strides = array<i32>} : memref<128x128xf32, #tpu.memory_space<vmem>>, vector<1x16xf32>,
    %swap3A_654 = arith.constant 13 : i32
    %swap3A_655 = arith.index_cast %swap3A_654 : i32 to index
    %swap3A_656 = arith.constant 64 : index
    %swap3A_657 = tpu.vector_load %arg5[%swap3A_655, %swap3A_656] {strides = array<i32>} : memref<128x128xf32, #tpu.memory_space<vmem>>, vector<1x16xf32>,
    %swap3A_658 = vector.shape_cast %swap3A_657 : vector<1x16xf32> to vector<16xf32>
    %swap3A_659 = vector.shape_cast %broadcast_in_dim3A_6 : vector<16xf32> to vector<1x16xf32>
    tpu.vector_store %arg5[%swap3A_655, %swap3A_656], %swap3A_659 {strides = array<i32>} : memref<128x128xf32, #tpu.memory_space<vmem>>, vector<1x16xf32>,
    %swap3A_660 = arith.constant 13 : i32
    %swap3A_661 = arith.index_cast %swap3A_660 : i32 to index
    %swap3A_662 = arith.constant 80 : index
    %swap3A_663 = tpu.vector_load %arg5[%swap3A_661, %swap3A_662] {strides = array<i32>} : memref<128x128xf32, #tpu.memory_space<vmem>>, vector<1x16xf32>,
    %swap3A_664 = vector.shape_cast %swap3A_663 : vector<1x16xf32> to vector<16xf32>
    %swap3A_665 = vector.shape_cast %broadcast_in_dim3A_6 : vector<16xf32> to vector<1x16xf32>
    tpu.vector_store %arg5[%swap3A_661, %swap3A_662], %swap3A_665 {strides = array<i32>} : memref<128x128xf32, #tpu.memory_space<vmem>>, vector<1x16xf32>,
    %swap3A_666 = arith.constant 13 : i32
    %swap3A_667 = arith.index_cast %swap3A_666 : i32 to index
    %swap3A_668 = arith.constant 96 : index
    %swap3A_669 = tpu.vector_load %arg5[%swap3A_667, %swap3A_668] {strides = array<i32>} : memref<128x128xf32, #tpu.memory_space<vmem>>, vector<1x16xf32>,
    %swap3A_670 = vector.shape_cast %swap3A_669 : vector<1x16xf32> to vector<16xf32>
    %swap3A_671 = vector.shape_cast %broadcast_in_dim3A_6 : vector<16xf32> to vector<1x16xf32>
    tpu.vector_store %arg5[%swap3A_667, %swap3A_668], %swap3A_671 {strides = array<i32>} : memref<128x128xf32, #tpu.memory_space<vmem>>, vector<1x16xf32>,
    %swap3A_672 = arith.constant 13 : i32
    %swap3A_673 = arith.index_cast %swap3A_672 : i32 to index
    %swap3A_674 = arith.constant 112 : index
    %swap3A_675 = tpu.vector_load %arg5[%swap3A_673, %swap3A_674] {strides = array<i32>} : memref<128x128xf32, #tpu.memory_space<vmem>>, vector<1x16xf32>,
    %swap3A_676 = vector.shape_cast %swap3A_675 : vector<1x16xf32> to vector<16xf32>
    %swap3A_677 = vector.shape_cast %broadcast_in_dim3A_6 : vector<16xf32> to vector<1x16xf32>
    tpu.vector_store %arg5[%swap3A_673, %swap3A_674], %swap3A_677 {strides = array<i32>} : memref<128x128xf32, #tpu.memory_space<vmem>>, vector<1x16xf32>,
    %swap3A_678 = arith.constant 14 : i32
    %swap3A_679 = arith.index_cast %swap3A_678 : i32 to index
    %swap3A_680 = arith.constant 0 : index
    %swap3A_681 = tpu.vector_load %arg5[%swap3A_679, %swap3A_680] {strides = array<i32>} : memref<128x128xf32, #tpu.memory_space<vmem>>, vector<1x16xf32>,
    %swap3A_682 = vector.shape_cast %swap3A_681 : vector<1x16xf32> to vector<16xf32>
    %swap3A_683 = vector.shape_cast %broadcast_in_dim3A_6 : vector<16xf32> to vector<1x16xf32>
    tpu.vector_store %arg5[%swap3A_679, %swap3A_680], %swap3A_683 {strides = array<i32>} : memref<128x128xf32, #tpu.memory_space<vmem>>, vector<1x16xf32>,
    %swap3A_684 = arith.constant 14 : i32
    %swap3A_685 = arith.index_cast %swap3A_684 : i32 to index
    %swap3A_686 = arith.constant 16 : index
    %swap3A_687 = tpu.vector_load %arg5[%swap3A_685, %swap3A_686] {strides = array<i32>} : memref<128x128xf32, #tpu.memory_space<vmem>>, vector<1x16xf32>,
    %swap3A_688 = vector.shape_cast %swap3A_687 : vector<1x16xf32> to vector<16xf32>
    %swap3A_689 = vector.shape_cast %broadcast_in_dim3A_6 : vector<16xf32> to vector<1x16xf32>
    tpu.vector_store %arg5[%swap3A_685, %swap3A_686], %swap3A_689 {strides = array<i32>} : memref<128x128xf32, #tpu.memory_space<vmem>>, vector<1x16xf32>,
    %swap3A_690 = arith.constant 14 : i32
    %swap3A_691 = arith.index_cast %swap3A_690 : i32 to index
    %swap3A_692 = arith.constant 32 : index
    %swap3A_693 = tpu.vector_load %arg5[%swap3A_691, %swap3A_692] {strides = array<i32>} : memref<128x128xf32, #tpu.memory_space<vmem>>, vector<1x16xf32>,
    %swap3A_694 = vector.shape_cast %swap3A_693 : vector<1x16xf32> to vector<16xf32>
    %swap3A_695 = vector.shape_cast %broadcast_in_dim3A_6 : vector<16xf32> to vector<1x16xf32>
    tpu.vector_store %arg5[%swap3A_691, %swap3A_692], %swap3A_695 {strides = array<i32>} : memref<128x128xf32, #tpu.memory_space<vmem>>, vector<1x16xf32>,
    %swap3A_696 = arith.constant 14 : i32
    %swap3A_697 = arith.index_cast %swap3A_696 : i32 to index
    %swap3A_698 = arith.constant 48 : index
    %swap3A_699 = tpu.vector_load %arg5[%swap3A_697, %swap3A_698] {strides = array<i32>} : memref<128x128xf32, #tpu.memory_space<vmem>>, vector<1x16xf32>,
    %swap3A_700 = vector.shape_cast %swap3A_699 : vector<1x16xf32> to vector<16xf32>
    %swap3A_701 = vector.shape_cast %broadcast_in_dim3A_6 : vector<16xf32> to vector<1x16xf32>
    tpu.vector_store %arg5[%swap3A_697, %swap3A_698], %swap3A_701 {strides = array<i32>} : memref<128x128xf32, #tpu.memory_space<vmem>>, vector<1x16xf32>,
    %swap3A_702 = arith.constant 14 : i32
    %swap3A_703 = arith.index_cast %swap3A_702 : i32 to index
    %swap3A_704 = arith.constant 64 : index
    %swap3A_705 = tpu.vector_load %arg5[%swap3A_703, %swap3A_704] {strides = array<i32>} : memref<128x128xf32, #tpu.memory_space<vmem>>, vector<1x16xf32>,
    %swap3A_706 = vector.shape_cast %swap3A_705 : vector<1x16xf32> to vector<16xf32>
    %swap3A_707 = vector.shape_cast %broadcast_in_dim3A_6 : vector<16xf32> to vector<1x16xf32>
    tpu.vector_store %arg5[%swap3A_703, %swap3A_704], %swap3A_707 {strides = array<i32>} : memref<128x128xf32, #tpu.memory_space<vmem>>, vector<1x16xf32>,
    %swap3A_708 = arith.constant 14 : i32
    %swap3A_709 = arith.index_cast %swap3A_708 : i32 to index
    %swap3A_710 = arith.constant 80 : index
    %swap3A_711 = tpu.vector_load %arg5[%swap3A_709, %swap3A_710] {strides = array<i32>} : memref<128x128xf32, #tpu.memory_space<vmem>>, vector<1x16xf32>,
    %swap3A_712 = vector.shape_cast %swap3A_711 : vector<1x16xf32> to vector<16xf32>
    %swap3A_713 = vector.shape_cast %broadcast_in_dim3A_6 : vector<16xf32> to vector<1x16xf32>
    tpu.vector_store %arg5[%swap3A_709, %swap3A_710], %swap3A_713 {strides = array<i32>} : memref<128x128xf32, #tpu.memory_space<vmem>>, vector<1x16xf32>,
    %swap3A_714 = arith.constant 14 : i32
    %swap3A_715 = arith.index_cast %swap3A_714 : i32 to index
    %swap3A_716 = arith.constant 96 : index
    %swap3A_717 = tpu.vector_load %arg5[%swap3A_715, %swap3A_716] {strides = array<i32>} : memref<128x128xf32, #tpu.memory_space<vmem>>, vector<1x16xf32>,
    %swap3A_718 = vector.shape_cast %swap3A_717 : vector<1x16xf32> to vector<16xf32>
    %swap3A_719 = vector.shape_cast %broadcast_in_dim3A_6 : vector<16xf32> to vector<1x16xf32>
    tpu.vector_store %arg5[%swap3A_715, %swap3A_716], %swap3A_719 {strides = array<i32>} : memref<128x128xf32, #tpu.memory_space<vmem>>, vector<1x16xf32>,
    %swap3A_720 = arith.constant 14 : i32
    %swap3A_721 = arith.index_cast %swap3A_720 : i32 to index
    %swap3A_722 = arith.constant 112 : index
    %swap3A_723 = tpu.vector_load %arg5[%swap3A_721, %swap3A_722] {strides = array<i32>} : memref<128x128xf32, #tpu.memory_space<vmem>>, vector<1x16xf32>,
    %swap3A_724 = vector.shape_cast %swap3A_723 : vector<1x16xf32> to vector<16xf32>
    %swap3A_725 = vector.shape_cast %broadcast_in_dim3A_6 : vector<16xf32> to vector<1x16xf32>
    tpu.vector_store %arg5[%swap3A_721, %swap3A_722], %swap3A_725 {strides = array<i32>} : memref<128x128xf32, #tpu.memory_space<vmem>>, vector<1x16xf32>,
    %swap3A_726 = arith.constant 15 : i32
    %swap3A_727 = arith.index_cast %swap3A_726 : i32 to index
    %swap3A_728 = arith.constant 0 : index
    %swap3A_729 = tpu.vector_load %arg5[%swap3A_727, %swap3A_728] {strides = array<i32>} : memref<128x128xf32, #tpu.memory_space<vmem>>, vector<1x16xf32>,
    %swap3A_730 = vector.shape_cast %swap3A_729 : vector<1x16xf32> to vector<16xf32>
    %swap3A_731 = vector.shape_cast %broadcast_in_dim3A_6 : vector<16xf32> to vector<1x16xf32>
    tpu.vector_store %arg5[%swap3A_727, %swap3A_728], %swap3A_731 {strides = array<i32>} : memref<128x128xf32, #tpu.memory_space<vmem>>, vector<1x16xf32>,
    %swap3A_732 = arith.constant 15 : i32
    %swap3A_733 = arith.index_cast %swap3A_732 : i32 to index
    %swap3A_734 = arith.constant 16 : index
    %swap3A_735 = tpu.vector_load %arg5[%swap3A_733, %swap3A_734] {strides = array<i32>} : memref<128x128xf32, #tpu.memory_space<vmem>>, vector<1x16xf32>,
    %swap3A_736 = vector.shape_cast %swap3A_735 : vector<1x16xf32> to vector<16xf32>
    %swap3A_737 = vector.shape_cast %broadcast_in_dim3A_6 : vector<16xf32> to vector<1x16xf32>
    tpu.vector_store %arg5[%swap3A_733, %swap3A_734], %swap3A_737 {strides = array<i32>} : memref<128x128xf32, #tpu.memory_space<vmem>>, vector<1x16xf32>,
    %swap3A_738 = arith.constant 15 : i32
    %swap3A_739 = arith.index_cast %swap3A_738 : i32 to index
    %swap3A_740 = arith.constant 32 : index
    %swap3A_741 = tpu.vector_load %arg5[%swap3A_739, %swap3A_740] {strides = array<i32>} : memref<128x128xf32, #tpu.memory_space<vmem>>, vector<1x16xf32>,
    %swap3A_742 = vector.shape_cast %swap3A_741 : vector<1x16xf32> to vector<16xf32>
    %swap3A_743 = vector.shape_cast %broadcast_in_dim3A_6 : vector<16xf32> to vector<1x16xf32>
    tpu.vector_store %arg5[%swap3A_739, %swap3A_740], %swap3A_743 {strides = array<i32>} : memref<128x128xf32, #tpu.memory_space<vmem>>, vector<1x16xf32>,
    %swap3A_744 = arith.constant 15 : i32
    %swap3A_745 = arith.index_cast %swap3A_744 : i32 to index
    %swap3A_746 = arith.constant 48 : index
    %swap3A_747 = tpu.vector_load %arg5[%swap3A_745, %swap3A_746] {strides = array<i32>} : memref<128x128xf32, #tpu.memory_space<vmem>>, vector<1x16xf32>,
    %swap3A_748 = vector.shape_cast %swap3A_747 : vector<1x16xf32> to vector<16xf32>
    %swap3A_749 = vector.shape_cast %broadcast_in_dim3A_6 : vector<16xf32> to vector<1x16xf32>
    tpu.vector_store %arg5[%swap3A_745, %swap3A_746], %swap3A_749 {strides = array<i32>} : memref<128x128xf32, #tpu.memory_space<vmem>>, vector<1x16xf32>,
    %swap3A_750 = arith.constant 15 : i32
    %swap3A_751 = arith.index_cast %swap3A_750 : i32 to index
    %swap3A_752 = arith.constant 64 : index
    %swap3A_753 = tpu.vector_load %arg5[%swap3A_751, %swap3A_752] {strides = array<i32>} : memref<128x128xf32, #tpu.memory_space<vmem>>, vector<1x16xf32>,
    %swap3A_754 = vector.shape_cast %swap3A_753 : vector<1x16xf32> to vector<16xf32>
    %swap3A_755 = vector.shape_cast %broadcast_in_dim3A_6 : vector<16xf32> to vector<1x16xf32>
    tpu.vector_store %arg5[%swap3A_751, %swap3A_752], %swap3A_755 {strides = array<i32>} : memref<128x128xf32, #tpu.memory_space<vmem>>, vector<1x16xf32>,
    %swap3A_756 = arith.constant 15 : i32
    %swap3A_757 = arith.index_cast %swap3A_756 : i32 to index
    %swap3A_758 = arith.constant 80 : index
    %swap3A_759 = tpu.vector_load %arg5[%swap3A_757, %swap3A_758] {strides = array<i32>} : memref<128x128xf32, #tpu.memory_space<vmem>>, vector<1x16xf32>,
    %swap3A_760 = vector.shape_cast %swap3A_759 : vector<1x16xf32> to vector<16xf32>
    %swap3A_761 = vector.shape_cast %broadcast_in_dim3A_6 : vector<16xf32> to vector<1x16xf32>
    tpu.vector_store %arg5[%swap3A_757, %swap3A_758], %swap3A_761 {strides = array<i32>} : memref<128x128xf32, #tpu.memory_space<vmem>>, vector<1x16xf32>,
    %swap3A_762 = arith.constant 15 : i32
    %swap3A_763 = arith.index_cast %swap3A_762 : i32 to index
    %swap3A_764 = arith.constant 96 : index
    %swap3A_765 = tpu.vector_load %arg5[%swap3A_763, %swap3A_764] {strides = array<i32>} : memref<128x128xf32, #tpu.memory_space<vmem>>, vector<1x16xf32>,
    %swap3A_766 = vector.shape_cast %swap3A_765 : vector<1x16xf32> to vector<16xf32>
    %swap3A_767 = vector.shape_cast %broadcast_in_dim3A_6 : vector<16xf32> to vector<1x16xf32>
    tpu.vector_store %arg5[%swap3A_763, %swap3A_764], %swap3A_767 {strides = array<i32>} : memref<128x128xf32, #tpu.memory_space<vmem>>, vector<1x16xf32>,
    %swap3A_768 = arith.constant 15 : i32
    %swap3A_769 = arith.index_cast %swap3A_768 : i32 to index
    %swap3A_770 = arith.constant 112 : index
    %swap3A_771 = tpu.vector_load %arg5[%swap3A_769, %swap3A_770] {strides = array<i32>} : memref<128x128xf32, #tpu.memory_space<vmem>>, vector<1x16xf32>,
    %swap3A_772 = vector.shape_cast %swap3A_771 : vector<1x16xf32> to vector<16xf32>
    %swap3A_773 = vector.shape_cast %broadcast_in_dim3A_6 : vector<16xf32> to vector<1x16xf32>
    tpu.vector_store %arg5[%swap3A_769, %swap3A_770], %swap3A_773 {strides = array<i32>} : memref<128x128xf32, #tpu.memory_space<vmem>>, vector<1x16xf32>,
    %scan3A = arith.constant 0 : i32
    %scan3A_774 = arith.constant 0 : i32
    %scan3A_775 = arith.constant 39 : i32
    %scan3A_776 = arith.addi %scan3A_774, %scan3A_775 : i32
    %scan3A_777 = arith.constant 1 : i32
    scf.for %scan3A_1017 = %scan3A_774 to %scan3A_776 step %scan3A_777  : i32 {
      %mul3A_1018 = arith.constant 624 : i32
      %mul3A_1019 = arith.muli %arg1, %mul3A_1018 : i32
      %mul3A_1020 = arith.constant 16 : i32
      %mul3A_1021 = arith.muli %scan3A_1017, %mul3A_1020 : i32
      %add3A_1022 = arith.addi %mul3A_1019, %mul3A_1021 : i32
      %dma_start3A_1023 = arith.constant 0 : i32
      %dma_start3A_1024 = arith.constant 0 : i32
      %dma_start3A_1025 = tpu.memref_slice %arg5[%dma_start3A_1023, %dma_start3A_1024] : memref<128x128xf32, #tpu.memory_space<vmem>> -> memref<16x128xf32, #tpu.memory_space<vmem>>
      %dma_start3A_1026 = arith.constant 0 : i32
      %dma_start3A_1027 = tpu.memref_slice %arg14[%add3A_1022, %dma_start3A_1026] : memref<10000x128xf32, #tpu.memory_space<vmem_shared>> -> memref<16x128xf32, #tpu.memory_space<vmem_shared>>
      %dma_start3A_1028 = arith.constant 0 : i32
      %dma_start3A_1029 = tpu.memref_slice %arg14[%add3A_1022, %dma_start3A_1028] : memref<10000x128xf32, #tpu.memory_space<vmem_shared>> -> memref<16x128xf32, #tpu.memory_space<vmem_shared>>
      %dma_start3A_1030 = arith.constant 0 : i32
      %dma_start3A_1031 = arith.constant 0 : i32
      %dma_start3A_1032 = tpu.memref_slice %arg5[%dma_start3A_1030, %dma_start3A_1031] : memref<128x128xf32, #tpu.memory_space<vmem>> -> memref<16x128xf32, #tpu.memory_space<vmem>>
      tpu.enqueue_dma source(%dma_start3A_1032 : memref<16x128xf32, #tpu.memory_space<vmem>>) target(%dma_start3A_1029 : memref<16x128xf32, #tpu.memory_space<vmem_shared>>) target_semaphore(%arg27 : memref<!tpu.dma_semaphore, #tpu.memory_space<semaphore_mem>>)
    }
    %scan3A_778 = arith.constant 39 : i32
    %eq3A = arith.constant 15 : i32
    %eq3A_779 = arith.cmpi eq, %arg1, %eq3A : i32
    %convert_element_type3A = arith.extui %eq3A_779 : i1 to i32
    %cond3A = arith.constant 0 : i32
    %cond3A_780 = arith.cmpi ne, %convert_element_type3A, %cond3A : i32
    scf.if %cond3A_780 {
      %dma_start3A_1017 = arith.constant 0 : i32
      %dma_start3A_1018 = arith.constant 0 : i32
      %dma_start3A_1019 = tpu.memref_slice %arg5[%dma_start3A_1017, %dma_start3A_1018] : memref<128x128xf32, #tpu.memory_space<vmem>> -> memref<16x128xf32, #tpu.memory_space<vmem>>
      %dma_start3A_1020 = arith.constant 9984 : i32
      %dma_start3A_1021 = arith.constant 0 : i32
      %dma_start3A_1022 = tpu.memref_slice %arg14[%dma_start3A_1020, %dma_start3A_1021] : memref<10000x128xf32, #tpu.memory_space<vmem_shared>> -> memref<16x128xf32, #tpu.memory_space<vmem_shared>>
      %dma_start3A_1023 = arith.constant 9984 : i32
      %dma_start3A_1024 = arith.constant 0 : i32
      %dma_start3A_1025 = tpu.memref_slice %arg14[%dma_start3A_1023, %dma_start3A_1024] : memref<10000x128xf32, #tpu.memory_space<vmem_shared>> -> memref<16x128xf32, #tpu.memory_space<vmem_shared>>
      %dma_start3A_1026 = arith.constant 0 : i32
      %dma_start3A_1027 = arith.constant 0 : i32
      %dma_start3A_1028 = tpu.memref_slice %arg5[%dma_start3A_1026, %dma_start3A_1027] : memref<128x128xf32, #tpu.memory_space<vmem>> -> memref<16x128xf32, #tpu.memory_space<vmem>>
      tpu.enqueue_dma source(%dma_start3A_1028 : memref<16x128xf32, #tpu.memory_space<vmem>>) target(%dma_start3A_1025 : memref<16x128xf32, #tpu.memory_space<vmem_shared>>) target_semaphore(%arg27 : memref<!tpu.dma_semaphore, #tpu.memory_space<semaphore_mem>>)
    } else {
    }
    %scan3A_781 = arith.constant 0 : i32
    %scan3A_782 = arith.constant 0 : i32
    %scan3A_783 = arith.constant 39 : i32
    %scan3A_784 = arith.addi %scan3A_782, %scan3A_783 : i32
    %scan3A_785 = arith.constant 1 : i32
    scf.for %scan3A_1017 = %scan3A_782 to %scan3A_784 step %scan3A_785  : i32 {
      %dma_wait3A_1018 = arith.constant 0 : i32
      %dma_wait3A_1019 = arith.constant 0 : i32
      %dma_wait3A_1020 = tpu.memref_slice %arg5[%dma_wait3A_1018, %dma_wait3A_1019] : memref<128x128xf32, #tpu.memory_space<vmem>> -> memref<16x128xf32, #tpu.memory_space<vmem>>
      %dma_wait3A_1021 = arith.constant 0 : i32
      %dma_wait3A_1022 = arith.constant 0 : i32
      %dma_wait3A_1023 = tpu.memref_slice %arg14[%dma_wait3A_1021, %dma_wait3A_1022] : memref<10000x128xf32, #tpu.memory_space<vmem_shared>> -> memref<16x128xf32, #tpu.memory_space<vmem_shared>>
      %dma_wait3A_1024 = arith.constant 0 : i32
      %dma_wait3A_1025 = arith.constant 0 : i32
      %dma_wait3A_1026 = tpu.memref_slice %arg14[%dma_wait3A_1024, %dma_wait3A_1025] : memref<10000x128xf32, #tpu.memory_space<vmem_shared>> -> memref<16x128xf32, #tpu.memory_space<vmem_shared>>
      %dma_wait3A_1027 = arith.constant 0 : i32
      %dma_wait3A_1028 = arith.constant 0 : i32
      %dma_wait3A_1029 = tpu.memref_slice %arg5[%dma_wait3A_1027, %dma_wait3A_1028] : memref<128x128xf32, #tpu.memory_space<vmem>> -> memref<16x128xf32, #tpu.memory_space<vmem>>
      tpu.wait_dma2 semaphore(%arg27 : memref<!tpu.dma_semaphore, #tpu.memory_space<semaphore_mem>>) src(%dma_wait3A_1029 : memref<16x128xf32, #tpu.memory_space<vmem>>) dst(%dma_wait3A_1026 : memref<16x128xf32, #tpu.memory_space<vmem_shared>>)
    }
    %scan3A_786 = arith.constant 39 : i32
    %eq3A_787 = arith.constant 15 : i32
    %eq3A_788 = arith.cmpi eq, %arg1, %eq3A_787 : i32
    %convert_element_type3A_789 = arith.extui %eq3A_788 : i1 to i32
    %cond3A_790 = arith.constant 0 : i32
    %cond3A_791 = arith.cmpi ne, %convert_element_type3A_789, %cond3A_790 : i32
    scf.if %cond3A_791 {
      %dma_wait3A_1017 = arith.constant 0 : i32
      %dma_wait3A_1018 = arith.constant 0 : i32
      %dma_wait3A_1019 = tpu.memref_slice %arg5[%dma_wait3A_1017, %dma_wait3A_1018] : memref<128x128xf32, #tpu.memory_space<vmem>> -> memref<16x128xf32, #tpu.memory_space<vmem>>
      %dma_wait3A_1020 = arith.constant 0 : i32
      %dma_wait3A_1021 = arith.constant 0 : i32
      %dma_wait3A_1022 = tpu.memref_slice %arg14[%dma_wait3A_1020, %dma_wait3A_1021] : memref<10000x128xf32, #tpu.memory_space<vmem_shared>> -> memref<16x128xf32, #tpu.memory_space<vmem_shared>>
      %dma_wait3A_1023 = arith.constant 0 : i32
      %dma_wait3A_1024 = arith.constant 0 : i32
      %dma_wait3A_1025 = tpu.memref_slice %arg14[%dma_wait3A_1023, %dma_wait3A_1024] : memref<10000x128xf32, #tpu.memory_space<vmem_shared>> -> memref<16x128xf32, #tpu.memory_space<vmem_shared>>
      %dma_wait3A_1026 = arith.constant 0 : i32
      %dma_wait3A_1027 = arith.constant 0 : i32
      %dma_wait3A_1028 = tpu.memref_slice %arg5[%dma_wait3A_1026, %dma_wait3A_1027] : memref<128x128xf32, #tpu.memory_space<vmem>> -> memref<16x128xf32, #tpu.memory_space<vmem>>
      tpu.wait_dma2 semaphore(%arg27 : memref<!tpu.dma_semaphore, #tpu.memory_space<semaphore_mem>>) src(%dma_wait3A_1028 : memref<16x128xf32, #tpu.memory_space<vmem>>) dst(%dma_wait3A_1025 : memref<16x128xf32, #tpu.memory_space<vmem_shared>>)
    } else {
    }
    %add3A_792 = arith.constant 0 : i32
    %add3A_793 = arith.addi %add3A_4, %add3A_792 : i32
    %mul3A_794 = arith.constant 128 : i32
    %mul3A_795 = arith.muli %add3A_793, %mul3A_794 : i32
    %dma_start3A = arith.constant 0 : i32
    %dma_start3A_796 = arith.constant 0 : i32
    %dma_start3A_797 = arith.constant 0 : i32
    %dma_start3A_798 = tpu.memref_slice %arg8[%dma_start3A_796, %dma_start3A_797] : memref<2x128xi32, #tpu.memory_space<vmem>> -> memref<1x128xi32, #tpu.memory_space<vmem>>
    %dma_start3A_799 = tpu.memref_squeeze %dma_start3A_798 : memref<1x128xi32, #tpu.memory_space<vmem>> -> memref<128xi32, #tpu.memory_space<vmem>>
    %dma_start3A_800 = tpu.memref_slice %arg3[%dma_start3A, %mul3A_795] : memref<2x320000xi32, #tpu.memory_space<hbm>> -> memref<1x128xi32, #tpu.memory_space<hbm>>
    %dma_start3A_801 = tpu.memref_squeeze %dma_start3A_800 : memref<1x128xi32, #tpu.memory_space<hbm>> -> memref<128xi32, #tpu.memory_space<hbm>>
    %dma_start3A_802 = arith.constant 0 : i32
    %dma_start3A_803 = tpu.memref_slice %arg8[%dma_start3A_796, %dma_start3A_802] : memref<2x128xi32, #tpu.memory_space<vmem>> -> memref<1x128xi32, #tpu.memory_space<vmem>>
    %dma_start3A_804 = tpu.memref_squeeze %dma_start3A_803 : memref<1x128xi32, #tpu.memory_space<vmem>> -> memref<128xi32, #tpu.memory_space<vmem>>
    %dma_start3A_805 = tpu.memref_slice %arg3[%dma_start3A, %mul3A_795] : memref<2x320000xi32, #tpu.memory_space<hbm>> -> memref<1x128xi32, #tpu.memory_space<hbm>>
    %dma_start3A_806 = tpu.memref_squeeze %dma_start3A_805 : memref<1x128xi32, #tpu.memory_space<hbm>> -> memref<128xi32, #tpu.memory_space<hbm>>
    tpu.enqueue_dma source(%dma_start3A_806 : memref<128xi32, #tpu.memory_space<hbm>>) target(%dma_start3A_804 : memref<128xi32, #tpu.memory_space<vmem>>) target_semaphore(%arg21 : memref<!tpu.dma_semaphore, #tpu.memory_space<semaphore_mem>>)
    %dma_start3A_807 = arith.constant 1 : i32
    %dma_start3A_808 = arith.constant 1 : i32
    %dma_start3A_809 = arith.constant 0 : i32
    %dma_start3A_810 = tpu.memref_slice %arg8[%dma_start3A_808, %dma_start3A_809] : memref<2x128xi32, #tpu.memory_space<vmem>> -> memref<1x128xi32, #tpu.memory_space<vmem>>
    %dma_start3A_811 = tpu.memref_squeeze %dma_start3A_810 : memref<1x128xi32, #tpu.memory_space<vmem>> -> memref<128xi32, #tpu.memory_space<vmem>>
    %dma_start3A_812 = tpu.memref_slice %arg3[%dma_start3A_807, %mul3A_795] : memref<2x320000xi32, #tpu.memory_space<hbm>> -> memref<1x128xi32, #tpu.memory_space<hbm>>
    %dma_start3A_813 = tpu.memref_squeeze %dma_start3A_812 : memref<1x128xi32, #tpu.memory_space<hbm>> -> memref<128xi32, #tpu.memory_space<hbm>>
    %dma_start3A_814 = arith.constant 0 : i32
    %dma_start3A_815 = tpu.memref_slice %arg8[%dma_start3A_808, %dma_start3A_814] : memref<2x128xi32, #tpu.memory_space<vmem>> -> memref<1x128xi32, #tpu.memory_space<vmem>>
    %dma_start3A_816 = tpu.memref_squeeze %dma_start3A_815 : memref<1x128xi32, #tpu.memory_space<vmem>> -> memref<128xi32, #tpu.memory_space<vmem>>
    %dma_start3A_817 = tpu.memref_slice %arg3[%dma_start3A_807, %mul3A_795] : memref<2x320000xi32, #tpu.memory_space<hbm>> -> memref<1x128xi32, #tpu.memory_space<hbm>>
    %dma_start3A_818 = tpu.memref_squeeze %dma_start3A_817 : memref<1x128xi32, #tpu.memory_space<hbm>> -> memref<128xi32, #tpu.memory_space<hbm>>
    tpu.enqueue_dma source(%dma_start3A_818 : memref<128xi32, #tpu.memory_space<hbm>>) target(%dma_start3A_816 : memref<128xi32, #tpu.memory_space<vmem>>) target_semaphore(%arg21 : memref<!tpu.dma_semaphore, #tpu.memory_space<semaphore_mem>>)
    %add3A_819 = arith.constant 1 : i32
    %add3A_820 = arith.addi %add3A_4, %add3A_819 : i32
    %mul3A_821 = arith.constant 128 : i32
    %mul3A_822 = arith.muli %add3A_820, %mul3A_821 : i32
    %dma_start3A_823 = arith.constant 0 : i32
    %dma_start3A_824 = arith.constant 0 : i32
    %dma_start3A_825 = arith.constant 0 : i32
    %dma_start3A_826 = tpu.memref_slice %arg9[%dma_start3A_824, %dma_start3A_825] : memref<2x128xi32, #tpu.memory_space<vmem>> -> memref<1x128xi32, #tpu.memory_space<vmem>>
    %dma_start3A_827 = tpu.memref_squeeze %dma_start3A_826 : memref<1x128xi32, #tpu.memory_space<vmem>> -> memref<128xi32, #tpu.memory_space<vmem>>
    %dma_start3A_828 = tpu.memref_slice %arg3[%dma_start3A_823, %mul3A_822] : memref<2x320000xi32, #tpu.memory_space<hbm>> -> memref<1x128xi32, #tpu.memory_space<hbm>>
    %dma_start3A_829 = tpu.memref_squeeze %dma_start3A_828 : memref<1x128xi32, #tpu.memory_space<hbm>> -> memref<128xi32, #tpu.memory_space<hbm>>
    %dma_start3A_830 = arith.constant 0 : i32
    %dma_start3A_831 = tpu.memref_slice %arg9[%dma_start3A_824, %dma_start3A_830] : memref<2x128xi32, #tpu.memory_space<vmem>> -> memref<1x128xi32, #tpu.memory_space<vmem>>
    %dma_start3A_832 = tpu.memref_squeeze %dma_start3A_831 : memref<1x128xi32, #tpu.memory_space<vmem>> -> memref<128xi32, #tpu.memory_space<vmem>>
    %dma_start3A_833 = tpu.memref_slice %arg3[%dma_start3A_823, %mul3A_822] : memref<2x320000xi32, #tpu.memory_space<hbm>> -> memref<1x128xi32, #tpu.memory_space<hbm>>
    %dma_start3A_834 = tpu.memref_squeeze %dma_start3A_833 : memref<1x128xi32, #tpu.memory_space<hbm>> -> memref<128xi32, #tpu.memory_space<hbm>>
    tpu.enqueue_dma source(%dma_start3A_834 : memref<128xi32, #tpu.memory_space<hbm>>) target(%dma_start3A_832 : memref<128xi32, #tpu.memory_space<vmem>>) target_semaphore(%arg22 : memref<!tpu.dma_semaphore, #tpu.memory_space<semaphore_mem>>)
    %dma_start3A_835 = arith.constant 1 : i32
    %dma_start3A_836 = arith.constant 1 : i32
    %dma_start3A_837 = arith.constant 0 : i32
    %dma_start3A_838 = tpu.memref_slice %arg9[%dma_start3A_836, %dma_start3A_837] : memref<2x128xi32, #tpu.memory_space<vmem>> -> memref<1x128xi32, #tpu.memory_space<vmem>>
    %dma_start3A_839 = tpu.memref_squeeze %dma_start3A_838 : memref<1x128xi32, #tpu.memory_space<vmem>> -> memref<128xi32, #tpu.memory_space<vmem>>
    %dma_start3A_840 = tpu.memref_slice %arg3[%dma_start3A_835, %mul3A_822] : memref<2x320000xi32, #tpu.memory_space<hbm>> -> memref<1x128xi32, #tpu.memory_space<hbm>>
    %dma_start3A_841 = tpu.memref_squeeze %dma_start3A_840 : memref<1x128xi32, #tpu.memory_space<hbm>> -> memref<128xi32, #tpu.memory_space<hbm>>
    %dma_start3A_842 = arith.constant 0 : i32
    %dma_start3A_843 = tpu.memref_slice %arg9[%dma_start3A_836, %dma_start3A_842] : memref<2x128xi32, #tpu.memory_space<vmem>> -> memref<1x128xi32, #tpu.memory_space<vmem>>
    %dma_start3A_844 = tpu.memref_squeeze %dma_start3A_843 : memref<1x128xi32, #tpu.memory_space<vmem>> -> memref<128xi32, #tpu.memory_space<vmem>>
    %dma_start3A_845 = tpu.memref_slice %arg3[%dma_start3A_835, %mul3A_822] : memref<2x320000xi32, #tpu.memory_space<hbm>> -> memref<1x128xi32, #tpu.memory_space<hbm>>
    %dma_start3A_846 = tpu.memref_squeeze %dma_start3A_845 : memref<1x128xi32, #tpu.memory_space<hbm>> -> memref<128xi32, #tpu.memory_space<hbm>>
    tpu.enqueue_dma source(%dma_start3A_846 : memref<128xi32, #tpu.memory_space<hbm>>) target(%dma_start3A_844 : memref<128xi32, #tpu.memory_space<vmem>>) target_semaphore(%arg22 : memref<!tpu.dma_semaphore, #tpu.memory_space<semaphore_mem>>)
    %add3A_847 = arith.constant 2 : i32
    %add3A_848 = arith.addi %add3A_4, %add3A_847 : i32
    %mul3A_849 = arith.constant 128 : i32
    %mul3A_850 = arith.muli %add3A_848, %mul3A_849 : i32
    %dma_start3A_851 = arith.constant 0 : i32
    %dma_start3A_852 = arith.constant 0 : i32
    %dma_start3A_853 = arith.constant 0 : i32
    %dma_start3A_854 = tpu.memref_slice %arg10[%dma_start3A_852, %dma_start3A_853] : memref<2x128xi32, #tpu.memory_space<vmem>> -> memref<1x128xi32, #tpu.memory_space<vmem>>
    %dma_start3A_855 = tpu.memref_squeeze %dma_start3A_854 : memref<1x128xi32, #tpu.memory_space<vmem>> -> memref<128xi32, #tpu.memory_space<vmem>>
    %dma_start3A_856 = tpu.memref_slice %arg3[%dma_start3A_851, %mul3A_850] : memref<2x320000xi32, #tpu.memory_space<hbm>> -> memref<1x128xi32, #tpu.memory_space<hbm>>
    %dma_start3A_857 = tpu.memref_squeeze %dma_start3A_856 : memref<1x128xi32, #tpu.memory_space<hbm>> -> memref<128xi32, #tpu.memory_space<hbm>>
    %dma_start3A_858 = arith.constant 0 : i32
    %dma_start3A_859 = tpu.memref_slice %arg10[%dma_start3A_852, %dma_start3A_858] : memref<2x128xi32, #tpu.memory_space<vmem>> -> memref<1x128xi32, #tpu.memory_space<vmem>>
    %dma_start3A_860 = tpu.memref_squeeze %dma_start3A_859 : memref<1x128xi32, #tpu.memory_space<vmem>> -> memref<128xi32, #tpu.memory_space<vmem>>
    %dma_start3A_861 = tpu.memref_slice %arg3[%dma_start3A_851, %mul3A_850] : memref<2x320000xi32, #tpu.memory_space<hbm>> -> memref<1x128xi32, #tpu.memory_space<hbm>>
    %dma_start3A_862 = tpu.memref_squeeze %dma_start3A_861 : memref<1x128xi32, #tpu.memory_space<hbm>> -> memref<128xi32, #tpu.memory_space<hbm>>
    tpu.enqueue_dma source(%dma_start3A_862 : memref<128xi32, #tpu.memory_space<hbm>>) target(%dma_start3A_860 : memref<128xi32, #tpu.memory_space<vmem>>) target_semaphore(%arg23 : memref<!tpu.dma_semaphore, #tpu.memory_space<semaphore_mem>>)
    %dma_start3A_863 = arith.constant 1 : i32
    %dma_start3A_864 = arith.constant 1 : i32
    %dma_start3A_865 = arith.constant 0 : i32
    %dma_start3A_866 = tpu.memref_slice %arg10[%dma_start3A_864, %dma_start3A_865] : memref<2x128xi32, #tpu.memory_space<vmem>> -> memref<1x128xi32, #tpu.memory_space<vmem>>
    %dma_start3A_867 = tpu.memref_squeeze %dma_start3A_866 : memref<1x128xi32, #tpu.memory_space<vmem>> -> memref<128xi32, #tpu.memory_space<vmem>>
    %dma_start3A_868 = tpu.memref_slice %arg3[%dma_start3A_863, %mul3A_850] : memref<2x320000xi32, #tpu.memory_space<hbm>> -> memref<1x128xi32, #tpu.memory_space<hbm>>
    %dma_start3A_869 = tpu.memref_squeeze %dma_start3A_868 : memref<1x128xi32, #tpu.memory_space<hbm>> -> memref<128xi32, #tpu.memory_space<hbm>>
    %dma_start3A_870 = arith.constant 0 : i32
    %dma_start3A_871 = tpu.memref_slice %arg10[%dma_start3A_864, %dma_start3A_870] : memref<2x128xi32, #tpu.memory_space<vmem>> -> memref<1x128xi32, #tpu.memory_space<vmem>>
    %dma_start3A_872 = tpu.memref_squeeze %dma_start3A_871 : memref<1x128xi32, #tpu.memory_space<vmem>> -> memref<128xi32, #tpu.memory_space<vmem>>
    %dma_start3A_873 = tpu.memref_slice %arg3[%dma_start3A_863, %mul3A_850] : memref<2x320000xi32, #tpu.memory_space<hbm>> -> memref<1x128xi32, #tpu.memory_space<hbm>>
    %dma_start3A_874 = tpu.memref_squeeze %dma_start3A_873 : memref<1x128xi32, #tpu.memory_space<hbm>> -> memref<128xi32, #tpu.memory_space<hbm>>
    tpu.enqueue_dma source(%dma_start3A_874 : memref<128xi32, #tpu.memory_space<hbm>>) target(%dma_start3A_872 : memref<128xi32, #tpu.memory_space<vmem>>) target_semaphore(%arg23 : memref<!tpu.dma_semaphore, #tpu.memory_space<semaphore_mem>>)
    %add3A_875 = arith.constant 3 : i32
    %add3A_876 = arith.addi %add3A_4, %add3A_875 : i32
    %mul3A_877 = arith.constant 128 : i32
    %mul3A_878 = arith.muli %add3A_876, %mul3A_877 : i32
    %dma_start3A_879 = arith.constant 0 : i32
    %dma_start3A_880 = arith.constant 0 : i32
    %dma_start3A_881 = arith.constant 0 : i32
    %dma_start3A_882 = tpu.memref_slice %arg11[%dma_start3A_880, %dma_start3A_881] : memref<2x128xi32, #tpu.memory_space<vmem>> -> memref<1x128xi32, #tpu.memory_space<vmem>>
    %dma_start3A_883 = tpu.memref_squeeze %dma_start3A_882 : memref<1x128xi32, #tpu.memory_space<vmem>> -> memref<128xi32, #tpu.memory_space<vmem>>
    %dma_start3A_884 = tpu.memref_slice %arg3[%dma_start3A_879, %mul3A_878] : memref<2x320000xi32, #tpu.memory_space<hbm>> -> memref<1x128xi32, #tpu.memory_space<hbm>>
    %dma_start3A_885 = tpu.memref_squeeze %dma_start3A_884 : memref<1x128xi32, #tpu.memory_space<hbm>> -> memref<128xi32, #tpu.memory_space<hbm>>
    %dma_start3A_886 = arith.constant 0 : i32
    %dma_start3A_887 = tpu.memref_slice %arg11[%dma_start3A_880, %dma_start3A_886] : memref<2x128xi32, #tpu.memory_space<vmem>> -> memref<1x128xi32, #tpu.memory_space<vmem>>
    %dma_start3A_888 = tpu.memref_squeeze %dma_start3A_887 : memref<1x128xi32, #tpu.memory_space<vmem>> -> memref<128xi32, #tpu.memory_space<vmem>>
    %dma_start3A_889 = tpu.memref_slice %arg3[%dma_start3A_879, %mul3A_878] : memref<2x320000xi32, #tpu.memory_space<hbm>> -> memref<1x128xi32, #tpu.memory_space<hbm>>
    %dma_start3A_890 = tpu.memref_squeeze %dma_start3A_889 : memref<1x128xi32, #tpu.memory_space<hbm>> -> memref<128xi32, #tpu.memory_space<hbm>>
    tpu.enqueue_dma source(%dma_start3A_890 : memref<128xi32, #tpu.memory_space<hbm>>) target(%dma_start3A_888 : memref<128xi32, #tpu.memory_space<vmem>>) target_semaphore(%arg24 : memref<!tpu.dma_semaphore, #tpu.memory_space<semaphore_mem>>)
    %dma_start3A_891 = arith.constant 1 : i32
    %dma_start3A_892 = arith.constant 1 : i32
    %dma_start3A_893 = arith.constant 0 : i32
    %dma_start3A_894 = tpu.memref_slice %arg11[%dma_start3A_892, %dma_start3A_893] : memref<2x128xi32, #tpu.memory_space<vmem>> -> memref<1x128xi32, #tpu.memory_space<vmem>>
    %dma_start3A_895 = tpu.memref_squeeze %dma_start3A_894 : memref<1x128xi32, #tpu.memory_space<vmem>> -> memref<128xi32, #tpu.memory_space<vmem>>
    %dma_start3A_896 = tpu.memref_slice %arg3[%dma_start3A_891, %mul3A_878] : memref<2x320000xi32, #tpu.memory_space<hbm>> -> memref<1x128xi32, #tpu.memory_space<hbm>>
    %dma_start3A_897 = tpu.memref_squeeze %dma_start3A_896 : memref<1x128xi32, #tpu.memory_space<hbm>> -> memref<128xi32, #tpu.memory_space<hbm>>
    %dma_start3A_898 = arith.constant 0 : i32
    %dma_start3A_899 = tpu.memref_slice %arg11[%dma_start3A_892, %dma_start3A_898] : memref<2x128xi32, #tpu.memory_space<vmem>> -> memref<1x128xi32, #tpu.memory_space<vmem>>
    %dma_start3A_900 = tpu.memref_squeeze %dma_start3A_899 : memref<1x128xi32, #tpu.memory_space<vmem>> -> memref<128xi32, #tpu.memory_space<vmem>>
    %dma_start3A_901 = tpu.memref_slice %arg3[%dma_start3A_891, %mul3A_878] : memref<2x320000xi32, #tpu.memory_space<hbm>> -> memref<1x128xi32, #tpu.memory_space<hbm>>
    %dma_start3A_902 = tpu.memref_squeeze %dma_start3A_901 : memref<1x128xi32, #tpu.memory_space<hbm>> -> memref<128xi32, #tpu.memory_space<hbm>>
    tpu.enqueue_dma source(%dma_start3A_902 : memref<128xi32, #tpu.memory_space<hbm>>) target(%dma_start3A_900 : memref<128xi32, #tpu.memory_space<vmem>>) target_semaphore(%arg24 : memref<!tpu.dma_semaphore, #tpu.memory_space<semaphore_mem>>)
    %add3A_903 = arith.constant 4 : i32
    %add3A_904 = arith.addi %add3A_4, %add3A_903 : i32
    %mul3A_905 = arith.constant 128 : i32
    %mul3A_906 = arith.muli %add3A_904, %mul3A_905 : i32
    %dma_start3A_907 = arith.constant 0 : i32
    %dma_start3A_908 = arith.constant 0 : i32
    %dma_start3A_909 = arith.constant 0 : i32
    %dma_start3A_910 = tpu.memref_slice %arg12[%dma_start3A_908, %dma_start3A_909] : memref<2x128xi32, #tpu.memory_space<vmem>> -> memref<1x128xi32, #tpu.memory_space<vmem>>
    %dma_start3A_911 = tpu.memref_squeeze %dma_start3A_910 : memref<1x128xi32, #tpu.memory_space<vmem>> -> memref<128xi32, #tpu.memory_space<vmem>>
    %dma_start3A_912 = tpu.memref_slice %arg3[%dma_start3A_907, %mul3A_906] : memref<2x320000xi32, #tpu.memory_space<hbm>> -> memref<1x128xi32, #tpu.memory_space<hbm>>
    %dma_start3A_913 = tpu.memref_squeeze %dma_start3A_912 : memref<1x128xi32, #tpu.memory_space<hbm>> -> memref<128xi32, #tpu.memory_space<hbm>>
    %dma_start3A_914 = arith.constant 0 : i32
    %dma_start3A_915 = tpu.memref_slice %arg12[%dma_start3A_908, %dma_start3A_914] : memref<2x128xi32, #tpu.memory_space<vmem>> -> memref<1x128xi32, #tpu.memory_space<vmem>>
    %dma_start3A_916 = tpu.memref_squeeze %dma_start3A_915 : memref<1x128xi32, #tpu.memory_space<vmem>> -> memref<128xi32, #tpu.memory_space<vmem>>
    %dma_start3A_917 = tpu.memref_slice %arg3[%dma_start3A_907, %mul3A_906] : memref<2x320000xi32, #tpu.memory_space<hbm>> -> memref<1x128xi32, #tpu.memory_space<hbm>>
    %dma_start3A_918 = tpu.memref_squeeze %dma_start3A_917 : memref<1x128xi32, #tpu.memory_space<hbm>> -> memref<128xi32, #tpu.memory_space<hbm>>
    tpu.enqueue_dma source(%dma_start3A_918 : memref<128xi32, #tpu.memory_space<hbm>>) target(%dma_start3A_916 : memref<128xi32, #tpu.memory_space<vmem>>) target_semaphore(%arg25 : memref<!tpu.dma_semaphore, #tpu.memory_space<semaphore_mem>>)
    %dma_start3A_919 = arith.constant 1 : i32
    %dma_start3A_920 = arith.constant 1 : i32
    %dma_start3A_921 = arith.constant 0 : i32
    %dma_start3A_922 = tpu.memref_slice %arg12[%dma_start3A_920, %dma_start3A_921] : memref<2x128xi32, #tpu.memory_space<vmem>> -> memref<1x128xi32, #tpu.memory_space<vmem>>
    %dma_start3A_923 = tpu.memref_squeeze %dma_start3A_922 : memref<1x128xi32, #tpu.memory_space<vmem>> -> memref<128xi32, #tpu.memory_space<vmem>>
    %dma_start3A_924 = tpu.memref_slice %arg3[%dma_start3A_919, %mul3A_906] : memref<2x320000xi32, #tpu.memory_space<hbm>> -> memref<1x128xi32, #tpu.memory_space<hbm>>
    %dma_start3A_925 = tpu.memref_squeeze %dma_start3A_924 : memref<1x128xi32, #tpu.memory_space<hbm>> -> memref<128xi32, #tpu.memory_space<hbm>>
    %dma_start3A_926 = arith.constant 0 : i32
    %dma_start3A_927 = tpu.memref_slice %arg12[%dma_start3A_920, %dma_start3A_926] : memref<2x128xi32, #tpu.memory_space<vmem>> -> memref<1x128xi32, #tpu.memory_space<vmem>>
    %dma_start3A_928 = tpu.memref_squeeze %dma_start3A_927 : memref<1x128xi32, #tpu.memory_space<vmem>> -> memref<128xi32, #tpu.memory_space<vmem>>
    %dma_start3A_929 = tpu.memref_slice %arg3[%dma_start3A_919, %mul3A_906] : memref<2x320000xi32, #tpu.memory_space<hbm>> -> memref<1x128xi32, #tpu.memory_space<hbm>>
    %dma_start3A_930 = tpu.memref_squeeze %dma_start3A_929 : memref<1x128xi32, #tpu.memory_space<hbm>> -> memref<128xi32, #tpu.memory_space<hbm>>
    tpu.enqueue_dma source(%dma_start3A_930 : memref<128xi32, #tpu.memory_space<hbm>>) target(%dma_start3A_928 : memref<128xi32, #tpu.memory_space<vmem>>) target_semaphore(%arg25 : memref<!tpu.dma_semaphore, #tpu.memory_space<semaphore_mem>>)
    %add3A_931 = arith.constant 5 : i32
    %add3A_932 = arith.addi %add3A_4, %add3A_931 : i32
    %mul3A_933 = arith.constant 128 : i32
    %mul3A_934 = arith.muli %add3A_932, %mul3A_933 : i32
    %dma_start3A_935 = arith.constant 0 : i32
    %dma_start3A_936 = arith.constant 0 : i32
    %dma_start3A_937 = arith.constant 0 : i32
    %dma_start3A_938 = tpu.memref_slice %arg13[%dma_start3A_936, %dma_start3A_937] : memref<2x128xi32, #tpu.memory_space<vmem>> -> memref<1x128xi32, #tpu.memory_space<vmem>>
    %dma_start3A_939 = tpu.memref_squeeze %dma_start3A_938 : memref<1x128xi32, #tpu.memory_space<vmem>> -> memref<128xi32, #tpu.memory_space<vmem>>
    %dma_start3A_940 = tpu.memref_slice %arg3[%dma_start3A_935, %mul3A_934] : memref<2x320000xi32, #tpu.memory_space<hbm>> -> memref<1x128xi32, #tpu.memory_space<hbm>>
    %dma_start3A_941 = tpu.memref_squeeze %dma_start3A_940 : memref<1x128xi32, #tpu.memory_space<hbm>> -> memref<128xi32, #tpu.memory_space<hbm>>
    %dma_start3A_942 = arith.constant 0 : i32
    %dma_start3A_943 = tpu.memref_slice %arg13[%dma_start3A_936, %dma_start3A_942] : memref<2x128xi32, #tpu.memory_space<vmem>> -> memref<1x128xi32, #tpu.memory_space<vmem>>
    %dma_start3A_944 = tpu.memref_squeeze %dma_start3A_943 : memref<1x128xi32, #tpu.memory_space<vmem>> -> memref<128xi32, #tpu.memory_space<vmem>>
    %dma_start3A_945 = tpu.memref_slice %arg3[%dma_start3A_935, %mul3A_934] : memref<2x320000xi32, #tpu.memory_space<hbm>> -> memref<1x128xi32, #tpu.memory_space<hbm>>
    %dma_start3A_946 = tpu.memref_squeeze %dma_start3A_945 : memref<1x128xi32, #tpu.memory_space<hbm>> -> memref<128xi32, #tpu.memory_space<hbm>>
    tpu.enqueue_dma source(%dma_start3A_946 : memref<128xi32, #tpu.memory_space<hbm>>) target(%dma_start3A_944 : memref<128xi32, #tpu.memory_space<vmem>>) target_semaphore(%arg26 : memref<!tpu.dma_semaphore, #tpu.memory_space<semaphore_mem>>)
    %dma_start3A_947 = arith.constant 1 : i32
    %dma_start3A_948 = arith.constant 1 : i32
    %dma_start3A_949 = arith.constant 0 : i32
    %dma_start3A_950 = tpu.memref_slice %arg13[%dma_start3A_948, %dma_start3A_949] : memref<2x128xi32, #tpu.memory_space<vmem>> -> memref<1x128xi32, #tpu.memory_space<vmem>>
    %dma_start3A_951 = tpu.memref_squeeze %dma_start3A_950 : memref<1x128xi32, #tpu.memory_space<vmem>> -> memref<128xi32, #tpu.memory_space<vmem>>
    %dma_start3A_952 = tpu.memref_slice %arg3[%dma_start3A_947, %mul3A_934] : memref<2x320000xi32, #tpu.memory_space<hbm>> -> memref<1x128xi32, #tpu.memory_space<hbm>>
    %dma_start3A_953 = tpu.memref_squeeze %dma_start3A_952 : memref<1x128xi32, #tpu.memory_space<hbm>> -> memref<128xi32, #tpu.memory_space<hbm>>
    %dma_start3A_954 = arith.constant 0 : i32
    %dma_start3A_955 = tpu.memref_slice %arg13[%dma_start3A_948, %dma_start3A_954] : memref<2x128xi32, #tpu.memory_space<vmem>> -> memref<1x128xi32, #tpu.memory_space<vmem>>
    %dma_start3A_956 = tpu.memref_squeeze %dma_start3A_955 : memref<1x128xi32, #tpu.memory_space<vmem>> -> memref<128xi32, #tpu.memory_space<vmem>>
    %dma_start3A_957 = tpu.memref_slice %arg3[%dma_start3A_947, %mul3A_934] : memref<2x320000xi32, #tpu.memory_space<hbm>> -> memref<1x128xi32, #tpu.memory_space<hbm>>
    %dma_start3A_958 = tpu.memref_squeeze %dma_start3A_957 : memref<1x128xi32, #tpu.memory_space<hbm>> -> memref<128xi32, #tpu.memory_space<hbm>>
    tpu.enqueue_dma source(%dma_start3A_958 : memref<128xi32, #tpu.memory_space<hbm>>) target(%dma_start3A_956 : memref<128xi32, #tpu.memory_space<vmem>>) target_semaphore(%arg26 : memref<!tpu.dma_semaphore, #tpu.memory_space<semaphore_mem>>)
    %dma_wait3A = arith.constant 0 : i32
    %dma_wait3A_959 = arith.constant 0 : i32
    %dma_wait3A_960 = tpu.memref_slice %arg3[%dma_wait3A, %dma_wait3A_959] : memref<2x320000xi32, #tpu.memory_space<hbm>> -> memref<2x128xi32, #tpu.memory_space<hbm>>
    %dma_wait3A_961 = arith.constant 0 : i32
    %dma_wait3A_962 = arith.constant 0 : i32
    %dma_wait3A_963 = tpu.memref_slice %arg3[%dma_wait3A_961, %dma_wait3A_962] : memref<2x320000xi32, #tpu.memory_space<hbm>> -> memref<2x128xi32, #tpu.memory_space<hbm>>
    tpu.wait_dma2 semaphore(%arg21 : memref<!tpu.dma_semaphore, #tpu.memory_space<semaphore_mem>>) src(%dma_wait3A_963 : memref<2x128xi32, #tpu.memory_space<hbm>>) dst(%arg8 : memref<2x128xi32, #tpu.memory_space<vmem>>)
    %dma_start3A_964 = arith.constant 0 : i32
    %dma_start3A_965 = arith.constant 0 : i32
    %dma_start3A_966 = tpu.memref_slice %arg8[%dma_start3A_964, %dma_start3A_965] : memref<2x128xi32, #tpu.memory_space<vmem>> -> memref<1x128xi32, #tpu.memory_space<vmem>>
    %dma_start3A_967 = tpu.memref_squeeze %dma_start3A_966 : memref<1x128xi32, #tpu.memory_space<vmem>> -> memref<128xi32, #tpu.memory_space<vmem>>
    %dma_start3A_968 = arith.constant 0 : i32
    %dma_start3A_969 = arith.constant 0 : i32
    %dma_start3A_970 = tpu.memref_slice %arg2[%dma_start3A_968, %dma_start3A_969] : memref<10000x128xf32, #tpu.memory_space<hbm>> -> memref<10000x128xf32, #tpu.memory_space<hbm>>
    tpu.enqueue_indirect_dma source(%dma_start3A_970 : memref<10000x128xf32, #tpu.memory_space<hbm>>) target(%arg5 : memref<128x128xf32, #tpu.memory_space<vmem>>) offsets(%dma_start3A_967 : memref<128xi32, #tpu.memory_space<vmem>>) semaphore(%arg15 : memref<!tpu.dma_semaphore, #tpu.memory_space<semaphore_mem>>)
    %dma_wait3A_971 = arith.constant 0 : i32
    %dma_wait3A_972 = arith.constant 0 : i32
    %dma_wait3A_973 = tpu.memref_slice %arg3[%dma_wait3A_971, %dma_wait3A_972] : memref<2x320000xi32, #tpu.memory_space<hbm>> -> memref<2x128xi32, #tpu.memory_space<hbm>>
    %dma_wait3A_974 = arith.constant 0 : i32
    %dma_wait3A_975 = arith.constant 0 : i32
    %dma_wait3A_976 = tpu.memref_slice %arg3[%dma_wait3A_974, %dma_wait3A_975] : memref<2x320000xi32, #tpu.memory_space<hbm>> -> memref<2x128xi32, #tpu.memory_space<hbm>>
    tpu.wait_dma2 semaphore(%arg22 : memref<!tpu.dma_semaphore, #tpu.memory_space<semaphore_mem>>) src(%dma_wait3A_976 : memref<2x128xi32, #tpu.memory_space<hbm>>) dst(%arg9 : memref<2x128xi32, #tpu.memory_space<vmem>>)
    %dma_start3A_977 = arith.constant 0 : i32
    %dma_start3A_978 = arith.constant 0 : i32
    %dma_start3A_979 = tpu.memref_slice %arg9[%dma_start3A_977, %dma_start3A_978] : memref<2x128xi32, #tpu.memory_space<vmem>> -> memref<1x128xi32, #tpu.memory_space<vmem>>
    %dma_start3A_980 = tpu.memref_squeeze %dma_start3A_979 : memref<1x128xi32, #tpu.memory_space<vmem>> -> memref<128xi32, #tpu.memory_space<vmem>>
    %dma_start3A_981 = arith.constant 0 : i32
    %dma_start3A_982 = arith.constant 0 : i32
    %dma_start3A_983 = tpu.memref_slice %arg2[%dma_start3A_981, %dma_start3A_982] : memref<10000x128xf32, #tpu.memory_space<hbm>> -> memref<10000x128xf32, #tpu.memory_space<hbm>>
    tpu.enqueue_indirect_dma source(%dma_start3A_983 : memref<10000x128xf32, #tpu.memory_space<hbm>>) target(%arg6 : memref<128x128xf32, #tpu.memory_space<vmem>>) offsets(%dma_start3A_980 : memref<128xi32, #tpu.memory_space<vmem>>) semaphore(%arg16 : memref<!tpu.dma_semaphore, #tpu.memory_space<semaphore_mem>>)
    %dma_wait3A_984 = arith.constant 0 : i32
    %dma_wait3A_985 = arith.constant 0 : i32
    %dma_wait3A_986 = tpu.memref_slice %arg3[%dma_wait3A_984, %dma_wait3A_985] : memref<2x320000xi32, #tpu.memory_space<hbm>> -> memref<2x128xi32, #tpu.memory_space<hbm>>
    %dma_wait3A_987 = arith.constant 0 : i32
    %dma_wait3A_988 = arith.constant 0 : i32
    %dma_wait3A_989 = tpu.memref_slice %arg3[%dma_wait3A_987, %dma_wait3A_988] : memref<2x320000xi32, #tpu.memory_space<hbm>> -> memref<2x128xi32, #tpu.memory_space<hbm>>
    tpu.wait_dma2 semaphore(%arg23 : memref<!tpu.dma_semaphore, #tpu.memory_space<semaphore_mem>>) src(%dma_wait3A_989 : memref<2x128xi32, #tpu.memory_space<hbm>>) dst(%arg10 : memref<2x128xi32, #tpu.memory_space<vmem>>)
    %dma_start3A_990 = arith.constant 0 : i32
    %dma_start3A_991 = arith.constant 0 : i32
    %dma_start3A_992 = tpu.memref_slice %arg10[%dma_start3A_990, %dma_start3A_991] : memref<2x128xi32, #tpu.memory_space<vmem>> -> memref<1x128xi32, #tpu.memory_space<vmem>>
    %dma_start3A_993 = tpu.memref_squeeze %dma_start3A_992 : memref<1x128xi32, #tpu.memory_space<vmem>> -> memref<128xi32, #tpu.memory_space<vmem>>
    %dma_start3A_994 = arith.constant 0 : i32
    %dma_start3A_995 = arith.constant 0 : i32
    %dma_start3A_996 = tpu.memref_slice %arg2[%dma_start3A_994, %dma_start3A_995] : memref<10000x128xf32, #tpu.memory_space<hbm>> -> memref<10000x128xf32, #tpu.memory_space<hbm>>
    tpu.enqueue_indirect_dma source(%dma_start3A_996 : memref<10000x128xf32, #tpu.memory_space<hbm>>) target(%arg7 : memref<128x128xf32, #tpu.memory_space<vmem>>) offsets(%dma_start3A_993 : memref<128xi32, #tpu.memory_space<vmem>>) semaphore(%arg17 : memref<!tpu.dma_semaphore, #tpu.memory_space<semaphore_mem>>)
    %barrier3A = arith.constant 0 : index
    tpu.barrier barrier_id(%barrier3A)
    %jit3A = arith.constant 79 : i32
    %jit3A_997 = arith.constant 78 : i32
    %select_n3A = arith.select %lt3A_5, %jit3A, %jit3A_997 : i32
    %scan3A_998 = arith.constant 0 : i32
    %scan3A_999 = arith.constant 0 : i32
    %scan3A_1000 = arith.constant 13 : i32
    %scan3A_1001 = arith.addi %scan3A_999, %scan3A_1000 : i32
    %scan3A_1002 = arith.constant 1 : i32
    scf.for %scan3A_1017 = %scan3A_999 to %scan3A_1001 step %scan3A_1002  : i32 {
      %mul3A_1018 = arith.constant 6 : i32
      %mul3A_1019 = arith.muli %scan3A_1017, %mul3A_1018 : i32
      %add3A_1020 = arith.constant 0 : i32
      %add3A_1021 = arith.addi %mul3A_1019, %add3A_1020 : i32
      %dma_wait3A_1022 = arith.constant 0 : i32
      %dma_wait3A_1023 = arith.constant 0 : i32
      %dma_wait3A_1024 = tpu.memref_slice %arg8[%dma_wait3A_1022, %dma_wait3A_1023] : memref<2x128xi32, #tpu.memory_space<vmem>> -> memref<1x128xi32, #tpu.memory_space<vmem>>
      %dma_wait3A_1025 = tpu.memref_squeeze %dma_wait3A_1024 : memref<1x128xi32, #tpu.memory_space<vmem>> -> memref<128xi32, #tpu.memory_space<vmem>>
      %dma_wait3A_1026 = arith.constant 0 : i32
      %dma_wait3A_1027 = arith.constant 0 : i32
      %dma_wait3A_1028 = tpu.memref_slice %arg2[%dma_wait3A_1026, %dma_wait3A_1027] : memref<10000x128xf32, #tpu.memory_space<hbm>> -> memref<10000x128xf32, #tpu.memory_space<hbm>>
      tpu.wait_indirect_dma semaphore(%arg15 : memref<!tpu.dma_semaphore, #tpu.memory_space<semaphore_mem>>) src(%dma_wait3A_1028 : memref<10000x128xf32, #tpu.memory_space<hbm>>) dst(%arg5 : memref<128x128xf32, #tpu.memory_space<vmem>>)
      %dma_start3A_1029 = arith.constant 1 : i32
      %dma_start3A_1030 = arith.constant 0 : i32
      %dma_start3A_1031 = tpu.memref_slice %arg8[%dma_start3A_1029, %dma_start3A_1030] : memref<2x128xi32, #tpu.memory_space<vmem>> -> memref<1x128xi32, #tpu.memory_space<vmem>>
      %dma_start3A_1032 = tpu.memref_squeeze %dma_start3A_1031 : memref<1x128xi32, #tpu.memory_space<vmem>> -> memref<128xi32, #tpu.memory_space<vmem>>
      %dma_start3A_1033 = arith.constant 0 : i32
      %dma_start3A_1034 = arith.constant 0 : i32
      %dma_start3A_1035 = tpu.memref_slice %arg14[%dma_start3A_1033, %dma_start3A_1034] : memref<10000x128xf32, #tpu.memory_space<vmem_shared>> -> memref<10000x128xf32, #tpu.memory_space<vmem_shared>>
      tpu.enqueue_indirect_dma source(%arg5 : memref<128x128xf32, #tpu.memory_space<vmem>>) target(%dma_start3A_1035 : memref<10000x128xf32, #tpu.memory_space<vmem_shared>>) offsets(%dma_start3A_1032 : memref<128xi32, #tpu.memory_space<vmem>>) semaphore(%arg18 : memref<!tpu.dma_semaphore, #tpu.memory_space<semaphore_mem>>) {add = true}
      %add3A_1036 = arith.constant 1 : i32
      %add3A_1037 = arith.addi %mul3A_1019, %add3A_1036 : i32
      %dma_wait3A_1038 = arith.constant 0 : i32
      %dma_wait3A_1039 = arith.constant 0 : i32
      %dma_wait3A_1040 = tpu.memref_slice %arg9[%dma_wait3A_1038, %dma_wait3A_1039] : memref<2x128xi32, #tpu.memory_space<vmem>> -> memref<1x128xi32, #tpu.memory_space<vmem>>
      %dma_wait3A_1041 = tpu.memref_squeeze %dma_wait3A_1040 : memref<1x128xi32, #tpu.memory_space<vmem>> -> memref<128xi32, #tpu.memory_space<vmem>>
      %dma_wait3A_1042 = arith.constant 0 : i32
      %dma_wait3A_1043 = arith.constant 0 : i32
      %dma_wait3A_1044 = tpu.memref_slice %arg2[%dma_wait3A_1042, %dma_wait3A_1043] : memref<10000x128xf32, #tpu.memory_space<hbm>> -> memref<10000x128xf32, #tpu.memory_space<hbm>>
      tpu.wait_indirect_dma semaphore(%arg16 : memref<!tpu.dma_semaphore, #tpu.memory_space<semaphore_mem>>) src(%dma_wait3A_1044 : memref<10000x128xf32, #tpu.memory_space<hbm>>) dst(%arg6 : memref<128x128xf32, #tpu.memory_space<vmem>>)
      %dma_start3A_1045 = arith.constant 1 : i32
      %dma_start3A_1046 = arith.constant 0 : i32
      %dma_start3A_1047 = tpu.memref_slice %arg9[%dma_start3A_1045, %dma_start3A_1046] : memref<2x128xi32, #tpu.memory_space<vmem>> -> memref<1x128xi32, #tpu.memory_space<vmem>>
      %dma_start3A_1048 = tpu.memref_squeeze %dma_start3A_1047 : memref<1x128xi32, #tpu.memory_space<vmem>> -> memref<128xi32, #tpu.memory_space<vmem>>
      %dma_start3A_1049 = arith.constant 0 : i32
      %dma_start3A_1050 = arith.constant 0 : i32
      %dma_start3A_1051 = tpu.memref_slice %arg14[%dma_start3A_1049, %dma_start3A_1050] : memref<10000x128xf32, #tpu.memory_space<vmem_shared>> -> memref<10000x128xf32, #tpu.memory_space<vmem_shared>>
      tpu.enqueue_indirect_dma source(%arg6 : memref<128x128xf32, #tpu.memory_space<vmem>>) target(%dma_start3A_1051 : memref<10000x128xf32, #tpu.memory_space<vmem_shared>>) offsets(%dma_start3A_1048 : memref<128xi32, #tpu.memory_space<vmem>>) semaphore(%arg19 : memref<!tpu.dma_semaphore, #tpu.memory_space<semaphore_mem>>) {add = true}
      %add3A_1052 = arith.constant 2 : i32
      %add3A_1053 = arith.addi %mul3A_1019, %add3A_1052 : i32
      %dma_wait3A_1054 = arith.constant 0 : i32
      %dma_wait3A_1055 = arith.constant 0 : i32
      %dma_wait3A_1056 = tpu.memref_slice %arg10[%dma_wait3A_1054, %dma_wait3A_1055] : memref<2x128xi32, #tpu.memory_space<vmem>> -> memref<1x128xi32, #tpu.memory_space<vmem>>
      %dma_wait3A_1057 = tpu.memref_squeeze %dma_wait3A_1056 : memref<1x128xi32, #tpu.memory_space<vmem>> -> memref<128xi32, #tpu.memory_space<vmem>>
      %dma_wait3A_1058 = arith.constant 0 : i32
      %dma_wait3A_1059 = arith.constant 0 : i32
      %dma_wait3A_1060 = tpu.memref_slice %arg2[%dma_wait3A_1058, %dma_wait3A_1059] : memref<10000x128xf32, #tpu.memory_space<hbm>> -> memref<10000x128xf32, #tpu.memory_space<hbm>>
      tpu.wait_indirect_dma semaphore(%arg17 : memref<!tpu.dma_semaphore, #tpu.memory_space<semaphore_mem>>) src(%dma_wait3A_1060 : memref<10000x128xf32, #tpu.memory_space<hbm>>) dst(%arg7 : memref<128x128xf32, #tpu.memory_space<vmem>>)
      %dma_start3A_1061 = arith.constant 1 : i32
      %dma_start3A_1062 = arith.constant 0 : i32
      %dma_start3A_1063 = tpu.memref_slice %arg10[%dma_start3A_1061, %dma_start3A_1062] : memref<2x128xi32, #tpu.memory_space<vmem>> -> memref<1x128xi32, #tpu.memory_space<vmem>>
      %dma_start3A_1064 = tpu.memref_squeeze %dma_start3A_1063 : memref<1x128xi32, #tpu.memory_space<vmem>> -> memref<128xi32, #tpu.memory_space<vmem>>
      %dma_start3A_1065 = arith.constant 0 : i32
      %dma_start3A_1066 = arith.constant 0 : i32
      %dma_start3A_1067 = tpu.memref_slice %arg14[%dma_start3A_1065, %dma_start3A_1066] : memref<10000x128xf32, #tpu.memory_space<vmem_shared>> -> memref<10000x128xf32, #tpu.memory_space<vmem_shared>>
      tpu.enqueue_indirect_dma source(%arg7 : memref<128x128xf32, #tpu.memory_space<vmem>>) target(%dma_start3A_1067 : memref<10000x128xf32, #tpu.memory_space<vmem_shared>>) offsets(%dma_start3A_1064 : memref<128xi32, #tpu.memory_space<vmem>>) semaphore(%arg20 : memref<!tpu.dma_semaphore, #tpu.memory_space<semaphore_mem>>) {add = true}
      %add3A_1068 = arith.constant 0 : i32
      %add3A_1069 = arith.addi %mul3A_1019, %add3A_1068 : i32
      %dma_wait3A_1070 = arith.constant 1 : i32
      %dma_wait3A_1071 = arith.constant 0 : i32
      %dma_wait3A_1072 = tpu.memref_slice %arg8[%dma_wait3A_1070, %dma_wait3A_1071] : memref<2x128xi32, #tpu.memory_space<vmem>> -> memref<1x128xi32, #tpu.memory_space<vmem>>
      %dma_wait3A_1073 = tpu.memref_squeeze %dma_wait3A_1072 : memref<1x128xi32, #tpu.memory_space<vmem>> -> memref<128xi32, #tpu.memory_space<vmem>>
      %dma_wait3A_1074 = arith.constant 0 : i32
      %dma_wait3A_1075 = arith.constant 0 : i32
      %dma_wait3A_1076 = tpu.memref_slice %arg14[%dma_wait3A_1074, %dma_wait3A_1075] : memref<10000x128xf32, #tpu.memory_space<vmem_shared>> -> memref<10000x128xf32, #tpu.memory_space<vmem_shared>>
      tpu.wait_indirect_dma semaphore(%arg18 : memref<!tpu.dma_semaphore, #tpu.memory_space<semaphore_mem>>) src(%arg5 : memref<128x128xf32, #tpu.memory_space<vmem>>) dst(%dma_wait3A_1076 : memref<10000x128xf32, #tpu.memory_space<vmem_shared>>)
      %add3A_1077 = arith.constant 6 : i32
      %add3A_1078 = arith.addi %add3A_1069, %add3A_1077 : i32
      %lt3A_1079 = arith.cmpi slt, %add3A_1078, %select_n3A : i32
      %convert_element_type3A_1080 = arith.extui %lt3A_1079 : i1 to i32
      %cond3A_1081 = arith.constant 0 : i32
      %cond3A_1082 = arith.cmpi ne, %convert_element_type3A_1080, %cond3A_1081 : i32
      scf.if %cond3A_1082 {
        %add3A_1242 = arith.constant 6 : i32
        %add3A_1243 = arith.addi %add3A_1069, %add3A_1242 : i32
        %add3A_1244 = arith.addi %add3A_4, %add3A_1243 : i32
        %mul3A_1245 = arith.constant 128 : i32
        %mul3A_1246 = arith.muli %add3A_1244, %mul3A_1245 : i32
        %dma_start3A_1247 = arith.constant 0 : i32
        %dma_start3A_1248 = arith.constant 0 : i32
        %dma_start3A_1249 = arith.constant 0 : i32
        %dma_start3A_1250 = tpu.memref_slice %arg8[%dma_start3A_1248, %dma_start3A_1249] : memref<2x128xi32, #tpu.memory_space<vmem>> -> memref<1x128xi32, #tpu.memory_space<vmem>>
        %dma_start3A_1251 = tpu.memref_squeeze %dma_start3A_1250 : memref<1x128xi32, #tpu.memory_space<vmem>> -> memref<128xi32, #tpu.memory_space<vmem>>
        %dma_start3A_1252 = tpu.memref_slice %arg3[%dma_start3A_1247, %mul3A_1246] : memref<2x320000xi32, #tpu.memory_space<hbm>> -> memref<1x128xi32, #tpu.memory_space<hbm>>
        %dma_start3A_1253 = tpu.memref_squeeze %dma_start3A_1252 : memref<1x128xi32, #tpu.memory_space<hbm>> -> memref<128xi32, #tpu.memory_space<hbm>>
        %dma_start3A_1254 = arith.constant 0 : i32
        %dma_start3A_1255 = tpu.memref_slice %arg8[%dma_start3A_1248, %dma_start3A_1254] : memref<2x128xi32, #tpu.memory_space<vmem>> -> memref<1x128xi32, #tpu.memory_space<vmem>>
        %dma_start3A_1256 = tpu.memref_squeeze %dma_start3A_1255 : memref<1x128xi32, #tpu.memory_space<vmem>> -> memref<128xi32, #tpu.memory_space<vmem>>
        %dma_start3A_1257 = tpu.memref_slice %arg3[%dma_start3A_1247, %mul3A_1246] : memref<2x320000xi32, #tpu.memory_space<hbm>> -> memref<1x128xi32, #tpu.memory_space<hbm>>
        %dma_start3A_1258 = tpu.memref_squeeze %dma_start3A_1257 : memref<1x128xi32, #tpu.memory_space<hbm>> -> memref<128xi32, #tpu.memory_space<hbm>>
        tpu.enqueue_dma source(%dma_start3A_1258 : memref<128xi32, #tpu.memory_space<hbm>>) target(%dma_start3A_1256 : memref<128xi32, #tpu.memory_space<vmem>>) target_semaphore(%arg21 : memref<!tpu.dma_semaphore, #tpu.memory_space<semaphore_mem>>)
        %dma_start3A_1259 = arith.constant 1 : i32
        %dma_start3A_1260 = arith.constant 1 : i32
        %dma_start3A_1261 = arith.constant 0 : i32
        %dma_start3A_1262 = tpu.memref_slice %arg8[%dma_start3A_1260, %dma_start3A_1261] : memref<2x128xi32, #tpu.memory_space<vmem>> -> memref<1x128xi32, #tpu.memory_space<vmem>>
        %dma_start3A_1263 = tpu.memref_squeeze %dma_start3A_1262 : memref<1x128xi32, #tpu.memory_space<vmem>> -> memref<128xi32, #tpu.memory_space<vmem>>
        %dma_start3A_1264 = tpu.memref_slice %arg3[%dma_start3A_1259, %mul3A_1246] : memref<2x320000xi32, #tpu.memory_space<hbm>> -> memref<1x128xi32, #tpu.memory_space<hbm>>
        %dma_start3A_1265 = tpu.memref_squeeze %dma_start3A_1264 : memref<1x128xi32, #tpu.memory_space<hbm>> -> memref<128xi32, #tpu.memory_space<hbm>>
        %dma_start3A_1266 = arith.constant 0 : i32
        %dma_start3A_1267 = tpu.memref_slice %arg8[%dma_start3A_1260, %dma_start3A_1266] : memref<2x128xi32, #tpu.memory_space<vmem>> -> memref<1x128xi32, #tpu.memory_space<vmem>>
        %dma_start3A_1268 = tpu.memref_squeeze %dma_start3A_1267 : memref<1x128xi32, #tpu.memory_space<vmem>> -> memref<128xi32, #tpu.memory_space<vmem>>
        %dma_start3A_1269 = tpu.memref_slice %arg3[%dma_start3A_1259, %mul3A_1246] : memref<2x320000xi32, #tpu.memory_space<hbm>> -> memref<1x128xi32, #tpu.memory_space<hbm>>
        %dma_start3A_1270 = tpu.memref_squeeze %dma_start3A_1269 : memref<1x128xi32, #tpu.memory_space<hbm>> -> memref<128xi32, #tpu.memory_space<hbm>>
        tpu.enqueue_dma source(%dma_start3A_1270 : memref<128xi32, #tpu.memory_space<hbm>>) target(%dma_start3A_1268 : memref<128xi32, #tpu.memory_space<vmem>>) target_semaphore(%arg21 : memref<!tpu.dma_semaphore, #tpu.memory_space<semaphore_mem>>)
      } else {
      }
      %add3A_1083 = arith.constant 3 : i32
      %add3A_1084 = arith.addi %add3A_1069, %add3A_1083 : i32
      %lt3A_1085 = arith.cmpi slt, %add3A_1084, %select_n3A : i32
      %convert_element_type3A_1086 = arith.extui %lt3A_1085 : i1 to i32
      %cond3A_1087 = arith.constant 0 : i32
      %cond3A_1088 = arith.cmpi ne, %convert_element_type3A_1086, %cond3A_1087 : i32
      scf.if %cond3A_1088 {
        %dma_wait3A_1242 = arith.constant 0 : i32
        %dma_wait3A_1243 = arith.constant 0 : i32
        %dma_wait3A_1244 = tpu.memref_slice %arg3[%dma_wait3A_1242, %dma_wait3A_1243] : memref<2x320000xi32, #tpu.memory_space<hbm>> -> memref<2x128xi32, #tpu.memory_space<hbm>>
        %dma_wait3A_1245 = arith.constant 0 : i32
        %dma_wait3A_1246 = arith.constant 0 : i32
        %dma_wait3A_1247 = tpu.memref_slice %arg3[%dma_wait3A_1245, %dma_wait3A_1246] : memref<2x320000xi32, #tpu.memory_space<hbm>> -> memref<2x128xi32, #tpu.memory_space<hbm>>
        tpu.wait_dma2 semaphore(%arg24 : memref<!tpu.dma_semaphore, #tpu.memory_space<semaphore_mem>>) src(%dma_wait3A_1247 : memref<2x128xi32, #tpu.memory_space<hbm>>) dst(%arg11 : memref<2x128xi32, #tpu.memory_space<vmem>>)
        %dma_start3A_1248 = arith.constant 0 : i32
        %dma_start3A_1249 = arith.constant 0 : i32
        %dma_start3A_1250 = tpu.memref_slice %arg11[%dma_start3A_1248, %dma_start3A_1249] : memref<2x128xi32, #tpu.memory_space<vmem>> -> memref<1x128xi32, #tpu.memory_space<vmem>>
        %dma_start3A_1251 = tpu.memref_squeeze %dma_start3A_1250 : memref<1x128xi32, #tpu.memory_space<vmem>> -> memref<128xi32, #tpu.memory_space<vmem>>
        %dma_start3A_1252 = arith.constant 0 : i32
        %dma_start3A_1253 = arith.constant 0 : i32
        %dma_start3A_1254 = tpu.memref_slice %arg2[%dma_start3A_1252, %dma_start3A_1253] : memref<10000x128xf32, #tpu.memory_space<hbm>> -> memref<10000x128xf32, #tpu.memory_space<hbm>>
        tpu.enqueue_indirect_dma source(%dma_start3A_1254 : memref<10000x128xf32, #tpu.memory_space<hbm>>) target(%arg5 : memref<128x128xf32, #tpu.memory_space<vmem>>) offsets(%dma_start3A_1251 : memref<128xi32, #tpu.memory_space<vmem>>) semaphore(%arg15 : memref<!tpu.dma_semaphore, #tpu.memory_space<semaphore_mem>>)
      } else {
      }
      %add3A_1089 = arith.constant 1 : i32
      %add3A_1090 = arith.addi %mul3A_1019, %add3A_1089 : i32
      %dma_wait3A_1091 = arith.constant 1 : i32
      %dma_wait3A_1092 = arith.constant 0 : i32
      %dma_wait3A_1093 = tpu.memref_slice %arg9[%dma_wait3A_1091, %dma_wait3A_1092] : memref<2x128xi32, #tpu.memory_space<vmem>> -> memref<1x128xi32, #tpu.memory_space<vmem>>
      %dma_wait3A_1094 = tpu.memref_squeeze %dma_wait3A_1093 : memref<1x128xi32, #tpu.memory_space<vmem>> -> memref<128xi32, #tpu.memory_space<vmem>>
      %dma_wait3A_1095 = arith.constant 0 : i32
      %dma_wait3A_1096 = arith.constant 0 : i32
      %dma_wait3A_1097 = tpu.memref_slice %arg14[%dma_wait3A_1095, %dma_wait3A_1096] : memref<10000x128xf32, #tpu.memory_space<vmem_shared>> -> memref<10000x128xf32, #tpu.memory_space<vmem_shared>>
      tpu.wait_indirect_dma semaphore(%arg19 : memref<!tpu.dma_semaphore, #tpu.memory_space<semaphore_mem>>) src(%arg6 : memref<128x128xf32, #tpu.memory_space<vmem>>) dst(%dma_wait3A_1097 : memref<10000x128xf32, #tpu.memory_space<vmem_shared>>)
      %add3A_1098 = arith.constant 6 : i32
      %add3A_1099 = arith.addi %add3A_1090, %add3A_1098 : i32
      %lt3A_1100 = arith.cmpi slt, %add3A_1099, %select_n3A : i32
      %convert_element_type3A_1101 = arith.extui %lt3A_1100 : i1 to i32
      %cond3A_1102 = arith.constant 0 : i32
      %cond3A_1103 = arith.cmpi ne, %convert_element_type3A_1101, %cond3A_1102 : i32
      scf.if %cond3A_1103 {
        %add3A_1242 = arith.constant 6 : i32
        %add3A_1243 = arith.addi %add3A_1090, %add3A_1242 : i32
        %add3A_1244 = arith.addi %add3A_4, %add3A_1243 : i32
        %mul3A_1245 = arith.constant 128 : i32
        %mul3A_1246 = arith.muli %add3A_1244, %mul3A_1245 : i32
        %dma_start3A_1247 = arith.constant 0 : i32
        %dma_start3A_1248 = arith.constant 0 : i32
        %dma_start3A_1249 = arith.constant 0 : i32
        %dma_start3A_1250 = tpu.memref_slice %arg9[%dma_start3A_1248, %dma_start3A_1249] : memref<2x128xi32, #tpu.memory_space<vmem>> -> memref<1x128xi32, #tpu.memory_space<vmem>>
        %dma_start3A_1251 = tpu.memref_squeeze %dma_start3A_1250 : memref<1x128xi32, #tpu.memory_space<vmem>> -> memref<128xi32, #tpu.memory_space<vmem>>
        %dma_start3A_1252 = tpu.memref_slice %arg3[%dma_start3A_1247, %mul3A_1246] : memref<2x320000xi32, #tpu.memory_space<hbm>> -> memref<1x128xi32, #tpu.memory_space<hbm>>
        %dma_start3A_1253 = tpu.memref_squeeze %dma_start3A_1252 : memref<1x128xi32, #tpu.memory_space<hbm>> -> memref<128xi32, #tpu.memory_space<hbm>>
        %dma_start3A_1254 = arith.constant 0 : i32
        %dma_start3A_1255 = tpu.memref_slice %arg9[%dma_start3A_1248, %dma_start3A_1254] : memref<2x128xi32, #tpu.memory_space<vmem>> -> memref<1x128xi32, #tpu.memory_space<vmem>>
        %dma_start3A_1256 = tpu.memref_squeeze %dma_start3A_1255 : memref<1x128xi32, #tpu.memory_space<vmem>> -> memref<128xi32, #tpu.memory_space<vmem>>
        %dma_start3A_1257 = tpu.memref_slice %arg3[%dma_start3A_1247, %mul3A_1246] : memref<2x320000xi32, #tpu.memory_space<hbm>> -> memref<1x128xi32, #tpu.memory_space<hbm>>
        %dma_start3A_1258 = tpu.memref_squeeze %dma_start3A_1257 : memref<1x128xi32, #tpu.memory_space<hbm>> -> memref<128xi32, #tpu.memory_space<hbm>>
        tpu.enqueue_dma source(%dma_start3A_1258 : memref<128xi32, #tpu.memory_space<hbm>>) target(%dma_start3A_1256 : memref<128xi32, #tpu.memory_space<vmem>>) target_semaphore(%arg22 : memref<!tpu.dma_semaphore, #tpu.memory_space<semaphore_mem>>)
        %dma_start3A_1259 = arith.constant 1 : i32
        %dma_start3A_1260 = arith.constant 1 : i32
        %dma_start3A_1261 = arith.constant 0 : i32
        %dma_start3A_1262 = tpu.memref_slice %arg9[%dma_start3A_1260, %dma_start3A_1261] : memref<2x128xi32, #tpu.memory_space<vmem>> -> memref<1x128xi32, #tpu.memory_space<vmem>>
        %dma_start3A_1263 = tpu.memref_squeeze %dma_start3A_1262 : memref<1x128xi32, #tpu.memory_space<vmem>> -> memref<128xi32, #tpu.memory_space<vmem>>
        %dma_start3A_1264 = tpu.memref_slice %arg3[%dma_start3A_1259, %mul3A_1246] : memref<2x320000xi32, #tpu.memory_space<hbm>> -> memref<1x128xi32, #tpu.memory_space<hbm>>
        %dma_start3A_1265 = tpu.memref_squeeze %dma_start3A_1264 : memref<1x128xi32, #tpu.memory_space<hbm>> -> memref<128xi32, #tpu.memory_space<hbm>>
        %dma_start3A_1266 = arith.constant 0 : i32
        %dma_start3A_1267 = tpu.memref_slice %arg9[%dma_start3A_1260, %dma_start3A_1266] : memref<2x128xi32, #tpu.memory_space<vmem>> -> memref<1x128xi32, #tpu.memory_space<vmem>>
        %dma_start3A_1268 = tpu.memref_squeeze %dma_start3A_1267 : memref<1x128xi32, #tpu.memory_space<vmem>> -> memref<128xi32, #tpu.memory_space<vmem>>
        %dma_start3A_1269 = tpu.memref_slice %arg3[%dma_start3A_1259, %mul3A_1246] : memref<2x320000xi32, #tpu.memory_space<hbm>> -> memref<1x128xi32, #tpu.memory_space<hbm>>
        %dma_start3A_1270 = tpu.memref_squeeze %dma_start3A_1269 : memref<1x128xi32, #tpu.memory_space<hbm>> -> memref<128xi32, #tpu.memory_space<hbm>>
        tpu.enqueue_dma source(%dma_start3A_1270 : memref<128xi32, #tpu.memory_space<hbm>>) target(%dma_start3A_1268 : memref<128xi32, #tpu.memory_space<vmem>>) target_semaphore(%arg22 : memref<!tpu.dma_semaphore, #tpu.memory_space<semaphore_mem>>)
      } else {
      }
      %add3A_1104 = arith.constant 3 : i32
      %add3A_1105 = arith.addi %add3A_1090, %add3A_1104 : i32
      %lt3A_1106 = arith.cmpi slt, %add3A_1105, %select_n3A : i32
      %convert_element_type3A_1107 = arith.extui %lt3A_1106 : i1 to i32
      %cond3A_1108 = arith.constant 0 : i32
      %cond3A_1109 = arith.cmpi ne, %convert_element_type3A_1107, %cond3A_1108 : i32
      scf.if %cond3A_1109 {
        %dma_wait3A_1242 = arith.constant 0 : i32
        %dma_wait3A_1243 = arith.constant 0 : i32
        %dma_wait3A_1244 = tpu.memref_slice %arg3[%dma_wait3A_1242, %dma_wait3A_1243] : memref<2x320000xi32, #tpu.memory_space<hbm>> -> memref<2x128xi32, #tpu.memory_space<hbm>>
        %dma_wait3A_1245 = arith.constant 0 : i32
        %dma_wait3A_1246 = arith.constant 0 : i32
        %dma_wait3A_1247 = tpu.memref_slice %arg3[%dma_wait3A_1245, %dma_wait3A_1246] : memref<2x320000xi32, #tpu.memory_space<hbm>> -> memref<2x128xi32, #tpu.memory_space<hbm>>
        tpu.wait_dma2 semaphore(%arg25 : memref<!tpu.dma_semaphore, #tpu.memory_space<semaphore_mem>>) src(%dma_wait3A_1247 : memref<2x128xi32, #tpu.memory_space<hbm>>) dst(%arg12 : memref<2x128xi32, #tpu.memory_space<vmem>>)
        %dma_start3A_1248 = arith.constant 0 : i32
        %dma_start3A_1249 = arith.constant 0 : i32
        %dma_start3A_1250 = tpu.memref_slice %arg12[%dma_start3A_1248, %dma_start3A_1249] : memref<2x128xi32, #tpu.memory_space<vmem>> -> memref<1x128xi32, #tpu.memory_space<vmem>>
        %dma_start3A_1251 = tpu.memref_squeeze %dma_start3A_1250 : memref<1x128xi32, #tpu.memory_space<vmem>> -> memref<128xi32, #tpu.memory_space<vmem>>
        %dma_start3A_1252 = arith.constant 0 : i32
        %dma_start3A_1253 = arith.constant 0 : i32
        %dma_start3A_1254 = tpu.memref_slice %arg2[%dma_start3A_1252, %dma_start3A_1253] : memref<10000x128xf32, #tpu.memory_space<hbm>> -> memref<10000x128xf32, #tpu.memory_space<hbm>>
        tpu.enqueue_indirect_dma source(%dma_start3A_1254 : memref<10000x128xf32, #tpu.memory_space<hbm>>) target(%arg6 : memref<128x128xf32, #tpu.memory_space<vmem>>) offsets(%dma_start3A_1251 : memref<128xi32, #tpu.memory_space<vmem>>) semaphore(%arg16 : memref<!tpu.dma_semaphore, #tpu.memory_space<semaphore_mem>>)
      } else {
      }
      %add3A_1110 = arith.constant 2 : i32
      %add3A_1111 = arith.addi %mul3A_1019, %add3A_1110 : i32
      %dma_wait3A_1112 = arith.constant 1 : i32
      %dma_wait3A_1113 = arith.constant 0 : i32
      %dma_wait3A_1114 = tpu.memref_slice %arg10[%dma_wait3A_1112, %dma_wait3A_1113] : memref<2x128xi32, #tpu.memory_space<vmem>> -> memref<1x128xi32, #tpu.memory_space<vmem>>
      %dma_wait3A_1115 = tpu.memref_squeeze %dma_wait3A_1114 : memref<1x128xi32, #tpu.memory_space<vmem>> -> memref<128xi32, #tpu.memory_space<vmem>>
      %dma_wait3A_1116 = arith.constant 0 : i32
      %dma_wait3A_1117 = arith.constant 0 : i32
      %dma_wait3A_1118 = tpu.memref_slice %arg14[%dma_wait3A_1116, %dma_wait3A_1117] : memref<10000x128xf32, #tpu.memory_space<vmem_shared>> -> memref<10000x128xf32, #tpu.memory_space<vmem_shared>>
      tpu.wait_indirect_dma semaphore(%arg20 : memref<!tpu.dma_semaphore, #tpu.memory_space<semaphore_mem>>) src(%arg7 : memref<128x128xf32, #tpu.memory_space<vmem>>) dst(%dma_wait3A_1118 : memref<10000x128xf32, #tpu.memory_space<vmem_shared>>)
      %add3A_1119 = arith.constant 6 : i32
      %add3A_1120 = arith.addi %add3A_1111, %add3A_1119 : i32
      %lt3A_1121 = arith.cmpi slt, %add3A_1120, %select_n3A : i32
      %convert_element_type3A_1122 = arith.extui %lt3A_1121 : i1 to i32
      %cond3A_1123 = arith.constant 0 : i32
      %cond3A_1124 = arith.cmpi ne, %convert_element_type3A_1122, %cond3A_1123 : i32
      scf.if %cond3A_1124 {
        %add3A_1242 = arith.constant 6 : i32
        %add3A_1243 = arith.addi %add3A_1111, %add3A_1242 : i32
        %add3A_1244 = arith.addi %add3A_4, %add3A_1243 : i32
        %mul3A_1245 = arith.constant 128 : i32
        %mul3A_1246 = arith.muli %add3A_1244, %mul3A_1245 : i32
        %dma_start3A_1247 = arith.constant 0 : i32
        %dma_start3A_1248 = arith.constant 0 : i32
        %dma_start3A_1249 = arith.constant 0 : i32
        %dma_start3A_1250 = tpu.memref_slice %arg10[%dma_start3A_1248, %dma_start3A_1249] : memref<2x128xi32, #tpu.memory_space<vmem>> -> memref<1x128xi32, #tpu.memory_space<vmem>>
        %dma_start3A_1251 = tpu.memref_squeeze %dma_start3A_1250 : memref<1x128xi32, #tpu.memory_space<vmem>> -> memref<128xi32, #tpu.memory_space<vmem>>
        %dma_start3A_1252 = tpu.memref_slice %arg3[%dma_start3A_1247, %mul3A_1246] : memref<2x320000xi32, #tpu.memory_space<hbm>> -> memref<1x128xi32, #tpu.memory_space<hbm>>
        %dma_start3A_1253 = tpu.memref_squeeze %dma_start3A_1252 : memref<1x128xi32, #tpu.memory_space<hbm>> -> memref<128xi32, #tpu.memory_space<hbm>>
        %dma_start3A_1254 = arith.constant 0 : i32
        %dma_start3A_1255 = tpu.memref_slice %arg10[%dma_start3A_1248, %dma_start3A_1254] : memref<2x128xi32, #tpu.memory_space<vmem>> -> memref<1x128xi32, #tpu.memory_space<vmem>>
        %dma_start3A_1256 = tpu.memref_squeeze %dma_start3A_1255 : memref<1x128xi32, #tpu.memory_space<vmem>> -> memref<128xi32, #tpu.memory_space<vmem>>
        %dma_start3A_1257 = tpu.memref_slice %arg3[%dma_start3A_1247, %mul3A_1246] : memref<2x320000xi32, #tpu.memory_space<hbm>> -> memref<1x128xi32, #tpu.memory_space<hbm>>
        %dma_start3A_1258 = tpu.memref_squeeze %dma_start3A_1257 : memref<1x128xi32, #tpu.memory_space<hbm>> -> memref<128xi32, #tpu.memory_space<hbm>>
        tpu.enqueue_dma source(%dma_start3A_1258 : memref<128xi32, #tpu.memory_space<hbm>>) target(%dma_start3A_1256 : memref<128xi32, #tpu.memory_space<vmem>>) target_semaphore(%arg23 : memref<!tpu.dma_semaphore, #tpu.memory_space<semaphore_mem>>)
        %dma_start3A_1259 = arith.constant 1 : i32
        %dma_start3A_1260 = arith.constant 1 : i32
        %dma_start3A_1261 = arith.constant 0 : i32
        %dma_start3A_1262 = tpu.memref_slice %arg10[%dma_start3A_1260, %dma_start3A_1261] : memref<2x128xi32, #tpu.memory_space<vmem>> -> memref<1x128xi32, #tpu.memory_space<vmem>>
        %dma_start3A_1263 = tpu.memref_squeeze %dma_start3A_1262 : memref<1x128xi32, #tpu.memory_space<vmem>> -> memref<128xi32, #tpu.memory_space<vmem>>
        %dma_start3A_1264 = tpu.memref_slice %arg3[%dma_start3A_1259, %mul3A_1246] : memref<2x320000xi32, #tpu.memory_space<hbm>> -> memref<1x128xi32, #tpu.memory_space<hbm>>
        %dma_start3A_1265 = tpu.memref_squeeze %dma_start3A_1264 : memref<1x128xi32, #tpu.memory_space<hbm>> -> memref<128xi32, #tpu.memory_space<hbm>>
        %dma_start3A_1266 = arith.constant 0 : i32
        %dma_start3A_1267 = tpu.memref_slice %arg10[%dma_start3A_1260, %dma_start3A_1266] : memref<2x128xi32, #tpu.memory_space<vmem>> -> memref<1x128xi32, #tpu.memory_space<vmem>>
        %dma_start3A_1268 = tpu.memref_squeeze %dma_start3A_1267 : memref<1x128xi32, #tpu.memory_space<vmem>> -> memref<128xi32, #tpu.memory_space<vmem>>
        %dma_start3A_1269 = tpu.memref_slice %arg3[%dma_start3A_1259, %mul3A_1246] : memref<2x320000xi32, #tpu.memory_space<hbm>> -> memref<1x128xi32, #tpu.memory_space<hbm>>
        %dma_start3A_1270 = tpu.memref_squeeze %dma_start3A_1269 : memref<1x128xi32, #tpu.memory_space<hbm>> -> memref<128xi32, #tpu.memory_space<hbm>>
        tpu.enqueue_dma source(%dma_start3A_1270 : memref<128xi32, #tpu.memory_space<hbm>>) target(%dma_start3A_1268 : memref<128xi32, #tpu.memory_space<vmem>>) target_semaphore(%arg23 : memref<!tpu.dma_semaphore, #tpu.memory_space<semaphore_mem>>)
      } else {
      }
      %add3A_1125 = arith.constant 3 : i32
      %add3A_1126 = arith.addi %add3A_1111, %add3A_1125 : i32
      %lt3A_1127 = arith.cmpi slt, %add3A_1126, %select_n3A : i32
      %convert_element_type3A_1128 = arith.extui %lt3A_1127 : i1 to i32
      %cond3A_1129 = arith.constant 0 : i32
      %cond3A_1130 = arith.cmpi ne, %convert_element_type3A_1128, %cond3A_1129 : i32
      scf.if %cond3A_1130 {
        %dma_wait3A_1242 = arith.constant 0 : i32
        %dma_wait3A_1243 = arith.constant 0 : i32
        %dma_wait3A_1244 = tpu.memref_slice %arg3[%dma_wait3A_1242, %dma_wait3A_1243] : memref<2x320000xi32, #tpu.memory_space<hbm>> -> memref<2x128xi32, #tpu.memory_space<hbm>>
        %dma_wait3A_1245 = arith.constant 0 : i32
        %dma_wait3A_1246 = arith.constant 0 : i32
        %dma_wait3A_1247 = tpu.memref_slice %arg3[%dma_wait3A_1245, %dma_wait3A_1246] : memref<2x320000xi32, #tpu.memory_space<hbm>> -> memref<2x128xi32, #tpu.memory_space<hbm>>
        tpu.wait_dma2 semaphore(%arg26 : memref<!tpu.dma_semaphore, #tpu.memory_space<semaphore_mem>>) src(%dma_wait3A_1247 : memref<2x128xi32, #tpu.memory_space<hbm>>) dst(%arg13 : memref<2x128xi32, #tpu.memory_space<vmem>>)
        %dma_start3A_1248 = arith.constant 0 : i32
        %dma_start3A_1249 = arith.constant 0 : i32
        %dma_start3A_1250 = tpu.memref_slice %arg13[%dma_start3A_1248, %dma_start3A_1249] : memref<2x128xi32, #tpu.memory_space<vmem>> -> memref<1x128xi32, #tpu.memory_space<vmem>>
        %dma_start3A_1251 = tpu.memref_squeeze %dma_start3A_1250 : memref<1x128xi32, #tpu.memory_space<vmem>> -> memref<128xi32, #tpu.memory_space<vmem>>
        %dma_start3A_1252 = arith.constant 0 : i32
        %dma_start3A_1253 = arith.constant 0 : i32
        %dma_start3A_1254 = tpu.memref_slice %arg2[%dma_start3A_1252, %dma_start3A_1253] : memref<10000x128xf32, #tpu.memory_space<hbm>> -> memref<10000x128xf32, #tpu.memory_space<hbm>>
        tpu.enqueue_indirect_dma source(%dma_start3A_1254 : memref<10000x128xf32, #tpu.memory_space<hbm>>) target(%arg7 : memref<128x128xf32, #tpu.memory_space<vmem>>) offsets(%dma_start3A_1251 : memref<128xi32, #tpu.memory_space<vmem>>) semaphore(%arg17 : memref<!tpu.dma_semaphore, #tpu.memory_space<semaphore_mem>>)
      } else {
      }
      %add3A_1131 = arith.constant 3 : i32
      %add3A_1132 = arith.addi %mul3A_1019, %add3A_1131 : i32
      %dma_wait3A_1133 = arith.constant 0 : i32
      %dma_wait3A_1134 = arith.constant 0 : i32
      %dma_wait3A_1135 = tpu.memref_slice %arg11[%dma_wait3A_1133, %dma_wait3A_1134] : memref<2x128xi32, #tpu.memory_space<vmem>> -> memref<1x128xi32, #tpu.memory_space<vmem>>
      %dma_wait3A_1136 = tpu.memref_squeeze %dma_wait3A_1135 : memref<1x128xi32, #tpu.memory_space<vmem>> -> memref<128xi32, #tpu.memory_space<vmem>>
      %dma_wait3A_1137 = arith.constant 0 : i32
      %dma_wait3A_1138 = arith.constant 0 : i32
      %dma_wait3A_1139 = tpu.memref_slice %arg2[%dma_wait3A_1137, %dma_wait3A_1138] : memref<10000x128xf32, #tpu.memory_space<hbm>> -> memref<10000x128xf32, #tpu.memory_space<hbm>>
      tpu.wait_indirect_dma semaphore(%arg15 : memref<!tpu.dma_semaphore, #tpu.memory_space<semaphore_mem>>) src(%dma_wait3A_1139 : memref<10000x128xf32, #tpu.memory_space<hbm>>) dst(%arg5 : memref<128x128xf32, #tpu.memory_space<vmem>>)
      %dma_start3A_1140 = arith.constant 1 : i32
      %dma_start3A_1141 = arith.constant 0 : i32
      %dma_start3A_1142 = tpu.memref_slice %arg11[%dma_start3A_1140, %dma_start3A_1141] : memref<2x128xi32, #tpu.memory_space<vmem>> -> memref<1x128xi32, #tpu.memory_space<vmem>>
      %dma_start3A_1143 = tpu.memref_squeeze %dma_start3A_1142 : memref<1x128xi32, #tpu.memory_space<vmem>> -> memref<128xi32, #tpu.memory_space<vmem>>
      %dma_start3A_1144 = arith.constant 0 : i32
      %dma_start3A_1145 = arith.constant 0 : i32
      %dma_start3A_1146 = tpu.memref_slice %arg14[%dma_start3A_1144, %dma_start3A_1145] : memref<10000x128xf32, #tpu.memory_space<vmem_shared>> -> memref<10000x128xf32, #tpu.memory_space<vmem_shared>>
      tpu.enqueue_indirect_dma source(%arg5 : memref<128x128xf32, #tpu.memory_space<vmem>>) target(%dma_start3A_1146 : memref<10000x128xf32, #tpu.memory_space<vmem_shared>>) offsets(%dma_start3A_1143 : memref<128xi32, #tpu.memory_space<vmem>>) semaphore(%arg18 : memref<!tpu.dma_semaphore, #tpu.memory_space<semaphore_mem>>) {add = true}
      %add3A_1147 = arith.constant 4 : i32
      %add3A_1148 = arith.addi %mul3A_1019, %add3A_1147 : i32
      %dma_wait3A_1149 = arith.constant 0 : i32
      %dma_wait3A_1150 = arith.constant 0 : i32
      %dma_wait3A_1151 = tpu.memref_slice %arg12[%dma_wait3A_1149, %dma_wait3A_1150] : memref<2x128xi32, #tpu.memory_space<vmem>> -> memref<1x128xi32, #tpu.memory_space<vmem>>
      %dma_wait3A_1152 = tpu.memref_squeeze %dma_wait3A_1151 : memref<1x128xi32, #tpu.memory_space<vmem>> -> memref<128xi32, #tpu.memory_space<vmem>>
      %dma_wait3A_1153 = arith.constant 0 : i32
      %dma_wait3A_1154 = arith.constant 0 : i32
      %dma_wait3A_1155 = tpu.memref_slice %arg2[%dma_wait3A_1153, %dma_wait3A_1154] : memref<10000x128xf32, #tpu.memory_space<hbm>> -> memref<10000x128xf32, #tpu.memory_space<hbm>>
      tpu.wait_indirect_dma semaphore(%arg16 : memref<!tpu.dma_semaphore, #tpu.memory_space<semaphore_mem>>) src(%dma_wait3A_1155 : memref<10000x128xf32, #tpu.memory_space<hbm>>) dst(%arg6 : memref<128x128xf32, #tpu.memory_space<vmem>>)
      %dma_start3A_1156 = arith.constant 1 : i32
      %dma_start3A_1157 = arith.constant 0 : i32
      %dma_start3A_1158 = tpu.memref_slice %arg12[%dma_start3A_1156, %dma_start3A_1157] : memref<2x128xi32, #tpu.memory_space<vmem>> -> memref<1x128xi32, #tpu.memory_space<vmem>>
      %dma_start3A_1159 = tpu.memref_squeeze %dma_start3A_1158 : memref<1x128xi32, #tpu.memory_space<vmem>> -> memref<128xi32, #tpu.memory_space<vmem>>
      %dma_start3A_1160 = arith.constant 0 : i32
      %dma_start3A_1161 = arith.constant 0 : i32
      %dma_start3A_1162 = tpu.memref_slice %arg14[%dma_start3A_1160, %dma_start3A_1161] : memref<10000x128xf32, #tpu.memory_space<vmem_shared>> -> memref<10000x128xf32, #tpu.memory_space<vmem_shared>>
      tpu.enqueue_indirect_dma source(%arg6 : memref<128x128xf32, #tpu.memory_space<vmem>>) target(%dma_start3A_1162 : memref<10000x128xf32, #tpu.memory_space<vmem_shared>>) offsets(%dma_start3A_1159 : memref<128xi32, #tpu.memory_space<vmem>>) semaphore(%arg19 : memref<!tpu.dma_semaphore, #tpu.memory_space<semaphore_mem>>) {add = true}
      %add3A_1163 = arith.constant 5 : i32
      %add3A_1164 = arith.addi %mul3A_1019, %add3A_1163 : i32
      %dma_wait3A_1165 = arith.constant 0 : i32
      %dma_wait3A_1166 = arith.constant 0 : i32
      %dma_wait3A_1167 = tpu.memref_slice %arg13[%dma_wait3A_1165, %dma_wait3A_1166] : memref<2x128xi32, #tpu.memory_space<vmem>> -> memref<1x128xi32, #tpu.memory_space<vmem>>
      %dma_wait3A_1168 = tpu.memref_squeeze %dma_wait3A_1167 : memref<1x128xi32, #tpu.memory_space<vmem>> -> memref<128xi32, #tpu.memory_space<vmem>>
      %dma_wait3A_1169 = arith.constant 0 : i32
      %dma_wait3A_1170 = arith.constant 0 : i32
      %dma_wait3A_1171 = tpu.memref_slice %arg2[%dma_wait3A_1169, %dma_wait3A_1170] : memref<10000x128xf32, #tpu.memory_space<hbm>> -> memref<10000x128xf32, #tpu.memory_space<hbm>>
      tpu.wait_indirect_dma semaphore(%arg17 : memref<!tpu.dma_semaphore, #tpu.memory_space<semaphore_mem>>) src(%dma_wait3A_1171 : memref<10000x128xf32, #tpu.memory_space<hbm>>) dst(%arg7 : memref<128x128xf32, #tpu.memory_space<vmem>>)
      %dma_start3A_1172 = arith.constant 1 : i32
      %dma_start3A_1173 = arith.constant 0 : i32
      %dma_start3A_1174 = tpu.memref_slice %arg13[%dma_start3A_1172, %dma_start3A_1173] : memref<2x128xi32, #tpu.memory_space<vmem>> -> memref<1x128xi32, #tpu.memory_space<vmem>>
      %dma_start3A_1175 = tpu.memref_squeeze %dma_start3A_1174 : memref<1x128xi32, #tpu.memory_space<vmem>> -> memref<128xi32, #tpu.memory_space<vmem>>
      %dma_start3A_1176 = arith.constant 0 : i32
      %dma_start3A_1177 = arith.constant 0 : i32
      %dma_start3A_1178 = tpu.memref_slice %arg14[%dma_start3A_1176, %dma_start3A_1177] : memref<10000x128xf32, #tpu.memory_space<vmem_shared>> -> memref<10000x128xf32, #tpu.memory_space<vmem_shared>>
      tpu.enqueue_indirect_dma source(%arg7 : memref<128x128xf32, #tpu.memory_space<vmem>>) target(%dma_start3A_1178 : memref<10000x128xf32, #tpu.memory_space<vmem_shared>>) offsets(%dma_start3A_1175 : memref<128xi32, #tpu.memory_space<vmem>>) semaphore(%arg20 : memref<!tpu.dma_semaphore, #tpu.memory_space<semaphore_mem>>) {add = true}
      %add3A_1179 = arith.constant 3 : i32
      %add3A_1180 = arith.addi %mul3A_1019, %add3A_1179 : i32
      %dma_wait3A_1181 = arith.constant 1 : i32
      %dma_wait3A_1182 = arith.constant 0 : i32
      %dma_wait3A_1183 = tpu.memref_slice %arg11[%dma_wait3A_1181, %dma_wait3A_1182] : memref<2x128xi32, #tpu.memory_space<vmem>> -> memref<1x128xi32, #tpu.memory_space<vmem>>
      %dma_wait3A_1184 = tpu.memref_squeeze %dma_wait3A_1183 : memref<1x128xi32, #tpu.memory_space<vmem>> -> memref<128xi32, #tpu.memory_space<vmem>>
      %dma_wait3A_1185 = arith.constant 0 : i32
      %dma_wait3A_1186 = arith.constant 0 : i32
      %dma_wait3A_1187 = tpu.memref_slice %arg14[%dma_wait3A_1185, %dma_wait3A_1186] : memref<10000x128xf32, #tpu.memory_space<vmem_shared>> -> memref<10000x128xf32, #tpu.memory_space<vmem_shared>>
      tpu.wait_indirect_dma semaphore(%arg18 : memref<!tpu.dma_semaphore, #tpu.memory_space<semaphore_mem>>) src(%arg5 : memref<128x128xf32, #tpu.memory_space<vmem>>) dst(%dma_wait3A_1187 : memref<10000x128xf32, #tpu.memory_space<vmem_shared>>)
      %add3A_1188 = arith.constant 6 : i32
      %add3A_1189 = arith.addi %add3A_1180, %add3A_1188 : i32
      %lt3A_1190 = arith.cmpi slt, %add3A_1189, %select_n3A : i32
      %convert_element_type3A_1191 = arith.extui %lt3A_1190 : i1 to i32
      %cond3A_1192 = arith.constant 0 : i32
      %cond3A_1193 = arith.cmpi ne, %convert_element_type3A_1191, %cond3A_1192 : i32
      scf.if %cond3A_1193 {
        %add3A_1242 = arith.constant 6 : i32
        %add3A_1243 = arith.addi %add3A_1180, %add3A_1242 : i32
        %add3A_1244 = arith.addi %add3A_4, %add3A_1243 : i32
        %mul3A_1245 = arith.constant 128 : i32
        %mul3A_1246 = arith.muli %add3A_1244, %mul3A_1245 : i32
        %dma_start3A_1247 = arith.constant 0 : i32
        %dma_start3A_1248 = arith.constant 0 : i32
        %dma_start3A_1249 = arith.constant 0 : i32
        %dma_start3A_1250 = tpu.memref_slice %arg11[%dma_start3A_1248, %dma_start3A_1249] : memref<2x128xi32, #tpu.memory_space<vmem>> -> memref<1x128xi32, #tpu.memory_space<vmem>>
        %dma_start3A_1251 = tpu.memref_squeeze %dma_start3A_1250 : memref<1x128xi32, #tpu.memory_space<vmem>> -> memref<128xi32, #tpu.memory_space<vmem>>
        %dma_start3A_1252 = tpu.memref_slice %arg3[%dma_start3A_1247, %mul3A_1246] : memref<2x320000xi32, #tpu.memory_space<hbm>> -> memref<1x128xi32, #tpu.memory_space<hbm>>
        %dma_start3A_1253 = tpu.memref_squeeze %dma_start3A_1252 : memref<1x128xi32, #tpu.memory_space<hbm>> -> memref<128xi32, #tpu.memory_space<hbm>>
        %dma_start3A_1254 = arith.constant 0 : i32
        %dma_start3A_1255 = tpu.memref_slice %arg11[%dma_start3A_1248, %dma_start3A_1254] : memref<2x128xi32, #tpu.memory_space<vmem>> -> memref<1x128xi32, #tpu.memory_space<vmem>>
        %dma_start3A_1256 = tpu.memref_squeeze %dma_start3A_1255 : memref<1x128xi32, #tpu.memory_space<vmem>> -> memref<128xi32, #tpu.memory_space<vmem>>
        %dma_start3A_1257 = tpu.memref_slice %arg3[%dma_start3A_1247, %mul3A_1246] : memref<2x320000xi32, #tpu.memory_space<hbm>> -> memref<1x128xi32, #tpu.memory_space<hbm>>
        %dma_start3A_1258 = tpu.memref_squeeze %dma_start3A_1257 : memref<1x128xi32, #tpu.memory_space<hbm>> -> memref<128xi32, #tpu.memory_space<hbm>>
        tpu.enqueue_dma source(%dma_start3A_1258 : memref<128xi32, #tpu.memory_space<hbm>>) target(%dma_start3A_1256 : memref<128xi32, #tpu.memory_space<vmem>>) target_semaphore(%arg24 : memref<!tpu.dma_semaphore, #tpu.memory_space<semaphore_mem>>)
        %dma_start3A_1259 = arith.constant 1 : i32
        %dma_start3A_1260 = arith.constant 1 : i32
        %dma_start3A_1261 = arith.constant 0 : i32
        %dma_start3A_1262 = tpu.memref_slice %arg11[%dma_start3A_1260, %dma_start3A_1261] : memref<2x128xi32, #tpu.memory_space<vmem>> -> memref<1x128xi32, #tpu.memory_space<vmem>>
        %dma_start3A_1263 = tpu.memref_squeeze %dma_start3A_1262 : memref<1x128xi32, #tpu.memory_space<vmem>> -> memref<128xi32, #tpu.memory_space<vmem>>
        %dma_start3A_1264 = tpu.memref_slice %arg3[%dma_start3A_1259, %mul3A_1246] : memref<2x320000xi32, #tpu.memory_space<hbm>> -> memref<1x128xi32, #tpu.memory_space<hbm>>
        %dma_start3A_1265 = tpu.memref_squeeze %dma_start3A_1264 : memref<1x128xi32, #tpu.memory_space<hbm>> -> memref<128xi32, #tpu.memory_space<hbm>>
        %dma_start3A_1266 = arith.constant 0 : i32
        %dma_start3A_1267 = tpu.memref_slice %arg11[%dma_start3A_1260, %dma_start3A_1266] : memref<2x128xi32, #tpu.memory_space<vmem>> -> memref<1x128xi32, #tpu.memory_space<vmem>>
        %dma_start3A_1268 = tpu.memref_squeeze %dma_start3A_1267 : memref<1x128xi32, #tpu.memory_space<vmem>> -> memref<128xi32, #tpu.memory_space<vmem>>
        %dma_start3A_1269 = tpu.memref_slice %arg3[%dma_start3A_1259, %mul3A_1246] : memref<2x320000xi32, #tpu.memory_space<hbm>> -> memref<1x128xi32, #tpu.memory_space<hbm>>
        %dma_start3A_1270 = tpu.memref_squeeze %dma_start3A_1269 : memref<1x128xi32, #tpu.memory_space<hbm>> -> memref<128xi32, #tpu.memory_space<hbm>>
        tpu.enqueue_dma source(%dma_start3A_1270 : memref<128xi32, #tpu.memory_space<hbm>>) target(%dma_start3A_1268 : memref<128xi32, #tpu.memory_space<vmem>>) target_semaphore(%arg24 : memref<!tpu.dma_semaphore, #tpu.memory_space<semaphore_mem>>)
      } else {
      }
      %add3A_1194 = arith.constant 3 : i32
      %add3A_1195 = arith.addi %add3A_1180, %add3A_1194 : i32
      %lt3A_1196 = arith.cmpi slt, %add3A_1195, %select_n3A : i32
      %convert_element_type3A_1197 = arith.extui %lt3A_1196 : i1 to i32
      %cond3A_1198 = arith.constant 0 : i32
      %cond3A_1199 = arith.cmpi ne, %convert_element_type3A_1197, %cond3A_1198 : i32
      scf.if %cond3A_1199 {
        %dma_wait3A_1242 = arith.constant 0 : i32
        %dma_wait3A_1243 = arith.constant 0 : i32
        %dma_wait3A_1244 = tpu.memref_slice %arg3[%dma_wait3A_1242, %dma_wait3A_1243] : memref<2x320000xi32, #tpu.memory_space<hbm>> -> memref<2x128xi32, #tpu.memory_space<hbm>>
        %dma_wait3A_1245 = arith.constant 0 : i32
        %dma_wait3A_1246 = arith.constant 0 : i32
        %dma_wait3A_1247 = tpu.memref_slice %arg3[%dma_wait3A_1245, %dma_wait3A_1246] : memref<2x320000xi32, #tpu.memory_space<hbm>> -> memref<2x128xi32, #tpu.memory_space<hbm>>
        tpu.wait_dma2 semaphore(%arg21 : memref<!tpu.dma_semaphore, #tpu.memory_space<semaphore_mem>>) src(%dma_wait3A_1247 : memref<2x128xi32, #tpu.memory_space<hbm>>) dst(%arg8 : memref<2x128xi32, #tpu.memory_space<vmem>>)
        %dma_start3A_1248 = arith.constant 0 : i32
        %dma_start3A_1249 = arith.constant 0 : i32
        %dma_start3A_1250 = tpu.memref_slice %arg8[%dma_start3A_1248, %dma_start3A_1249] : memref<2x128xi32, #tpu.memory_space<vmem>> -> memref<1x128xi32, #tpu.memory_space<vmem>>
        %dma_start3A_1251 = tpu.memref_squeeze %dma_start3A_1250 : memref<1x128xi32, #tpu.memory_space<vmem>> -> memref<128xi32, #tpu.memory_space<vmem>>
        %dma_start3A_1252 = arith.constant 0 : i32
        %dma_start3A_1253 = arith.constant 0 : i32
        %dma_start3A_1254 = tpu.memref_slice %arg2[%dma_start3A_1252, %dma_start3A_1253] : memref<10000x128xf32, #tpu.memory_space<hbm>> -> memref<10000x128xf32, #tpu.memory_space<hbm>>
        tpu.enqueue_indirect_dma source(%dma_start3A_1254 : memref<10000x128xf32, #tpu.memory_space<hbm>>) target(%arg5 : memref<128x128xf32, #tpu.memory_space<vmem>>) offsets(%dma_start3A_1251 : memref<128xi32, #tpu.memory_space<vmem>>) semaphore(%arg15 : memref<!tpu.dma_semaphore, #tpu.memory_space<semaphore_mem>>)
      } else {
      }
      %add3A_1200 = arith.constant 4 : i32
      %add3A_1201 = arith.addi %mul3A_1019, %add3A_1200 : i32
      %dma_wait3A_1202 = arith.constant 1 : i32
      %dma_wait3A_1203 = arith.constant 0 : i32
      %dma_wait3A_1204 = tpu.memref_slice %arg12[%dma_wait3A_1202, %dma_wait3A_1203] : memref<2x128xi32, #tpu.memory_space<vmem>> -> memref<1x128xi32, #tpu.memory_space<vmem>>
      %dma_wait3A_1205 = tpu.memref_squeeze %dma_wait3A_1204 : memref<1x128xi32, #tpu.memory_space<vmem>> -> memref<128xi32, #tpu.memory_space<vmem>>
      %dma_wait3A_1206 = arith.constant 0 : i32
      %dma_wait3A_1207 = arith.constant 0 : i32
      %dma_wait3A_1208 = tpu.memref_slice %arg14[%dma_wait3A_1206, %dma_wait3A_1207] : memref<10000x128xf32, #tpu.memory_space<vmem_shared>> -> memref<10000x128xf32, #tpu.memory_space<vmem_shared>>
      tpu.wait_indirect_dma semaphore(%arg19 : memref<!tpu.dma_semaphore, #tpu.memory_space<semaphore_mem>>) src(%arg6 : memref<128x128xf32, #tpu.memory_space<vmem>>) dst(%dma_wait3A_1208 : memref<10000x128xf32, #tpu.memory_space<vmem_shared>>)
      %add3A_1209 = arith.constant 6 : i32
      %add3A_1210 = arith.addi %add3A_1201, %add3A_1209 : i32
      %lt3A_1211 = arith.cmpi slt, %add3A_1210, %select_n3A : i32
      %convert_element_type3A_1212 = arith.extui %lt3A_1211 : i1 to i32
      %cond3A_1213 = arith.constant 0 : i32
      %cond3A_1214 = arith.cmpi ne, %convert_element_type3A_1212, %cond3A_1213 : i32
      scf.if %cond3A_1214 {
        %add3A_1242 = arith.constant 6 : i32
        %add3A_1243 = arith.addi %add3A_1201, %add3A_1242 : i32
        %add3A_1244 = arith.addi %add3A_4, %add3A_1243 : i32
        %mul3A_1245 = arith.constant 128 : i32
        %mul3A_1246 = arith.muli %add3A_1244, %mul3A_1245 : i32
        %dma_start3A_1247 = arith.constant 0 : i32
        %dma_start3A_1248 = arith.constant 0 : i32
        %dma_start3A_1249 = arith.constant 0 : i32
        %dma_start3A_1250 = tpu.memref_slice %arg12[%dma_start3A_1248, %dma_start3A_1249] : memref<2x128xi32, #tpu.memory_space<vmem>> -> memref<1x128xi32, #tpu.memory_space<vmem>>
        %dma_start3A_1251 = tpu.memref_squeeze %dma_start3A_1250 : memref<1x128xi32, #tpu.memory_space<vmem>> -> memref<128xi32, #tpu.memory_space<vmem>>
        %dma_start3A_1252 = tpu.memref_slice %arg3[%dma_start3A_1247, %mul3A_1246] : memref<2x320000xi32, #tpu.memory_space<hbm>> -> memref<1x128xi32, #tpu.memory_space<hbm>>
        %dma_start3A_1253 = tpu.memref_squeeze %dma_start3A_1252 : memref<1x128xi32, #tpu.memory_space<hbm>> -> memref<128xi32, #tpu.memory_space<hbm>>
        %dma_start3A_1254 = arith.constant 0 : i32
        %dma_start3A_1255 = tpu.memref_slice %arg12[%dma_start3A_1248, %dma_start3A_1254] : memref<2x128xi32, #tpu.memory_space<vmem>> -> memref<1x128xi32, #tpu.memory_space<vmem>>
        %dma_start3A_1256 = tpu.memref_squeeze %dma_start3A_1255 : memref<1x128xi32, #tpu.memory_space<vmem>> -> memref<128xi32, #tpu.memory_space<vmem>>
        %dma_start3A_1257 = tpu.memref_slice %arg3[%dma_start3A_1247, %mul3A_1246] : memref<2x320000xi32, #tpu.memory_space<hbm>> -> memref<1x128xi32, #tpu.memory_space<hbm>>
        %dma_start3A_1258 = tpu.memref_squeeze %dma_start3A_1257 : memref<1x128xi32, #tpu.memory_space<hbm>> -> memref<128xi32, #tpu.memory_space<hbm>>
        tpu.enqueue_dma source(%dma_start3A_1258 : memref<128xi32, #tpu.memory_space<hbm>>) target(%dma_start3A_1256 : memref<128xi32, #tpu.memory_space<vmem>>) target_semaphore(%arg25 : memref<!tpu.dma_semaphore, #tpu.memory_space<semaphore_mem>>)
        %dma_start3A_1259 = arith.constant 1 : i32
        %dma_start3A_1260 = arith.constant 1 : i32
        %dma_start3A_1261 = arith.constant 0 : i32
        %dma_start3A_1262 = tpu.memref_slice %arg12[%dma_start3A_1260, %dma_start3A_1261] : memref<2x128xi32, #tpu.memory_space<vmem>> -> memref<1x128xi32, #tpu.memory_space<vmem>>
        %dma_start3A_1263 = tpu.memref_squeeze %dma_start3A_1262 : memref<1x128xi32, #tpu.memory_space<vmem>> -> memref<128xi32, #tpu.memory_space<vmem>>
        %dma_start3A_1264 = tpu.memref_slice %arg3[%dma_start3A_1259, %mul3A_1246] : memref<2x320000xi32, #tpu.memory_space<hbm>> -> memref<1x128xi32, #tpu.memory_space<hbm>>
        %dma_start3A_1265 = tpu.memref_squeeze %dma_start3A_1264 : memref<1x128xi32, #tpu.memory_space<hbm>> -> memref<128xi32, #tpu.memory_space<hbm>>
        %dma_start3A_1266 = arith.constant 0 : i32
        %dma_start3A_1267 = tpu.memref_slice %arg12[%dma_start3A_1260, %dma_start3A_1266] : memref<2x128xi32, #tpu.memory_space<vmem>> -> memref<1x128xi32, #tpu.memory_space<vmem>>
        %dma_start3A_1268 = tpu.memref_squeeze %dma_start3A_1267 : memref<1x128xi32, #tpu.memory_space<vmem>> -> memref<128xi32, #tpu.memory_space<vmem>>
        %dma_start3A_1269 = tpu.memref_slice %arg3[%dma_start3A_1259, %mul3A_1246] : memref<2x320000xi32, #tpu.memory_space<hbm>> -> memref<1x128xi32, #tpu.memory_space<hbm>>
        %dma_start3A_1270 = tpu.memref_squeeze %dma_start3A_1269 : memref<1x128xi32, #tpu.memory_space<hbm>> -> memref<128xi32, #tpu.memory_space<hbm>>
        tpu.enqueue_dma source(%dma_start3A_1270 : memref<128xi32, #tpu.memory_space<hbm>>) target(%dma_start3A_1268 : memref<128xi32, #tpu.memory_space<vmem>>) target_semaphore(%arg25 : memref<!tpu.dma_semaphore, #tpu.memory_space<semaphore_mem>>)
      } else {
      }
      %add3A_1215 = arith.constant 3 : i32
      %add3A_1216 = arith.addi %add3A_1201, %add3A_1215 : i32
      %lt3A_1217 = arith.cmpi slt, %add3A_1216, %select_n3A : i32
      %convert_element_type3A_1218 = arith.extui %lt3A_1217 : i1 to i32
      %cond3A_1219 = arith.constant 0 : i32
      %cond3A_1220 = arith.cmpi ne, %convert_element_type3A_1218, %cond3A_1219 : i32
      scf.if %cond3A_1220 {
        %dma_wait3A_1242 = arith.constant 0 : i32
        %dma_wait3A_1243 = arith.constant 0 : i32
        %dma_wait3A_1244 = tpu.memref_slice %arg3[%dma_wait3A_1242, %dma_wait3A_1243] : memref<2x320000xi32, #tpu.memory_space<hbm>> -> memref<2x128xi32, #tpu.memory_space<hbm>>
        %dma_wait3A_1245 = arith.constant 0 : i32
        %dma_wait3A_1246 = arith.constant 0 : i32
        %dma_wait3A_1247 = tpu.memref_slice %arg3[%dma_wait3A_1245, %dma_wait3A_1246] : memref<2x320000xi32, #tpu.memory_space<hbm>> -> memref<2x128xi32, #tpu.memory_space<hbm>>
        tpu.wait_dma2 semaphore(%arg22 : memref<!tpu.dma_semaphore, #tpu.memory_space<semaphore_mem>>) src(%dma_wait3A_1247 : memref<2x128xi32, #tpu.memory_space<hbm>>) dst(%arg9 : memref<2x128xi32, #tpu.memory_space<vmem>>)
        %dma_start3A_1248 = arith.constant 0 : i32
        %dma_start3A_1249 = arith.constant 0 : i32
        %dma_start3A_1250 = tpu.memref_slice %arg9[%dma_start3A_1248, %dma_start3A_1249] : memref<2x128xi32, #tpu.memory_space<vmem>> -> memref<1x128xi32, #tpu.memory_space<vmem>>
        %dma_start3A_1251 = tpu.memref_squeeze %dma_start3A_1250 : memref<1x128xi32, #tpu.memory_space<vmem>> -> memref<128xi32, #tpu.memory_space<vmem>>
        %dma_start3A_1252 = arith.constant 0 : i32
        %dma_start3A_1253 = arith.constant 0 : i32
        %dma_start3A_1254 = tpu.memref_slice %arg2[%dma_start3A_1252, %dma_start3A_1253] : memref<10000x128xf32, #tpu.memory_space<hbm>> -> memref<10000x128xf32, #tpu.memory_space<hbm>>
        tpu.enqueue_indirect_dma source(%dma_start3A_1254 : memref<10000x128xf32, #tpu.memory_space<hbm>>) target(%arg6 : memref<128x128xf32, #tpu.memory_space<vmem>>) offsets(%dma_start3A_1251 : memref<128xi32, #tpu.memory_space<vmem>>) semaphore(%arg16 : memref<!tpu.dma_semaphore, #tpu.memory_space<semaphore_mem>>)
      } else {
      }
      %add3A_1221 = arith.constant 5 : i32
      %add3A_1222 = arith.addi %mul3A_1019, %add3A_1221 : i32
      %dma_wait3A_1223 = arith.constant 1 : i32
      %dma_wait3A_1224 = arith.constant 0 : i32
      %dma_wait3A_1225 = tpu.memref_slice %arg13[%dma_wait3A_1223, %dma_wait3A_1224] : memref<2x128xi32, #tpu.memory_space<vmem>> -> memref<1x128xi32, #tpu.memory_space<vmem>>
      %dma_wait3A_1226 = tpu.memref_squeeze %dma_wait3A_1225 : memref<1x128xi32, #tpu.memory_space<vmem>> -> memref<128xi32, #tpu.memory_space<vmem>>
      %dma_wait3A_1227 = arith.constant 0 : i32
      %dma_wait3A_1228 = arith.constant 0 : i32
      %dma_wait3A_1229 = tpu.memref_slice %arg14[%dma_wait3A_1227, %dma_wait3A_1228] : memref<10000x128xf32, #tpu.memory_space<vmem_shared>> -> memref<10000x128xf32, #tpu.memory_space<vmem_shared>>
      tpu.wait_indirect_dma semaphore(%arg20 : memref<!tpu.dma_semaphore, #tpu.memory_space<semaphore_mem>>) src(%arg7 : memref<128x128xf32, #tpu.memory_space<vmem>>) dst(%dma_wait3A_1229 : memref<10000x128xf32, #tpu.memory_space<vmem_shared>>)
      %add3A_1230 = arith.constant 6 : i32
      %add3A_1231 = arith.addi %add3A_1222, %add3A_1230 : i32
      %lt3A_1232 = arith.cmpi slt, %add3A_1231, %select_n3A : i32
      %convert_element_type3A_1233 = arith.extui %lt3A_1232 : i1 to i32
      %cond3A_1234 = arith.constant 0 : i32
      %cond3A_1235 = arith.cmpi ne, %convert_element_type3A_1233, %cond3A_1234 : i32
      scf.if %cond3A_1235 {
        %add3A_1242 = arith.constant 6 : i32
        %add3A_1243 = arith.addi %add3A_1222, %add3A_1242 : i32
        %add3A_1244 = arith.addi %add3A_4, %add3A_1243 : i32
        %mul3A_1245 = arith.constant 128 : i32
        %mul3A_1246 = arith.muli %add3A_1244, %mul3A_1245 : i32
        %dma_start3A_1247 = arith.constant 0 : i32
        %dma_start3A_1248 = arith.constant 0 : i32
        %dma_start3A_1249 = arith.constant 0 : i32
        %dma_start3A_1250 = tpu.memref_slice %arg13[%dma_start3A_1248, %dma_start3A_1249] : memref<2x128xi32, #tpu.memory_space<vmem>> -> memref<1x128xi32, #tpu.memory_space<vmem>>
        %dma_start3A_1251 = tpu.memref_squeeze %dma_start3A_1250 : memref<1x128xi32, #tpu.memory_space<vmem>> -> memref<128xi32, #tpu.memory_space<vmem>>
        %dma_start3A_1252 = tpu.memref_slice %arg3[%dma_start3A_1247, %mul3A_1246] : memref<2x320000xi32, #tpu.memory_space<hbm>> -> memref<1x128xi32, #tpu.memory_space<hbm>>
        %dma_start3A_1253 = tpu.memref_squeeze %dma_start3A_1252 : memref<1x128xi32, #tpu.memory_space<hbm>> -> memref<128xi32, #tpu.memory_space<hbm>>
        %dma_start3A_1254 = arith.constant 0 : i32
        %dma_start3A_1255 = tpu.memref_slice %arg13[%dma_start3A_1248, %dma_start3A_1254] : memref<2x128xi32, #tpu.memory_space<vmem>> -> memref<1x128xi32, #tpu.memory_space<vmem>>
        %dma_start3A_1256 = tpu.memref_squeeze %dma_start3A_1255 : memref<1x128xi32, #tpu.memory_space<vmem>> -> memref<128xi32, #tpu.memory_space<vmem>>
        %dma_start3A_1257 = tpu.memref_slice %arg3[%dma_start3A_1247, %mul3A_1246] : memref<2x320000xi32, #tpu.memory_space<hbm>> -> memref<1x128xi32, #tpu.memory_space<hbm>>
        %dma_start3A_1258 = tpu.memref_squeeze %dma_start3A_1257 : memref<1x128xi32, #tpu.memory_space<hbm>> -> memref<128xi32, #tpu.memory_space<hbm>>
        tpu.enqueue_dma source(%dma_start3A_1258 : memref<128xi32, #tpu.memory_space<hbm>>) target(%dma_start3A_1256 : memref<128xi32, #tpu.memory_space<vmem>>) target_semaphore(%arg26 : memref<!tpu.dma_semaphore, #tpu.memory_space<semaphore_mem>>)
        %dma_start3A_1259 = arith.constant 1 : i32
        %dma_start3A_1260 = arith.constant 1 : i32
        %dma_start3A_1261 = arith.constant 0 : i32
        %dma_start3A_1262 = tpu.memref_slice %arg13[%dma_start3A_1260, %dma_start3A_1261] : memref<2x128xi32, #tpu.memory_space<vmem>> -> memref<1x128xi32, #tpu.memory_space<vmem>>
        %dma_start3A_1263 = tpu.memref_squeeze %dma_start3A_1262 : memref<1x128xi32, #tpu.memory_space<vmem>> -> memref<128xi32, #tpu.memory_space<vmem>>
        %dma_start3A_1264 = tpu.memref_slice %arg3[%dma_start3A_1259, %mul3A_1246] : memref<2x320000xi32, #tpu.memory_space<hbm>> -> memref<1x128xi32, #tpu.memory_space<hbm>>
        %dma_start3A_1265 = tpu.memref_squeeze %dma_start3A_1264 : memref<1x128xi32, #tpu.memory_space<hbm>> -> memref<128xi32, #tpu.memory_space<hbm>>
        %dma_start3A_1266 = arith.constant 0 : i32
        %dma_start3A_1267 = tpu.memref_slice %arg13[%dma_start3A_1260, %dma_start3A_1266] : memref<2x128xi32, #tpu.memory_space<vmem>> -> memref<1x128xi32, #tpu.memory_space<vmem>>
        %dma_start3A_1268 = tpu.memref_squeeze %dma_start3A_1267 : memref<1x128xi32, #tpu.memory_space<vmem>> -> memref<128xi32, #tpu.memory_space<vmem>>
        %dma_start3A_1269 = tpu.memref_slice %arg3[%dma_start3A_1259, %mul3A_1246] : memref<2x320000xi32, #tpu.memory_space<hbm>> -> memref<1x128xi32, #tpu.memory_space<hbm>>
        %dma_start3A_1270 = tpu.memref_squeeze %dma_start3A_1269 : memref<1x128xi32, #tpu.memory_space<hbm>> -> memref<128xi32, #tpu.memory_space<hbm>>
        tpu.enqueue_dma source(%dma_start3A_1270 : memref<128xi32, #tpu.memory_space<hbm>>) target(%dma_start3A_1268 : memref<128xi32, #tpu.memory_space<vmem>>) target_semaphore(%arg26 : memref<!tpu.dma_semaphore, #tpu.memory_space<semaphore_mem>>)
      } else {
      }
      %add3A_1236 = arith.constant 3 : i32
      %add3A_1237 = arith.addi %add3A_1222, %add3A_1236 : i32
      %lt3A_1238 = arith.cmpi slt, %add3A_1237, %select_n3A : i32
      %convert_element_type3A_1239 = arith.extui %lt3A_1238 : i1 to i32
      %cond3A_1240 = arith.constant 0 : i32
      %cond3A_1241 = arith.cmpi ne, %convert_element_type3A_1239, %cond3A_1240 : i32
      scf.if %cond3A_1241 {
        %dma_wait3A_1242 = arith.constant 0 : i32
        %dma_wait3A_1243 = arith.constant 0 : i32
        %dma_wait3A_1244 = tpu.memref_slice %arg3[%dma_wait3A_1242, %dma_wait3A_1243] : memref<2x320000xi32, #tpu.memory_space<hbm>> -> memref<2x128xi32, #tpu.memory_space<hbm>>
        %dma_wait3A_1245 = arith.constant 0 : i32
        %dma_wait3A_1246 = arith.constant 0 : i32
        %dma_wait3A_1247 = tpu.memref_slice %arg3[%dma_wait3A_1245, %dma_wait3A_1246] : memref<2x320000xi32, #tpu.memory_space<hbm>> -> memref<2x128xi32, #tpu.memory_space<hbm>>
        tpu.wait_dma2 semaphore(%arg23 : memref<!tpu.dma_semaphore, #tpu.memory_space<semaphore_mem>>) src(%dma_wait3A_1247 : memref<2x128xi32, #tpu.memory_space<hbm>>) dst(%arg10 : memref<2x128xi32, #tpu.memory_space<vmem>>)
        %dma_start3A_1248 = arith.constant 0 : i32
        %dma_start3A_1249 = arith.constant 0 : i32
        %dma_start3A_1250 = tpu.memref_slice %arg10[%dma_start3A_1248, %dma_start3A_1249] : memref<2x128xi32, #tpu.memory_space<vmem>> -> memref<1x128xi32, #tpu.memory_space<vmem>>
        %dma_start3A_1251 = tpu.memref_squeeze %dma_start3A_1250 : memref<1x128xi32, #tpu.memory_space<vmem>> -> memref<128xi32, #tpu.memory_space<vmem>>
        %dma_start3A_1252 = arith.constant 0 : i32
        %dma_start3A_1253 = arith.constant 0 : i32
        %dma_start3A_1254 = tpu.memref_slice %arg2[%dma_start3A_1252, %dma_start3A_1253] : memref<10000x128xf32, #tpu.memory_space<hbm>> -> memref<10000x128xf32, #tpu.memory_space<hbm>>
        tpu.enqueue_indirect_dma source(%dma_start3A_1254 : memref<10000x128xf32, #tpu.memory_space<hbm>>) target(%arg7 : memref<128x128xf32, #tpu.memory_space<vmem>>) offsets(%dma_start3A_1251 : memref<128xi32, #tpu.memory_space<vmem>>) semaphore(%arg17 : memref<!tpu.dma_semaphore, #tpu.memory_space<semaphore_mem>>)
      } else {
      }
    }
    %scan3A_1003 = arith.constant 13 : i32
    %convert_element_type3A_1004 = arith.extui %lt3A_5 : i1 to i32
    %cond3A_1005 = arith.constant 0 : i32
    %cond3A_1006 = arith.cmpi ne, %convert_element_type3A_1004, %cond3A_1005 : i32
    scf.if %cond3A_1006 {
      %dma_wait3A_1017 = arith.constant 0 : i32
      %dma_wait3A_1018 = arith.constant 0 : i32
      %dma_wait3A_1019 = tpu.memref_slice %arg8[%dma_wait3A_1017, %dma_wait3A_1018] : memref<2x128xi32, #tpu.memory_space<vmem>> -> memref<1x128xi32, #tpu.memory_space<vmem>>
      %dma_wait3A_1020 = tpu.memref_squeeze %dma_wait3A_1019 : memref<1x128xi32, #tpu.memory_space<vmem>> -> memref<128xi32, #tpu.memory_space<vmem>>
      %dma_wait3A_1021 = arith.constant 0 : i32
      %dma_wait3A_1022 = arith.constant 0 : i32
      %dma_wait3A_1023 = tpu.memref_slice %arg2[%dma_wait3A_1021, %dma_wait3A_1022] : memref<10000x128xf32, #tpu.memory_space<hbm>> -> memref<10000x128xf32, #tpu.memory_space<hbm>>
      tpu.wait_indirect_dma semaphore(%arg15 : memref<!tpu.dma_semaphore, #tpu.memory_space<semaphore_mem>>) src(%dma_wait3A_1023 : memref<10000x128xf32, #tpu.memory_space<hbm>>) dst(%arg5 : memref<128x128xf32, #tpu.memory_space<vmem>>)
      %dma_start3A_1024 = arith.constant 1 : i32
      %dma_start3A_1025 = arith.constant 0 : i32
      %dma_start3A_1026 = tpu.memref_slice %arg8[%dma_start3A_1024, %dma_start3A_1025] : memref<2x128xi32, #tpu.memory_space<vmem>> -> memref<1x128xi32, #tpu.memory_space<vmem>>
      %dma_start3A_1027 = tpu.memref_squeeze %dma_start3A_1026 : memref<1x128xi32, #tpu.memory_space<vmem>> -> memref<128xi32, #tpu.memory_space<vmem>>
      %dma_start3A_1028 = arith.constant 0 : i32
      %dma_start3A_1029 = arith.constant 0 : i32
      %dma_start3A_1030 = tpu.memref_slice %arg14[%dma_start3A_1028, %dma_start3A_1029] : memref<10000x128xf32, #tpu.memory_space<vmem_shared>> -> memref<10000x128xf32, #tpu.memory_space<vmem_shared>>
      tpu.enqueue_indirect_dma source(%arg5 : memref<128x128xf32, #tpu.memory_space<vmem>>) target(%dma_start3A_1030 : memref<10000x128xf32, #tpu.memory_space<vmem_shared>>) offsets(%dma_start3A_1027 : memref<128xi32, #tpu.memory_space<vmem>>) semaphore(%arg18 : memref<!tpu.dma_semaphore, #tpu.memory_space<semaphore_mem>>) {add = true}
      %dma_wait3A_1031 = arith.constant 1 : i32
      %dma_wait3A_1032 = arith.constant 0 : i32
      %dma_wait3A_1033 = tpu.memref_slice %arg8[%dma_wait3A_1031, %dma_wait3A_1032] : memref<2x128xi32, #tpu.memory_space<vmem>> -> memref<1x128xi32, #tpu.memory_space<vmem>>
      %dma_wait3A_1034 = tpu.memref_squeeze %dma_wait3A_1033 : memref<1x128xi32, #tpu.memory_space<vmem>> -> memref<128xi32, #tpu.memory_space<vmem>>
      %dma_wait3A_1035 = arith.constant 0 : i32
      %dma_wait3A_1036 = arith.constant 0 : i32
      %dma_wait3A_1037 = tpu.memref_slice %arg14[%dma_wait3A_1035, %dma_wait3A_1036] : memref<10000x128xf32, #tpu.memory_space<vmem_shared>> -> memref<10000x128xf32, #tpu.memory_space<vmem_shared>>
      tpu.wait_indirect_dma semaphore(%arg18 : memref<!tpu.dma_semaphore, #tpu.memory_space<semaphore_mem>>) src(%arg5 : memref<128x128xf32, #tpu.memory_space<vmem>>) dst(%dma_wait3A_1037 : memref<10000x128xf32, #tpu.memory_space<vmem_shared>>)
    } else {
    }
    %barrier3A_1007 = arith.constant 0 : index
    tpu.barrier barrier_id(%barrier3A_1007)
    %mul3A_1008 = arith.constant 624 : i32
    %mul3A_1009 = arith.muli %arg1, %mul3A_1008 : i32
    %mul3A_1010 = arith.constant 624 : i32
    %mul3A_1011 = arith.muli %arg1, %mul3A_1010 : i32
    "tpu.region"() ({
      %run_scoped3A = tpu.sem_alloc : memref<!tpu.dma_semaphore, #tpu.memory_space<semaphore_mem>>
      %dma_start3A_1017 = arith.constant 0 : i32
      %dma_start3A_1018 = tpu.memref_slice %arg4[%arg0, %mul3A_1011, %dma_start3A_1017] : memref<2x10000x128xf32, #tpu.memory_space<hbm>> -> memref<1x624x128xf32, #tpu.memory_space<hbm>>
      %dma_start3A_1019 = tpu.memref_squeeze %dma_start3A_1018 : memref<1x624x128xf32, #tpu.memory_space<hbm>> -> memref<624x128xf32, #tpu.memory_space<hbm>>
      %dma_start3A_1020 = arith.constant 0 : i32
      %dma_start3A_1021 = tpu.memref_slice %arg14[%mul3A_1009, %dma_start3A_1020] : memref<10000x128xf32, #tpu.memory_space<vmem_shared>> -> memref<624x128xf32, #tpu.memory_space<vmem_shared>>
      tpu.enqueue_dma source(%dma_start3A_1021 : memref<624x128xf32, #tpu.memory_space<vmem_shared>>) target(%dma_start3A_1019 : memref<624x128xf32, #tpu.memory_space<hbm>>) target_semaphore(%run_scoped3A : memref<!tpu.dma_semaphore, #tpu.memory_space<semaphore_mem>>)
      %dma_wait3A_1022 = arith.constant 0 : i32
      %dma_wait3A_1023 = tpu.memref_slice %arg4[%arg0, %mul3A_1011, %dma_wait3A_1022] : memref<2x10000x128xf32, #tpu.memory_space<hbm>> -> memref<1x624x128xf32, #tpu.memory_space<hbm>>
      %dma_wait3A_1024 = tpu.memref_squeeze %dma_wait3A_1023 : memref<1x624x128xf32, #tpu.memory_space<hbm>> -> memref<624x128xf32, #tpu.memory_space<hbm>>
      %dma_wait3A_1025 = arith.constant 0 : i32
      %dma_wait3A_1026 = tpu.memref_slice %arg14[%mul3A_1009, %dma_wait3A_1025] : memref<10000x128xf32, #tpu.memory_space<vmem_shared>> -> memref<624x128xf32, #tpu.memory_space<vmem_shared>>
      tpu.wait_dma2 semaphore(%run_scoped3A : memref<!tpu.dma_semaphore, #tpu.memory_space<semaphore_mem>>) src(%dma_wait3A_1026 : memref<624x128xf32, #tpu.memory_space<vmem_shared>>) dst(%dma_wait3A_1024 : memref<624x128xf32, #tpu.memory_space<hbm>>)
      tpu.yield
    }) : () -> ()
    %eq3A_1012 = arith.constant 15 : i32
    %eq3A_1013 = arith.cmpi eq, %arg1, %eq3A_1012 : i32
    %convert_element_type3A_1014 = arith.extui %eq3A_1013 : i1 to i32
    %cond3A_1015 = arith.constant 0 : i32
    %cond3A_1016 = arith.cmpi ne, %convert_element_type3A_1014, %cond3A_1015 : i32
    scf.if %cond3A_1016 {
      "tpu.region"() ({
        %run_scoped3A = tpu.sem_alloc : memref<!tpu.dma_semaphore, #tpu.memory_space<semaphore_mem>>
        %dma_start3A_1017 = arith.constant 9984 : i32
        %dma_start3A_1018 = arith.constant 0 : i32
        %dma_start3A_1019 = tpu.memref_slice %arg4[%arg0, %dma_start3A_1017, %dma_start3A_1018] : memref<2x10000x128xf32, #tpu.memory_space<hbm>> -> memref<1x16x128xf32, #tpu.memory_space<hbm>>
        %dma_start3A_1020 = tpu.memref_squeeze %dma_start3A_1019 : memref<1x16x128xf32, #tpu.memory_space<hbm>> -> memref<16x128xf32, #tpu.memory_space<hbm>>
        %dma_start3A_1021 = arith.constant 9984 : i32
        %dma_start3A_1022 = arith.constant 0 : i32
        %dma_start3A_1023 = tpu.memref_slice %arg14[%dma_start3A_1021, %dma_start3A_1022] : memref<10000x128xf32, #tpu.memory_space<vmem_shared>> -> memref<16x128xf32, #tpu.memory_space<vmem_shared>>
        tpu.enqueue_dma source(%dma_start3A_1023 : memref<16x128xf32, #tpu.memory_space<vmem_shared>>) target(%dma_start3A_1020 : memref<16x128xf32, #tpu.memory_space<hbm>>) target_semaphore(%run_scoped3A : memref<!tpu.dma_semaphore, #tpu.memory_space<semaphore_mem>>)
        %dma_wait3A_1024 = arith.constant 9984 : i32
        %dma_wait3A_1025 = arith.constant 0 : i32
        %dma_wait3A_1026 = tpu.memref_slice %arg4[%arg0, %dma_wait3A_1024, %dma_wait3A_1025] : memref<2x10000x128xf32, #tpu.memory_space<hbm>> -> memref<1x16x128xf32, #tpu.memory_space<hbm>>
        %dma_wait3A_1027 = tpu.memref_squeeze %dma_wait3A_1026 : memref<1x16x128xf32, #tpu.memory_space<hbm>> -> memref<16x128xf32, #tpu.memory_space<hbm>>
        %dma_wait3A_1028 = arith.constant 9984 : i32
        %dma_wait3A_1029 = arith.constant 0 : i32
        %dma_wait3A_1030 = tpu.memref_slice %arg14[%dma_wait3A_1028, %dma_wait3A_1029] : memref<10000x128xf32, #tpu.memory_space<vmem_shared>> -> memref<16x128xf32, #tpu.memory_space<vmem_shared>>
        tpu.wait_dma2 semaphore(%run_scoped3A : memref<!tpu.dma_semaphore, #tpu.memory_space<semaphore_mem>>) src(%dma_wait3A_1030 : memref<16x128xf32, #tpu.memory_space<vmem_shared>>) dst(%dma_wait3A_1027 : memref<16x128xf32, #tpu.memory_space<hbm>>)
        tpu.yield
      }) : () -> ()
    } else {
    }
    return
  }
}

module attributes {stable_mosaic.version = 14 : i64} {
  func.func @body(%arg0: i32, %arg1: memref<2x2000x128xf32, #tpu.memory_space<vmem>>, %arg2: memref<128x128xf32, #tpu.memory_space<vmem>>, %arg3: memref<1x128xf32, #tpu.memory_space<vmem>>, %arg4: memref<2000x128xf32, #tpu.memory_space<vmem>>) attributes {dimension_semantics = [#tpu.dimension_semantics<arbitrary>], iteration_bounds = array<i64: 5>, scalar_prefetch = 0 : i64, scratch_operands = 0 : i64, tpu.core_type = #tpu.core_type<tc>, window_params = [{transform_indices = @transform_0, window_bounds = array<i64: 2, 2000, 128>}, {pipeline_mode = #tpu.pipeline_mode<synchronous>, transform_indices = @transform_1, window_bounds = array<i64: 128, 128>}, {pipeline_mode = #tpu.pipeline_mode<synchronous>, transform_indices = @transform_2, window_bounds = array<i64: 1, 128>}, {transform_indices = @transform_3, window_bounds = array<i64: 2000, 128>}]} {
    %get3A = arith.constant 0 : index
    %get3A_0 = arith.constant 0 : index
    %get3A_1 = arith.constant 0 : index
    %get3A_2 = vector.load %arg1[%get3A, %get3A_0, %get3A_1] : memref<2x2000x128xf32, #tpu.memory_space<vmem>>, vector<1x2000x128xf32>
    %get3A_3 = vector.shape_cast %get3A_2 : vector<1x2000x128xf32> to vector<2000x128xf32>
    %get3A_4 = arith.constant 1 : index
    %get3A_5 = arith.constant 0 : index
    %get3A_6 = arith.constant 0 : index
    %get3A_7 = vector.load %arg1[%get3A_4, %get3A_5, %get3A_6] : memref<2x2000x128xf32, #tpu.memory_space<vmem>>, vector<1x2000x128xf32>
    %get3A_8 = vector.shape_cast %get3A_7 : vector<1x2000x128xf32> to vector<2000x128xf32>
    %add3A = arith.addf %get3A_3, %get3A_8 : vector<2000x128xf32>
    %get3A_9 = arith.constant 0 : index
    %get3A_10 = arith.constant 0 : index
    %get3A_11 = vector.load %arg2[%get3A_9, %get3A_10] : memref<128x128xf32, #tpu.memory_space<vmem>>, vector<128x128xf32>
    %dot_general3A = arith.constant dense<0.000000e+00> : vector<2000x128xf32>
    %dot_general3A_12 = tpu.matmul %add3A, %get3A_11, %dot_general3A {dimension_numbers = #tpu.dot_dimension_numbers<[1], [0], [0], [1], [0, 0, 1, 1], [], []>, transpose_lhs_hint = false} : vector<2000x128xf32>, vector<128x128xf32>, vector<2000x128xf32> -> vector<2000x128xf32>
    %get3A_13 = arith.constant 0 : index
    %get3A_14 = arith.constant 0 : index
    %get3A_15 = vector.load %arg3[%get3A_13, %get3A_14] : memref<1x128xf32, #tpu.memory_space<vmem>>, vector<1x128xf32>
    %add3A_16 = vector.broadcast %get3A_15 : vector<1x128xf32> to vector<2000x128xf32>
    %add3A_17 = arith.addf %dot_general3A_12, %add3A_16 : vector<2000x128xf32>
    %max3A = arith.constant 0.000000e+00 : f32
    %max3A_18 = vector.broadcast %max3A : f32 to vector<2000x128xf32>
    %max3A_19 = arith.maximumf %add3A_17, %max3A_18 : vector<2000x128xf32>
    %swap3A = arith.constant 0 : index
    %swap3A_20 = arith.constant 0 : index
    %swap3A_21 = vector.load %arg4[%swap3A, %swap3A_20] : memref<2000x128xf32, #tpu.memory_space<vmem>>, vector<2000x128xf32>
    tpu.vector_store %arg4[%swap3A, %swap3A_20], %max3A_19 {strides = array<i32>} : memref<2000x128xf32, #tpu.memory_space<vmem>>, vector<2000x128xf32>,
    return
  }
  func.func @transform_0(%arg0: i32) -> (i32, i32, i32) {
    %c0_i32 = arith.constant 0 : i32
    %c0_i32_0 = arith.constant 0 : i32
    %c0_i32_1 = arith.constant 0 : i32
    return %c0_i32, %arg0, %c0_i32_0 : i32, i32, i32
  }
  func.func @transform_1(%arg0: i32) -> (i32, i32) {
    %c0_i32 = arith.constant 0 : i32
    %c0_i32_0 = arith.constant 0 : i32
    %c0_i32_1 = arith.constant 0 : i32
    return %c0_i32, %c0_i32_0 : i32, i32
  }
  func.func @transform_2(%arg0: i32) -> (i32, i32) {
    %c0_i32 = arith.constant 0 : i32
    %c0_i32_0 = arith.constant 0 : i32
    %c0_i32_1 = arith.constant 0 : i32
    return %c0_i32, %c0_i32_0 : i32, i32
  }
  func.func @transform_3(%arg0: i32) -> (i32, i32) {
    %c0_i32 = arith.constant 0 : i32
    %c0_i32_0 = arith.constant 0 : i32
    return %arg0, %c0_i32 : i32, i32
  }
}

</mosaic_0001>

<sc_bundles>
// kernel: kernel.4.cloned.1.call-start
scs
__scs_entry_jumppad:
0x0: {  	(pc) =	sbr.rel $0x88, $3  }
0x1: {  	(tag) =	ssettag $0x0;
	lr =	simm.s32 $0x1  }
0x2: {  	[smem:$0x3F9D] =	sst lr;
	_ =	strace $0xD0000000  }
0x3: {  	_ = 	snop  }
0x4: {  	_ = 	snop  }
0x5: {  	_ = 	snop  }
0x6: {  	_ = 	snop  }
0x7: {  	_ = 	snop  }
__scs_overlays_trampoline_lowered:
0x8: {  	[smem:$0x3FAC] =	sst s0  }
0x9: {  	[smem:$0x3FAD] =	sst s1  }
0xa: {  	[smem:$0x3FAE] =	sst s2  }
0xb: {  	[smem:$0x3FAF] =	sst s3  }
0xc: {  	[smem:$0x3FB0] =	sst s4  }
0xd: {  	[smem:$0x3FB1] =	sst s5  }
0xe: {  	[smem:$0x3FB2] =	sst s6  }
0xf: {  	[smem:$0x3FB3] =	sst s7  }
0x10: {  	[smem:$0x3FB4] =	sst s8  }
0x11: {  	[smem:$0x3FB5] =	sst s9;
	s0 =	simm.s32 @!p0 $0x0  }
0x12: {  	s1 =	sld [smem:$0x3F9B];
	s0 =	simm.s32 @p0 $0x1  }
0x13: {  	[smem:$0x3FB6] =	sst s0;
	s0 =	simm.s32 @!p1 $0x0  }
0x14: {  	s2 =	sld [smem:$0x3F9A];
	s0 =	simm.s32 @p1 $0x1  }
0x15: {  	[smem:$0x3FB7] =	sst s0;
	s0 =	simm.s32 @!p2 $0x0  }
0x16: {  	s3 =	sld [smem:$0x3FDB];
	s0 =	simm.s32 @p2 $0x1  }
0x17: {  	s4 =	simm.s32 $0x1BF5;
	[smem:$0x3FB9] =	sst s0  }
0x18: {  	s0 =	sld [smem:$0x3F9C];
	_ =	swait.ge [sflag:s4], $0x0  }
0x19: {  	s7 =	sld [smem:$0x3F9D]  }
0x1a: {  	s8 =	sadd.s32 $0xFFFFE003, lr  }
0x1b: {  	s9 =	sadd.s32 $0xFFFFFEF7, lr;
	s5 =	simm.s32 $0xFFFFFFFF;
	p2 =	slt.u32 s8, $0xFFFFF086  }
0x1c: {  	p1 =	slt.u32 s9, $0xF7A;
	s5 =	simm.s32 @!p2 $0x0  }
0x1d: {  	s5 =	simm.s32 @p1 $0x1;
	p0 =	seq.s32 s7, s2  }
0x1e: {  	s7 =	smul.u32 @!p0 $0xF7A, s2;
	p2 =	seq.s32 @!p0 s5, $0x0  }
0x1f: {  	s9 =	smul.u32 $0xF7A, s1;
	s8 =	simm.s32 @!p0 $0x1BF5;
	p2 =	por !p2, p0  }
0x20: {  	[sflag:s8] =	ssyncset.s32 @!p0 $0xFFFFF086;
	s6 =	sadd.s32 @!p0 s3, s7;
	s7 =	simm.s32 @!p0 $0x108  }
0x21: {  	s3 =	sadd.s32 s3, s9;
	s6 =	sadd.s32 @!p0 $0x88, s6;
	s7 =	simm.s32 @p2 $0x1082  }
0x22: {  	[simem:s7], [sflag:s8] =	dma.local @!p0 [hbm:s6], $0xF7A  }
0x23: {  	s9 =	sor.u32 $0xD0000000, s2;
	s6 =	simm.s32 $0x108;
	_ =	swait.ge @!p0 [sflag:s8], $0x0  }
0x24: {  	s3 =	sadd.s32 $0x88, s3;
	s6 =	simm.s32 @!p1 $0x1082;
	[sflag:s4] =	ssyncset.s32 $0xFFFFF086  }
0x25: {  	[simem:s6], [sflag:s4] =	dma.local [hbm:s3], $0xF7A  }
0x26: {  	[smem:$0x3F9D] =	sst s1;
	(tag) =	ssettag s2;
	_ =	strace s9  }
0x27: {  	s1 =	sld [smem:$0x3FAD]  }
0x28: {  	s2 =	sld [smem:$0x3FAE]  }
0x29: {  	s4 =	sld [smem:$0x3FB0]  }
0x2a: {  	p0 =	seq.s32 s5, $0x0;
	s5 =	sld [smem:$0x3FB1]  }
0x2b: {  	s6 =	sld [smem:$0x3FB2]  }
0x2c: {  	s7 =	sld [smem:$0x3FB3]  }
0x2d: {  	s3 =	simm.s32 $0x108;
	s8 =	sld [smem:$0x3FB4]  }
0x2e: {  	s3 =	simm.s32 @!p0 $0x1082;
	s9 =	sld [smem:$0x3FB5]  }
0x2f: {  	lr =	sadd.s32 s0, s3;
	s0 =	sld [smem:$0x3FAC]  }
0x30: {  	s3 =	sld [smem:$0x3FAF]  }
0x31: {  	[smem:$0x3FB8] =	sst s10  }
0x32: {  	s10 =	sld [smem:$0x3FB6];
	_ =	sdelay $0x3  }
0x33: {  	p0 =	seq.s32 s10, $0x1;
	s10 =	sld [smem:$0x3FB8];
	_ =	sdelay $0x3  }
0x34: {  	[smem:$0x3FB8] =	sst s10  }
0x35: {  	s10 =	sld [smem:$0x3FB7];
	_ =	sdelay $0x3  }
0x36: {  	p1 =	seq.s32 s10, $0x1;
	s10 =	sld [smem:$0x3FB8];
	_ =	sdelay $0x3  }
0x37: {  	[smem:$0x3FB8] =	sst s10  }
0x38: {  	s10 =	sld [smem:$0x3FB9]  }
0x39: {  	_ = 	snop;
	(pc) =	sbr.ind lr, $3  }
0x3a: {  	_ = 	snop  }
0x3b: {  	_ = 	snop  }
0x3c: {  	p2 =	seq.s32 s10, $0x1;
	s10 =	sld [smem:$0x3FB8]  }
0x3d: {  	_ =	shalt  }
0x3e: {  	_ =	shalt  }
0x3f: {  	_ =	shalt  }
0x40: {  	_ =	shalt  }
0x41: {  	_ =	shalt  }
0x42: {  	_ =	shalt  }
0x43: {  	_ =	shalt  }
0x44: {  	_ =	shalt  }
0x45: {  	_ =	shalt  }
0x46: {  	_ =	shalt  }
0x47: {  	_ =	shalt  }
0x48: {  	_ =	shalt  }
0x49: {  	_ =	shalt  }
0x4a: {  	_ =	shalt  }
0x4b: {  	_ =	shalt  }
0x4c: {  	_ =	shalt  }
0x4d: {  	_ =	shalt  }
0x4e: {  	_ =	shalt  }
0x4f: {  	_ =	shalt  }
0x50: {  	_ =	shalt  }
0x51: {  	_ =	shalt  }
0x52: {  	_ =	shalt  }
0x53: {  	_ =	shalt  }
0x54: {  	_ =	shalt  }
0x55: {  	_ =	shalt  }
0x56: {  	_ =	shalt  }
0x57: {  	_ =	shalt  }
0x58: {  	_ =	shalt  }
0x59: {  	_ =	shalt  }
0x5a: {  	_ =	shalt  }
0x5b: {  	_ =	shalt  }
0x5c: {  	_ =	shalt  }
0x5d: {  	_ =	shalt  }
0x5e: {  	_ =	shalt  }
0x5f: {  	_ =	shalt  }
0x60: {  	_ =	shalt  }
0x61: {  	_ =	shalt  }
0x62: {  	_ =	shalt  }
0x63: {  	_ =	shalt  }
0x64: {  	_ =	shalt  }
0x65: {  	_ =	shalt  }
0x66: {  	_ =	shalt  }
0x67: {  	_ =	shalt  }
0x68: {  	_ =	shalt  }
0x69: {  	_ =	shalt  }
0x6a: {  	_ =	shalt  }
0x6b: {  	_ =	shalt  }
0x6c: {  	_ =	shalt  }
0x6d: {  	_ =	shalt  }
0x6e: {  	_ =	shalt  }
0x6f: {  	_ =	shalt  }
0x70: {  	_ =	shalt  }
0x71: {  	_ =	shalt  }
0x72: {  	_ =	shalt  }
0x73: {  	_ =	shalt  }
0x74: {  	_ =	shalt  }
0x75: {  	_ =	shalt  }
0x76: {  	_ =	shalt  }
0x77: {  	_ =	shalt  }
0x78: {  	_ =	shalt  }
0x79: {  	_ =	shalt  }
0x7a: {  	_ =	shalt  }
0x7b: {  	_ =	shalt  }
0x7c: {  	_ =	shalt  }
0x7d: {  	_ =	shalt  }
0x7e: {  	_ =	shalt  }
0x7f: {  	_ =	shalt  }
0x80: {  	_ =	shalt  }
0x81: {  	_ =	shalt  }
0x82: {  	_ =	shalt  }
0x83: {  	_ =	shalt  }
0x84: {  	_ =	shalt  }
0x85: {  	_ =	shalt  }
0x86: {  	_ =	shalt  }
0x87: {  	_ =	shalt  }
.Lfunc_end0:
.L_simem_size_0:
called_computation_lowered:
.L_overlay_start_0:
0x88: {  	s2 =	sld [smem:$0x3FD9]  }
0x89: {  	s3 =	sld [smem:$0x3FFE];
	_ =	sdelay $0x1  }
0x8a: {  	s1 =	srdreg.scid  }
0x8b: {  	s0 =	sand.u32 $0x1, s1  }
0x8c: {  	s17 =	sshll.u32 s0, $0xA;
	s2 =	sadd.s32 s3, s2  }
0x8d: {  	s2 =	sadd.s32 s2, s17  }
0x8e: {  	[smem:$0x3FC4] =	sst s2  }
0x8f: {  	_ = 	snop  }
0x90: {  	s2 =	sld [smem:$0x3FC9]  }
0x91: {  	s18 =	sld [smem:$0x3FC8];
	(tm) =	ssettm $0x1  }
0x92: {  	s4 =	sld [smem:$0x3FFB];
	_ =	sdelay $0x3  }
0x93: {  	_ =	strace s4  }
0x94: {  	s4 =	sld [smem:$0x3FFC];
	_ =	sdelay $0x3  }
0x95: {  	_ =	strace s4  }
0x96: {  	s4 =	sld [smem:$0x3FFD];
	_ =	sdelay $0x3  }
0x97: {  	_ =	strace s4  }
0x98: {  	_ =	strace $0x8FFFFFFF  }
0x99: {  	s19 =	sld [smem:$0x3FDB];
	_ =	sdelay $0x1  }
0x9a: {  	s5 =	simm.s32 $_scs_section_size  }
0x9b: {  	s6 =	simm.s32 $_size__tile_overlayer_lowered;
	s7 =	simm.s32 $_tile_overlayer_lowered  }
0x9c: {  	s22 =	simm.s32 $0x1BFF;
	s21 =	sshll.u32 s7, $0x1;
	s4 =	sadd.s32 s5, s19  }
0x9d: {  	s8 =	simm.s32 $0x0;
	s20 =	sshll.u32 s6, $0x1;
	s6 =	sadd.s32 s21, s4  }
0x9e: {  	[timem:s8], [sflag:s22] =	dma.local [hbm:s6], s20  }
0x9f: {  	_ =	swait.ge [sflag:s22], s20  }
0xa0: {  	s5 =	ssub.s32 $0x0, s20;
	[sflag:s22] =	ssyncset.done $0x0  }
0xa1: {  	[sflag:s22] =	ssyncadd.s32 s5;
	_ =	sdelay $0x1  }
0xa2: {  	s23 =	simm.s32 $0x1B8B  }
0xa3: {  	_ =	swait.ge [sflag:s23], $0x1  }
0xa4: {  	[sflag:s23] =	ssyncset.done $0x0  }
0xa5: {  	s25 =	simm.s32 $0x1B8E;
	s24 =	sld [smem:$0x3FFE];
	[sflag:s23] =	ssyncadd.s32 $0xFFFFFFFF  }
0xa6: {  	s26 =	simm.s32 $execute0_lowered;
	[smem:$0x3FD2] =	sst s25  }
0xa7: {  	s6 =	sshll.u32 s26, $0x1;
	_ =	strace $0x80000046;
	[dreg:$0x1] =	wrdreg $0xFFFFFFFF  }
0xa8: {  	s28 =	simm.s32 $_size_execute0_lowered;
	s4 =	sadd.s32 s4, s6;
	[dreg:$0x0] =	wrdreg $0x0  }
0xa9: {  	s6 =	sshll.u32 s28, $0x1;
	[dreg:$0x2] =	wrdreg s4  }
0xaa: {  	[dreg:$0x3] =	wrdreg s6  }
0xab: {  	[dreg:$0x4] =	wrdreg $0xC0  }
0xac: {  	_ =	task [dreg:s8], $0x5FFFF  }
0xad: {  	[dreg:$0x1] =	wrdreg $0xFFFFFFFF  }
0xae: {  	[dreg:$0x0] =	wrdreg $0x60  }
0xaf: {  	[dreg:$0x2] =	wrdreg s2  }
0xb0: {  	[dreg:$0x3] =	wrdreg s18  }
0xb1: {  	[dreg:$0x4] =	wrdreg s24  }
0xb2: {  	[dreg:$0x5] =	wrdreg $0xC6000  }
0xb3: {  	[dreg:$0x6] =	wrdreg $0x9  }
0xb4: {  	_ =	task.clear_ibuf [dreg:s8], $0x7FFFF;
	_ =	strace $0x90000046  }
0xb5: {  	s29 =	simm.s32 $0x9;
	_ =	strace $0x80000048  }
0xb6: {  	_ =	swait.ge [sflag:s29], $0x1  }
0xb7: {  	[sflag:s29] =	ssyncadd.s32 $0xFFFFFFFF  }
0xb8: {  	_ =	strace $0x90000048  }
0xb9: {  	_ =	sfence  }
0xba: {  	s30 =	sld [smem:$0x0];
	_ =	sdelay $0x2  }
0xbb: {  	s31 =	sshll.u32 s1, $0xD;
	s1 =	sshrl.u32 s1, $0x2  }
0xbc: {  	s3 =	sand.u32 $0x4000, s31;
	s1 =	sadd.s32 s1, s30  }
0xbd: {  	s0 =	sor.u32 s3, s0;
	s1 =	sshll.u32 s1, $0x11  }
0xbe: {  	s0 =	sor.u32 s1, s0  }
0xbf: {  	s0 =	sadd.s32 $0x8F2B, s0  }
0xc0: {  	[sflag:s0] =	ssyncadd.remote.s32 $0x1  }
0xc1: {  	_ =	sfence.sel $0xFFFF  }
0xc2: {  	[dreg:$0x0] =	wrdreg $0xFFFFFFFF;
	(pc) =	sbr.abs _section_cstart, $3  }
0xc3: {  	[dreg:$0x1] =	wrdreg $0xFFFFFFFF  }
0xc4: {  	_ =	task.clear_ibuf [dreg:s8], $0x2FFFF;
	_ =	strace $0x9FFFFFFF  }
0xc5: {  	(tm) =	ssettm $0x7FFFFFFF  }
tec
execute0_lowered:
.L_overlay_start_1:
0x0: {  	(tag) =	ssettag $0x1  }
0x1: {  	s1 =	rddreg [dreg:$0x0]  }
0x2: {  	s0 =	rddreg [dreg:$0x1]  }
0x3: {  	s3 =	rddreg [dreg:$0x2]  }
0x4: {  	s2 =	rddreg [dreg:$0x3]  }
0x5: {  	s4 =	srdreg.scid;
	s12 =	stileid.u32  }
0x6: {  	s5 =	sand.u32 $0x1, s4;
	s4 =	simm.s32 $0x0;
	s10 =	smul.u32 $0x4E000, s12  }
0x7: {  	s3 =	sadd.s32 $0xA00, s3;
	s17 =	sadd.s32 $0x138000, s2;
	s14 =	smul.u32 $0x13800, s12  }
0x8: {  	s22 =	smul.u32 $0x9C0, s12;
	p1 =	sne.s32 s12, $0xF;
	s6 =	sshll.u32 s5, $0x4  }
0x9: {  	[smem:$0x7FF] =	sst s4;
	s8 =	ssub.s32 $0x2, s5;
	s25 =	smul.u32 $0x138800, s5  }
0xa: {  	s6 =	sor.u32 s12, s6;
	_ =	strace $0x80000047;
	s10 =	sshrl.u32 s10, $0x2  }
0xb: {  	s11 =	sshrl.u32 s8, $0x1;
	[dreg:$0x7] =	wrdreg s17;
	s16 =	sadd.s32 s10, s2  }
0xc: {  	s8 =	ssub.s32 s8, s11;
	s11 =	sadd.s32 $0x4000, s16;
	[dreg:$0x5] =	wrdreg s16  }
0xd: {  	s10 =	sadd.s32 s14, s25;
	s12 =	sadd.s32 $0x4800, s16;
	[dreg:$0x1d] =	wrdreg s11  }
0xe: {  	s10 =	sshrl.u32 s10, $0x3;
	s14 =	sadd.s32 $0x5800, s16;
	[dreg:$0x1e] =	wrdreg s12  }
0xf: {  	s5 =	smul.u32 $0x9C00, s5;
	s10 =	sadd.s32 s3, s10;
	[smem:$0x7E2] =	sst s14  }
0x10: {  	s7 =	smul.u32 $0x4E, s6;
	s11 =	sadd.s32 $0xD800, s16;
	[dreg:$0x11] =	wrdreg s10  }
0x11: {  	s9 =	smin.u32 s6, $0x4;
	s12 =	sadd.s32 $0xE000, s16;
	[smem:$0x7F2] =	sst s11  }
0x12: {  	s7 =	sadd.s32 s9, s7;
	s14 =	sadd.s32 $0xF000, s16;
	[smem:$0x7F3] =	sst s12  }
0x13: {  	s7 =	sshll.u32 s7, $0x5;
	s10 =	sadd.s32 $0x3800, s16;
	[smem:$0x7F5] =	sst s14  }
0x14: {  	s24 =	sadd.s32 s0, s7;
	[dreg:$0x1c] =	wrdreg s10  }
0x15: {  	s0 =	sadd.s32 s5, s0;
	s5 =	sadd.s32 $0x1000, s16;
	[dreg:$0x6] =	wrdreg s24  }
0x16: {  	s10 =	sadd.s32 $0xD000, s16;
	[dreg:$0x17] =	wrdreg s5  }
0x17: {  	s7 =	sadd.s32 $0x10, s24;
	[smem:$0x7F1] =	sst s10  }
0x18: {  	s26 =	sadd.s32 $0x20, s24;
	[dreg:$0x8] =	wrdreg s7  }
0x19: {  	s13 =	sadd.s32 $0x30, s24;
	[dreg:$0x9] =	wrdreg s26  }
0x1a: {  	s15 =	sadd.s32 $0x50, s24;
	[dreg:$0xa] =	wrdreg s13  }
0x1b: {  	s18 =	sadd.s32 $0x60, s24;
	[dreg:$0xc] =	wrdreg s15  }
0x1c: {  	s19 =	sadd.s32 $0x70, s24;
	[dreg:$0xd] =	wrdreg s18  }
0x1d: {  	s20 =	sadd.s32 $0x80, s24;
	[dreg:$0xe] =	wrdreg s19  }
0x1e: {  	s21 =	sadd.s32 $0x90, s24;
	[dreg:$0xf] =	wrdreg s20  }
0x1f: {  	s23 =	sadd.s32 $0xA0, s24;
	[dreg:$0x10] =	wrdreg s21  }
0x20: {  	s0 =	sadd.s32 s22, s0;
	s22 =	sadd.s32 $0x8000, s16;
	[dreg:$0x12] =	wrdreg s23  }
0x21: {  	s5 =	sadd.s32 $0xA800, s16;
	[smem:$0x7E7] =	sst s22  }
0x22: {  	s13 =	sadd.s32 $0x40, s24;
	[smem:$0x7EC] =	sst s5  }
0x23: {  	s24 =	sadd.s32 $0xB0, s24;
	[dreg:$0xb] =	wrdreg s13  }
0x24: {  	s26 =	smax.u32 s8, $0x1;
	[dreg:$0x13] =	wrdreg s24  }
0x25: {  	s7 =	sshrl.u32 s25, $0x3;
	s8 =	sadd.s32 $0x2800, s16;
	[dreg:$0x15] =	wrdreg s26  }
0x26: {  	s25 =	sshll.u32 s9, $0x5;
	s9 =	sadd.s32 $0x3000, s16;
	[dreg:$0x1a] =	wrdreg s8  }
0x27: {  	s15 =	sadd.s32 $0x6000, s16;
	[dreg:$0x1b] =	wrdreg s9  }
0x28: {  	s18 =	sadd.s32 $0x6800, s16;
	[smem:$0x7E3] =	sst s15  }
0x29: {  	p0 =	slt.u32 s6, $0x4;
	s19 =	sadd.s32 $0x7000, s16;
	[smem:$0x7E4] =	sst s18  }
0x2a: {  	s20 =	simm.s32 $0x4F;
	s21 =	sadd.s32 $0x7800, s16;
	[smem:$0x7E5] =	sst s19  }
0x2b: {  	s22 =	sadd.s32 $0x11800, s16;
	s20 =	simm.s32 @!p0 $0x4E;
	[smem:$0x7E6] =	sst s21  }
0x2c: {  	p0 =	sgt.u32 s6, $0x3;
	s6 =	sadd.s32 $0x1800, s16;
	[smem:$0x7FA] =	sst s22  }
0x2d: {  	s3 =	sadd.s32 s3, s7;
	s7 =	sadd.s32 $0x2000, s16;
	[dreg:$0x18] =	wrdreg s6  }
0x2e: {  	s13 =	sadd.s32 $0x5000, s16;
	[dreg:$0x19] =	wrdreg s7  }
0x2f: {  	s29 =	simm.s32 $0xC400;
	s24 =	sadd.s32 $0x8800, s16;
	[dreg:$0x1f] =	wrdreg s13  }
0x30: {  	s23 =	sadd.s32 s25, s0;
	s25 =	sadd.s32 $0x9000, s16;
	[smem:$0x7E8] =	sst s24  }
0x31: {  	s28 =	simm.s32 $0xC480;
	s26 =	sadd.s32 $0x9800, s16;
	[smem:$0x7E9] =	sst s25  }
0x32: {  	s31 =	simm.s32 $0xC500;
	s8 =	sadd.s32 $0xC000, s16;
	[smem:$0x7EA] =	sst s26  }
0x33: {  	s30 =	simm.s32 $0xC;
	s9 =	sadd.s32 $0xC800, s16;
	[smem:$0x7EF] =	sst s8  }
0x34: {  	s14 =	simm.s32 $0xD;
	s15 =	sadd.s32 $0xF800, s16;
	[smem:$0x7F0] =	sst s9  }
0x35: {  	s11 =	simm.s32 $0xA;
	s18 =	sadd.s32 $0x10000, s16;
	[smem:$0x7F6] =	sst s15  }
0x36: {  	s12 =	simm.s32 $0x5;
	s19 =	sadd.s32 $0x10800, s16;
	[smem:$0x7F7] =	sst s18  }
0x37: {  	s10 =	simm.s32 $0x4;
	s21 =	sadd.s32 $0x11000, s16;
	[smem:$0x7F8] =	sst s19  }
0x38: {  	s22 =	simm.s32 $0xC080;
	s3 =	sadd.s32 $0x27000, s3;
	[smem:$0x7F9] =	sst s21  }
0x39: {  	s0 =	simm.s32 $0x4000;
	s6 =	sadd.s32 $0xB000, s16;
	[dreg:$0x14] =	wrdreg s3  }
0x3a: {  	s7 =	sadd.s32 $0xB800, s16;
	s13 =	sadd.s32 $0xE800, s16;
	[smem:$0x7ED] =	sst s6  }
0x3b: {  	s24 =	sadd.s32 $0x12000, s16;
	s25 =	sadd.s32 $0x12800, s16;
	[smem:$0x7EE] =	sst s7  }
0x3c: {  	s26 =	sadd.s32 $0x13000, s16;
	s21 =	simm.s32 $0xC380;
	[smem:$0x7F4] =	sst s13  }
0x3d: {  	s15 =	simm.s32 $0x80;
	s8 =	simm.s32 $0x1;
	[smem:$0x7FB] =	sst s24  }
0x3e: {  	s19 =	simm.s32 $0x2;
	s9 =	simm.s32 $0x3;
	[smem:$0x7FC] =	sst s25  }
0x3f: {  	s18 =	simm.s32 $0x0;
	s3 =	sadd.s32 $0x800, s16;
	[smem:$0x7FD] =	sst s26  }
0x40: {  	s24 =	simm.s32 $0xC180;
	s25 =	simm.s32 $0xC280;
	s26 =	simm.s32 $0xC300  }
0x41: {  	s13 =	simm.s32 $0xB;
	[dreg:$0x16] =	wrdreg s3;
	s3 =	sadd.s32 $0xA000, s16  }
0x42: {  	v0 =	vimm.f32 $0.0e+00;
	s6 =	simm.s32 $0x6;
	[smem:$0x7EB] =	sst s3;
	s3 =	simm.s32 $0x8000  }
.LBB2_1:
0x43: {  	[tilespmem:$0x0] =	vst v0  }
0x44: {  	[tilespmem:$0x10] =	vst v0  }
0x45: {  	[tilespmem:$0x20] =	vst v0  }
0x46: {  	[tilespmem:$0x30] =	vst v0  }
0x47: {  	[tilespmem:$0x40] =	vst v0  }
0x48: {  	[tilespmem:$0x50] =	vst v0  }
0x49: {  	[tilespmem:$0x60] =	vst v0  }
0x4a: {  	[tilespmem:$0x70] =	vst v0  }
0x4b: {  	[tilespmem:$0x80] =	vst v0  }
0x4c: {  	[tilespmem:$0x90] =	vst v0  }
0x4d: {  	[tilespmem:$0xA0] =	vst v0  }
0x4e: {  	[tilespmem:$0xB0] =	vst v0  }
0x4f: {  	[tilespmem:$0xC0] =	vst v0  }
0x50: {  	[tilespmem:$0xD0] =	vst v0  }
0x51: {  	[tilespmem:$0xE0] =	vst v0  }
0x52: {  	[tilespmem:$0xF0] =	vst v0  }
0x53: {  	[tilespmem:$0x100] =	vst v0  }
0x54: {  	[tilespmem:$0x110] =	vst v0  }
0x55: {  	[tilespmem:$0x120] =	vst v0  }
0x56: {  	[tilespmem:$0x130] =	vst v0  }
0x57: {  	[tilespmem:$0x140] =	vst v0  }
0x58: {  	[tilespmem:$0x150] =	vst v0  }
0x59: {  	[tilespmem:$0x160] =	vst v0  }
0x5a: {  	[tilespmem:$0x170] =	vst v0  }
0x5b: {  	[tilespmem:$0x180] =	vst v0  }
0x5c: {  	[tilespmem:$0x190] =	vst v0  }
0x5d: {  	[tilespmem:$0x1A0] =	vst v0  }
0x5e: {  	[tilespmem:$0x1B0] =	vst v0  }
0x5f: {  	[tilespmem:$0x1C0] =	vst v0  }
0x60: {  	[tilespmem:$0x1D0] =	vst v0  }
0x61: {  	[tilespmem:$0x1E0] =	vst v0  }
0x62: {  	[tilespmem:$0x1F0] =	vst v0  }
0x63: {  	[tilespmem:$0x200] =	vst v0  }
0x64: {  	[tilespmem:$0x210] =	vst v0  }
0x65: {  	[tilespmem:$0x220] =	vst v0  }
0x66: {  	[tilespmem:$0x230] =	vst v0  }
0x67: {  	[tilespmem:$0x240] =	vst v0  }
0x68: {  	[tilespmem:$0x250] =	vst v0  }
0x69: {  	[tilespmem:$0x260] =	vst v0  }
0x6a: {  	[tilespmem:$0x270] =	vst v0  }
0x6b: {  	[tilespmem:$0x280] =	vst v0  }
0x6c: {  	[tilespmem:$0x290] =	vst v0  }
0x6d: {  	[tilespmem:$0x2A0] =	vst v0  }
0x6e: {  	[tilespmem:$0x2B0] =	vst v0  }
0x6f: {  	[tilespmem:$0x2C0] =	vst v0  }
0x70: {  	[tilespmem:$0x2D0] =	vst v0  }
0x71: {  	[tilespmem:$0x2E0] =	vst v0  }
0x72: {  	[tilespmem:$0x2F0] =	vst v0  }
0x73: {  	[tilespmem:$0x300] =	vst v0  }
0x74: {  	[tilespmem:$0x310] =	vst v0  }
0x75: {  	[tilespmem:$0x320] =	vst v0  }
0x76: {  	[tilespmem:$0x330] =	vst v0  }
0x77: {  	[tilespmem:$0x340] =	vst v0  }
0x78: {  	[tilespmem:$0x350] =	vst v0  }
0x79: {  	[tilespmem:$0x360] =	vst v0  }
0x7a: {  	[tilespmem:$0x370] =	vst v0  }
0x7b: {  	[tilespmem:$0x380] =	vst v0  }
0x7c: {  	[tilespmem:$0x390] =	vst v0  }
0x7d: {  	[tilespmem:$0x3A0] =	vst v0  }
0x7e: {  	[tilespmem:$0x3B0] =	vst v0  }
0x7f: {  	[tilespmem:$0x3C0] =	vst v0  }
0x80: {  	[tilespmem:$0x3D0] =	vst v0  }
0x81: {  	[tilespmem:$0x3E0] =	vst v0  }
0x82: {  	[tilespmem:$0x3F0] =	vst v0  }
0x83: {  	[tilespmem:$0x400] =	vst v0  }
0x84: {  	[tilespmem:$0x410] =	vst v0  }
0x85: {  	[tilespmem:$0x420] =	vst v0  }
0x86: {  	[tilespmem:$0x430] =	vst v0  }
0x87: {  	[tilespmem:$0x440] =	vst v0  }
0x88: {  	[tilespmem:$0x450] =	vst v0  }
0x89: {  	[tilespmem:$0x460] =	vst v0  }
0x8a: {  	[tilespmem:$0x470] =	vst v0  }
0x8b: {  	[tilespmem:$0x480] =	vst v0  }
0x8c: {  	[tilespmem:$0x490] =	vst v0  }
0x8d: {  	[tilespmem:$0x4A0] =	vst v0  }
0x8e: {  	[tilespmem:$0x4B0] =	vst v0  }
0x8f: {  	[tilespmem:$0x4C0] =	vst v0  }
0x90: {  	[tilespmem:$0x4D0] =	vst v0  }
0x91: {  	[tilespmem:$0x4E0] =	vst v0  }
0x92: {  	[tilespmem:$0x4F0] =	vst v0  }
0x93: {  	[tilespmem:$0x500] =	vst v0  }
0x94: {  	[tilespmem:$0x510] =	vst v0  }
0x95: {  	[tilespmem:$0x520] =	vst v0  }
0x96: {  	[tilespmem:$0x530] =	vst v0  }
0x97: {  	[tilespmem:$0x540] =	vst v0  }
0x98: {  	[tilespmem:$0x550] =	vst v0  }
0x99: {  	[tilespmem:$0x560] =	vst v0  }
0x9a: {  	[tilespmem:$0x570] =	vst v0  }
0x9b: {  	[tilespmem:$0x580] =	vst v0  }
0x9c: {  	[tilespmem:$0x590] =	vst v0  }
0x9d: {  	[tilespmem:$0x5A0] =	vst v0  }
0x9e: {  	[tilespmem:$0x5B0] =	vst v0  }
0x9f: {  	[tilespmem:$0x5C0] =	vst v0  }
0xa0: {  	[tilespmem:$0x5D0] =	vst v0  }
0xa1: {  	[tilespmem:$0x5E0] =	vst v0  }
0xa2: {  	[tilespmem:$0x5F0] =	vst v0  }
0xa3: {  	[tilespmem:$0x600] =	vst v0  }
0xa4: {  	[tilespmem:$0x610] =	vst v0  }
0xa5: {  	[tilespmem:$0x620] =	vst v0  }
0xa6: {  	[tilespmem:$0x630] =	vst v0  }
0xa7: {  	[tilespmem:$0x640] =	vst v0  }
0xa8: {  	[tilespmem:$0x650] =	vst v0  }
0xa9: {  	[tilespmem:$0x660] =	vst v0  }
0xaa: {  	[tilespmem:$0x670] =	vst v0  }
0xab: {  	[tilespmem:$0x680] =	vst v0  }
0xac: {  	[tilespmem:$0x690] =	vst v0  }
0xad: {  	[tilespmem:$0x6A0] =	vst v0  }
0xae: {  	[tilespmem:$0x6B0] =	vst v0  }
0xaf: {  	[tilespmem:$0x6C0] =	vst v0  }
0xb0: {  	[tilespmem:$0x6D0] =	vst v0  }
0xb1: {  	[tilespmem:$0x6E0] =	vst v0  }
0xb2: {  	[tilespmem:$0x6F0] =	vst v0  }
0xb3: {  	[tilespmem:$0x700] =	vst v0  }
0xb4: {  	[tilespmem:$0x710] =	vst v0  }
0xb5: {  	[tilespmem:$0x720] =	vst v0  }
0xb6: {  	[tilespmem:$0x730] =	vst v0  }
0xb7: {  	[tilespmem:$0x740] =	vst v0  }
0xb8: {  	[tilespmem:$0x750] =	vst v0  }
0xb9: {  	[tilespmem:$0x760] =	vst v0  }
0xba: {  	[tilespmem:$0x770] =	vst v0  }
0xbb: {  	[tilespmem:$0x780] =	vst v0  }
0xbc: {  	[tilespmem:$0x790] =	vst v0  }
0xbd: {  	[tilespmem:$0x7A0] =	vst v0  }
0xbe: {  	[tilespmem:$0x7B0] =	vst v0  }
0xbf: {  	[tilespmem:$0x7C0] =	vst v0  }
0xc0: {  	[tilespmem:$0x7D0] =	vst v0  }
0xc1: {  	[smem:$0x7E1] =	sst s18;
	[tilespmem:$0x7E0] =	vst v0  }
0xc2: {  	[tilespmem:$0x7F0] =	vst v0;
	s5 =	rddreg [dreg:$0x16]  }
0xc3: {  	[spmem:s16] =	stream.linear.scatter [tilespmem:s4], [sflag:$0xD], $0x800, $0x38;
	[tilespmem:$0x1FE80] =	vst v63  }
0xc4: {  	s18 =	rddreg [dreg:$0x17]  }
0xc5: {  	[spmem:s5] =	stream.linear.scatter [tilespmem:s4], [sflag:$0xD], $0x800, $0x38;
	[tilespmem:$0x1FE80] =	vst v63  }
0xc6: {  	s7 =	rddreg [dreg:$0x18]  }
0xc7: {  	[spmem:s18] =	stream.linear.scatter [tilespmem:s4], [sflag:$0xD], $0x800, $0x38;
	[tilespmem:$0x1FE80] =	vst v63  }
0xc8: {  	s16 =	rddreg [dreg:$0x19]  }
0xc9: {  	[spmem:s7] =	stream.linear.scatter [tilespmem:s4], [sflag:$0xD], $0x800, $0x38;
	[tilespmem:$0x1FE80] =	vst v63  }
0xca: {  	s18 =	rddreg [dreg:$0x1a]  }
0xcb: {  	[spmem:s16] =	stream.linear.scatter [tilespmem:s4], [sflag:$0xD], $0x800, $0x38;
	[tilespmem:$0x1FE80] =	vst v63  }
0xcc: {  	s7 =	rddreg [dreg:$0x1b]  }
0xcd: {  	[spmem:s18] =	stream.linear.scatter [tilespmem:s4], [sflag:$0xD], $0x800, $0x38;
	[tilespmem:$0x1FE80] =	vst v63  }
0xce: {  	s16 =	rddreg [dreg:$0x1c]  }
0xcf: {  	[spmem:s7] =	stream.linear.scatter [tilespmem:s4], [sflag:$0xD], $0x800, $0x38;
	[tilespmem:$0x1FE80] =	vst v63  }
0xd0: {  	s18 =	rddreg [dreg:$0x1d]  }
0xd1: {  	[spmem:s16] =	stream.linear.scatter [tilespmem:s4], [sflag:$0xD], $0x800, $0x38;
	[tilespmem:$0x1FE80] =	vst v63  }
0xd2: {  	s7 =	rddreg [dreg:$0x1e]  }
0xd3: {  	[spmem:s18] =	stream.linear.scatter [tilespmem:s4], [sflag:$0xD], $0x800, $0x38;
	[tilespmem:$0x1FE80] =	vst v63  }
0xd4: {  	s16 =	rddreg [dreg:$0x1f]  }
0xd5: {  	[spmem:s7] =	stream.linear.scatter [tilespmem:s4], [sflag:$0xD], $0x800, $0x38;
	[tilespmem:$0x1FE80] =	vst v63  }
0xd6: {  	s18 =	sld [smem:$0x7E2]  }
0xd7: {  	[spmem:s16] =	stream.linear.scatter [tilespmem:s4], [sflag:$0xD], $0x800, $0x38;
	[tilespmem:$0x1FE80] =	vst v63  }
0xd8: {  	s7 =	sld [smem:$0x7E3]  }
0xd9: {  	[spmem:s18] =	stream.linear.scatter [tilespmem:s4], [sflag:$0xD], $0x800, $0x38;
	[tilespmem:$0x1FE80] =	vst v63  }
0xda: {  	s16 =	sld [smem:$0x7E4]  }
0xdb: {  	[spmem:s7] =	stream.linear.scatter [tilespmem:s4], [sflag:$0xD], $0x800, $0x38;
	[tilespmem:$0x1FE80] =	vst v63  }
0xdc: {  	s18 =	sld [smem:$0x7E5]  }
0xdd: {  	[spmem:s16] =	stream.linear.scatter [tilespmem:s4], [sflag:$0xD], $0x800, $0x38;
	[tilespmem:$0x1FE80] =	vst v63  }
0xde: {  	s7 =	sld [smem:$0x7E6]  }
0xdf: {  	[spmem:s18] =	stream.linear.scatter [tilespmem:s4], [sflag:$0xD], $0x800, $0x38;
	[tilespmem:$0x1FE80] =	vst v63  }
0xe0: {  	s16 =	sld [smem:$0x7E7]  }
0xe1: {  	[spmem:s7] =	stream.linear.scatter [tilespmem:s4], [sflag:$0xD], $0x800, $0x38;
	[tilespmem:$0x1FE80] =	vst v63  }
0xe2: {  	s18 =	sld [smem:$0x7E8]  }
0xe3: {  	[spmem:s16] =	stream.linear.scatter [tilespmem:s4], [sflag:$0xD], $0x800, $0x38;
	[tilespmem:$0x1FE80] =	vst v63  }
0xe4: {  	s7 =	sld [smem:$0x7E9]  }
0xe5: {  	[spmem:s18] =	stream.linear.scatter [tilespmem:s4], [sflag:$0xD], $0x800, $0x38;
	[tilespmem:$0x1FE80] =	vst v63  }
0xe6: {  	s16 =	sld [smem:$0x7EA]  }
0xe7: {  	[spmem:s7] =	stream.linear.scatter [tilespmem:s4], [sflag:$0xD], $0x800, $0x38;
	[tilespmem:$0x1FE80] =	vst v63  }
0xe8: {  	s18 =	sld [smem:$0x7EB]  }
0xe9: {  	[spmem:s16] =	stream.linear.scatter [tilespmem:s4], [sflag:$0xD], $0x800, $0x38;
	[tilespmem:$0x1FE80] =	vst v63  }
0xea: {  	s7 =	sld [smem:$0x7EC]  }
0xeb: {  	[spmem:s18] =	stream.linear.scatter [tilespmem:s4], [sflag:$0xD], $0x800, $0x38;
	[tilespmem:$0x1FE80] =	vst v63  }
0xec: {  	s16 =	sld [smem:$0x7ED]  }
0xed: {  	[spmem:s7] =	stream.linear.scatter [tilespmem:s4], [sflag:$0xD], $0x800, $0x38;
	[tilespmem:$0x1FE80] =	vst v63  }
0xee: {  	s18 =	sld [smem:$0x7EE]  }
0xef: {  	[spmem:s16] =	stream.linear.scatter [tilespmem:s4], [sflag:$0xD], $0x800, $0x38;
	[tilespmem:$0x1FE80] =	vst v63  }
0xf0: {  	s7 =	sld [smem:$0x7EF]  }
0xf1: {  	[spmem:s18] =	stream.linear.scatter [tilespmem:s4], [sflag:$0xD], $0x800, $0x38;
	[tilespmem:$0x1FE80] =	vst v63  }
0xf2: {  	s16 =	sld [smem:$0x7F0]  }
0xf3: {  	[spmem:s7] =	stream.linear.scatter [tilespmem:s4], [sflag:$0xD], $0x800, $0x38;
	[tilespmem:$0x1FE80] =	vst v63  }
0xf4: {  	s18 =	sld [smem:$0x7F1]  }
0xf5: {  	[spmem:s16] =	stream.linear.scatter [tilespmem:s4], [sflag:$0xD], $0x800, $0x38;
	[tilespmem:$0x1FE80] =	vst v63  }
0xf6: {  	s7 =	sld [smem:$0x7F2]  }
0xf7: {  	[spmem:s18] =	stream.linear.scatter [tilespmem:s4], [sflag:$0xD], $0x800, $0x38;
	[tilespmem:$0x1FE80] =	vst v63  }
0xf8: {  	s16 =	sld [smem:$0x7F3]  }
0xf9: {  	[spmem:s7] =	stream.linear.scatter [tilespmem:s4], [sflag:$0xD], $0x800, $0x38;
	[tilespmem:$0x1FE80] =	vst v63  }
0xfa: {  	s18 =	sld [smem:$0x7F4]  }
0xfb: {  	[spmem:s16] =	stream.linear.scatter [tilespmem:s4], [sflag:$0xD], $0x800, $0x38;
	[tilespmem:$0x1FE80] =	vst v63  }
0xfc: {  	s7 =	sld [smem:$0x7F5]  }
0xfd: {  	[spmem:s18] =	stream.linear.scatter [tilespmem:s4], [sflag:$0xD], $0x800, $0x38;
	[tilespmem:$0x1FE80] =	vst v63  }
0xfe: {  	s16 =	sld [smem:$0x7F6]  }
0xff: {  	[spmem:s7] =	stream.linear.scatter [tilespmem:s4], [sflag:$0xD], $0x800, $0x38;
	[tilespmem:$0x1FE80] =	vst v63  }
0x100: {  	s18 =	sld [smem:$0x7F7]  }
0x101: {  	[spmem:s16] =	stream.linear.scatter [tilespmem:s4], [sflag:$0xD], $0x800, $0x38;
	[tilespmem:$0x1FE80] =	vst v63  }
0x102: {  	s7 =	sld [smem:$0x7F8]  }
0x103: {  	[spmem:s18] =	stream.linear.scatter [tilespmem:s4], [sflag:$0xD], $0x800, $0x38;
	[tilespmem:$0x1FE80] =	vst v63  }
0x104: {  	s16 =	sld [smem:$0x7F9]  }
0x105: {  	[spmem:s7] =	stream.linear.scatter [tilespmem:s4], [sflag:$0xD], $0x800, $0x38;
	[tilespmem:$0x1FE80] =	vst v63  }
0x106: {  	s18 =	sld [smem:$0x7FA]  }
0x107: {  	[spmem:s16] =	stream.linear.scatter [tilespmem:s4], [sflag:$0xD], $0x800, $0x38;
	[tilespmem:$0x1FE80] =	vst v63  }
0x108: {  	s7 =	sld [smem:$0x7FB]  }
0x109: {  	[spmem:s18] =	stream.linear.scatter [tilespmem:s4], [sflag:$0xD], $0x800, $0x38;
	[tilespmem:$0x1FE80] =	vst v63  }
0x10a: {  	s16 =	sld [smem:$0x7FC]  }
0x10b: {  	[spmem:s7] =	stream.linear.scatter [tilespmem:s4], [sflag:$0xD], $0x800, $0x38;
	[tilespmem:$0x1FE80] =	vst v63  }
0x10c: {  	s18 =	sld [smem:$0x7FD]  }
0x10d: {  	[spmem:s16] =	stream.linear.scatter [tilespmem:s4], [sflag:$0xD], $0x800, $0x38;
	[tilespmem:$0x1FE80] =	vst v63  }
0x10e: {  	_ = 	snop  }
0x10f: {  	[spmem:s18] =	stream.linear.scatter [tilespmem:s4], [sflag:$0xD], $0x800, $0x38;
	[tilespmem:$0x1FE80] =	vst v63  }
0x110: {  	s5 =	simm.s32 @!p1 $0x0  }
0x111: {  	[spmem:s17] =	stream.linear.scatter @!p1 [tilespmem:s5], [sflag:$0xD], $0x800, $0x38;
	[tilespmem:$0x1FE80] =	vst v63  }
0x112: {  	_ =	swait.ge [sflag:s14], $0x800  }
0x113: {  	s5 =	simm.s32 $0x26;
	[sflag:s14] =	ssyncset.done $0x0  }
.LBB2_2:
0x114: {  	p2 =	sne.s32 s5, $0x1;
	s5 =	sadd.s32 $0xFFFFFFFF, s5;
	[sflag:s14] =	ssyncadd.s32 $0xFFFFF800  }
.Ltmp0:
0x115: {  	(pc) =	sbr.rel @p2 .LBB2_2-.Ltmp0, $3  }
0x116: {  	_ =	sdelay $0x1  }
0x117: {  	_ =	swait.ge [sflag:s14], $0x800  }
0x118: {  	[sflag:s14] =	ssyncset.done $0x0  }
0x119: {  	[sflag:s14] =	ssyncadd.s32 $0xFFFFF800;
	s5 =	simm.s32 @!p1 $0xD  }
0x11a: {  	_ =	swait.ge @!p1 [sflag:s5], $0x800  }
0x11b: {  	s16 =	simm.s32 $0xC000;
	[sflag:s5] =	ssyncset.done @!p1 $0x0  }
0x11c: {  	s7 =	rddreg [dreg:$0x6];
	[sflag:s5] =	ssyncadd.s32 @!p1 $0xFFFFF800;
	s5 =	simm.s32 $0x0  }
0x11d: {  	[tilespmem:s16], [sflag:$0x7] =	stream.linear.gather [hbm4b:s7+s5], $0x80, $0x38;
	[tilespmem:$0x1FE80] =	vst v63  }
0x11e: {  	s17 =	rddreg [dreg:$0x8]  }
0x11f: {  	[tilespmem:s22], [sflag:$0x7] =	stream.linear.gather [hbm4b:s17+s5], $0x80, $0x38;
	[tilespmem:$0x1FE80] =	vst v63  }
0x120: {  	s18 =	rddreg [dreg:$0x9];
	s17 =	simm.s32 $0xC100  }
0x121: {  	[tilespmem:s17], [sflag:$0x8] =	stream.linear.gather [hbm4b:s18+s5], $0x80, $0x38;
	[tilespmem:$0x1FE80] =	vst v63  }
0x122: {  	s18 =	rddreg [dreg:$0xa]  }
0x123: {  	[tilespmem:s24], [sflag:$0x8] =	stream.linear.gather [hbm4b:s18+s5], $0x80, $0x38;
	[tilespmem:$0x1FE80] =	vst v63  }
0x124: {  	s7 =	rddreg [dreg:$0xb];
	s18 =	simm.s32 $0xC200  }
0x125: {  	[tilespmem:s18], [sflag:$0x9] =	stream.linear.gather [hbm4b:s7+s5], $0x80, $0x38;
	[tilespmem:$0x1FE80] =	vst v63  }
0x126: {  	s7 =	rddreg [dreg:$0xc]  }
0x127: {  	[tilespmem:s25], [sflag:$0x9] =	stream.linear.gather [hbm4b:s7+s5], $0x80, $0x38;
	[tilespmem:$0x1FE80] =	vst v63  }
0x128: {  	s7 =	rddreg [dreg:$0xd]  }
0x129: {  	[tilespmem:s26], [sflag:$0xA] =	stream.linear.gather [hbm4b:s7+s5], $0x80, $0x38;
	[tilespmem:$0x1FE80] =	vst v63  }
0x12a: {  	s7 =	rddreg [dreg:$0xe]  }
0x12b: {  	[tilespmem:s21], [sflag:$0xA] =	stream.linear.gather [hbm4b:s7+s5], $0x80, $0x38;
	[tilespmem:$0x1FE80] =	vst v63  }
0x12c: {  	s21 =	rddreg [dreg:$0xf]  }
0x12d: {  	[tilespmem:s29], [sflag:$0xB] =	stream.linear.gather [hbm4b:s21+s5], $0x80, $0x38;
	[tilespmem:$0x1FE80] =	vst v63  }
0x12e: {  	s21 =	rddreg [dreg:$0x10]  }
0x12f: {  	[tilespmem:s28], [sflag:$0xB] =	stream.linear.gather [hbm4b:s21+s5], $0x80, $0x38;
	[tilespmem:$0x1FE80] =	vst v63  }
0x130: {  	s21 =	rddreg [dreg:$0x12]  }
0x131: {  	[tilespmem:s31], [sflag:$0xC] =	stream.linear.gather [hbm4b:s21+s5], $0x80, $0x38;
	[tilespmem:$0x1FE80] =	vst v63  }
0x132: {  	s7 =	rddreg [dreg:$0x13];
	s21 =	simm.s32 $0xC580  }
0x133: {  	[tilespmem:s21], [sflag:$0xC] =	stream.linear.gather [hbm4b:s7+s5], $0x80, $0x38;
	[tilespmem:$0x1FE80] =	vst v63  }
0x134: {  	s21 =	simm.s32 $0x7  }
0x135: {  	_ =	swait.ge [sflag:s21], $0x100  }
0x136: {  	[sflag:s21] =	ssyncset.done $0x0  }
0x137: {  	[sflag:s21] =	ssyncadd.s32 $0xFFFFFF00  }
0x138: {  	[tilespmem:s5], [sflag:$0x1] =	stream.indirect.gather [hbm4b:s1+s15], $0x80, s16, s15, $0xb8;
	[tilespmem:$0x1FE80] =	vst v63  }
0x139: {  	s16 =	simm.s32 $0x8  }
0x13a: {  	_ =	swait.ge [sflag:s16], $0x100  }
0x13b: {  	[sflag:s16] =	ssyncset.done $0x0  }
0x13c: {  	[sflag:s16] =	ssyncadd.s32 $0xFFFFFF00  }
0x13d: {  	[tilespmem:s0], [sflag:$0x2] =	stream.indirect.gather [hbm4b:s1+s15], $0x80, s17, s15, $0xb8;
	[tilespmem:$0x1FE80] =	vst v63  }
0x13e: {  	s17 =	simm.s32 $0x9  }
0x13f: {  	_ =	swait.ge [sflag:s17], $0x100  }
0x140: {  	[sflag:s17] =	ssyncset.done $0x0  }
0x141: {  	[sflag:s17] =	ssyncadd.s32 $0xFFFFFF00  }
0x142: {  	[tilespmem:s3], [sflag:$0x3] =	stream.indirect.gather [hbm4b:s1+s15], $0x80, s18, s15, $0xb8;
	[tilespmem:$0x1FE80] =	vst v63  }
0x143: {  	[bflag:$0x0] =	sbarrier.arrive $0xFFFF  }
0x144: {  	_ =	swait.ge [sflag:s8], $0x4000  }
0x145: {  	[sflag:s8] =	ssyncset.done $0x0  }
0x146: {  	[sflag:s8] =	ssyncadd.s32 $0xFFFFC000  }
0x147: {  	[spmem:s2] =	stream.indirect.scatter.add.f32 [tilespmem:s4], [sflag:$0x4], $0x80, s22, s15, $0xb8;
	[tilespmem:$0x1FE80] =	vst v63  }
0x148: {  	_ =	swait.ge [sflag:s19], $0x4000  }
0x149: {  	[sflag:s19] =	ssyncset.done $0x0  }
0x14a: {  	[sflag:s19] =	ssyncadd.s32 $0xFFFFC000  }
0x14b: {  	[spmem:s2] =	stream.indirect.scatter.add.f32 [tilespmem:s0], [sflag:$0x5], $0x80, s24, s15, $0xb8;
	[tilespmem:$0x1FE80] =	vst v63  }
0x14c: {  	_ =	swait.ge [sflag:s9], $0x4000  }
0x14d: {  	[sflag:s9] =	ssyncset.done $0x0  }
0x14e: {  	p4 =	sle.u32 s20, $0x6;
	[sflag:s9] =	ssyncadd.s32 $0xFFFFC000  }
0x14f: {  	[spmem:s2] =	stream.indirect.scatter.add.f32 [tilespmem:s3], [sflag:$0x6], $0x80, s25, s15, $0xb8;
	[tilespmem:$0x1FE80] =	vst v63  }
0x150: {  	s5 =	sadd.s32 @!p4 $0x0, s23;
	_ =	swait.ge [sflag:s10], $0x4000  }
0x151: {  	s7 =	sadd.s32 @!p4 $0xC0, s5;
	[sflag:s10] =	ssyncset.done $0x0  }
0x152: {  	s16 =	simm.s32 @!p4 $0xC000;
	s17 =	simm.s32 @!p4 $0x0;
	[sflag:s10] =	ssyncadd.s32 $0xFFFFC000  }
0x153: {  	[tilespmem:s16], [sflag:$0x7] =	stream.linear.gather @!p4 [hbm4b:s7+s17], $0x80, $0x38;
	[tilespmem:$0x1FE80] =	vst v63  }
0x154: {  	s5 =	sadd.s32 @!p4 $0xD0, s5;
	s7 =	simm.s32 @!p4 $0xC080  }
0x155: {  	[tilespmem:s7], [sflag:$0x7] =	stream.linear.gather @!p4 [hbm4b:s5+s17], $0x80, $0x38;
	[tilespmem:$0x1FE80] =	vst v63  }
0x156: {  	_ =	swait.ge [sflag:s11], $0x100  }
0x157: {  	[sflag:s11] =	ssyncset.done $0x0  }
0x158: {  	[sflag:s11] =	ssyncadd.s32 $0xFFFFFF00  }
0x159: {  	[tilespmem:s4], [sflag:$0x1] =	stream.indirect.gather [hbm4b:s1+s15], $0x80, s26, s15, $0xb8;
	[tilespmem:$0x1FE80] =	vst v63  }
0x15a: {  	p3 =	sle.u32 s20, $0x7;
	_ =	swait.ge [sflag:s12], $0x4000  }
0x15b: {  	s31 =	simm.s32 @!p3 $0xC100;
	s5 =	sadd.s32 @!p3 $0x0, s23;
	[sflag:s12] =	ssyncset.done $0x0  }
0x15c: {  	s21 =	simm.s32 @!p3 $0x0;
	s18 =	sadd.s32 @!p3 $0xE0, s5;
	[sflag:s12] =	ssyncadd.s32 $0xFFFFC000  }
0x15d: {  	[tilespmem:s31], [sflag:$0x8] =	stream.linear.gather @!p3 [hbm4b:s18+s21], $0x80, $0x38;
	[tilespmem:$0x1FE80] =	vst v63  }
0x15e: {  	s5 =	sadd.s32 @!p3 $0xF0, s5;
	s18 =	simm.s32 @!p3 $0xC180  }
0x15f: {  	[tilespmem:s18], [sflag:$0x8] =	stream.linear.gather @!p3 [hbm4b:s5+s21], $0x80, $0x38;
	[tilespmem:$0x1FE80] =	vst v63  }
0x160: {  	_ =	swait.ge [sflag:s13], $0x100  }
0x161: {  	[sflag:s13] =	ssyncset.done $0x0  }
0x162: {  	[sflag:s13] =	ssyncadd.s32 $0xFFFFFF00  }
0x163: {  	[tilespmem:s0], [sflag:$0x2] =	stream.indirect.gather [hbm4b:s1+s15], $0x80, s29, s15, $0xb8;
	[tilespmem:$0x1FE80] =	vst v63  }
0x164: {  	p2 =	sle.u32 s20, $0x8;
	_ =	swait.ge [sflag:s6], $0x4000  }
0x165: {  	s31 =	simm.s32 @!p2 $0x0;
	s18 =	sadd.s32 @!p2 $0x0, s23;
	[sflag:s6] =	ssyncset.done $0x0  }
0x166: {  	s5 =	simm.s32 @!p2 $0xC200;
	s21 =	sadd.s32 @!p2 $0x100, s18;
	[sflag:s6] =	ssyncadd.s32 $0xFFFFC000  }
0x167: {  	[tilespmem:s5], [sflag:$0x9] =	stream.linear.gather @!p2 [hbm4b:s21+s31], $0x80, $0x38;
	[tilespmem:$0x1FE80] =	vst v63  }
0x168: {  	s18 =	sadd.s32 @!p2 $0x110, s18;
	s21 =	simm.s32 @!p2 $0xC280  }
0x169: {  	[tilespmem:s21], [sflag:$0x9] =	stream.linear.gather @!p2 [hbm4b:s18+s31], $0x80, $0x38;
	[tilespmem:$0x1FE80] =	vst v63  }
0x16a: {  	_ =	swait.ge [sflag:s30], $0x100  }
0x16b: {  	[sflag:s30] =	ssyncset.done $0x0  }
0x16c: {  	s29 =	simm.s32 $0xC500;
	[sflag:s30] =	ssyncadd.s32 $0xFFFFFF00  }
0x16d: {  	[tilespmem:s3], [sflag:$0x3] =	stream.indirect.gather [hbm4b:s1+s15], $0x80, s29, s15, $0xb8;
	[tilespmem:$0x1FE80] =	vst v63  }
0x16e: {  	_ =	swait.ge [sflag:s8], $0x4000  }
0x16f: {  	[sflag:s8] =	ssyncset.done $0x0  }
0x170: {  	s28 =	simm.s32 $0xC380;
	[sflag:s8] =	ssyncadd.s32 $0xFFFFC000  }
0x171: {  	[spmem:s2] =	stream.indirect.scatter.add.f32 [tilespmem:s4], [sflag:$0x4], $0x80, s28, s15, $0xb8;
	[tilespmem:$0x1FE80] =	vst v63  }
0x172: {  	_ =	swait.ge [sflag:s19], $0x4000  }
0x173: {  	[sflag:s19] =	ssyncset.done $0x0  }
0x174: {  	s7 =	simm.s32 $0xC480;
	[sflag:s19] =	ssyncadd.s32 $0xFFFFC000  }
0x175: {  	[spmem:s2] =	stream.indirect.scatter.add.f32 [tilespmem:s0], [sflag:$0x5], $0x80, s7, s15, $0xb8;
	[tilespmem:$0x1FE80] =	vst v63  }
0x176: {  	_ =	swait.ge [sflag:s9], $0x4000  }
0x177: {  	[sflag:s9] =	ssyncset.done $0x0  }
0x178: {  	p5 =	sle.u32 s20, $0x9;
	s21 =	simm.s32 $0xC580;
	[sflag:s9] =	ssyncadd.s32 $0xFFFFC000  }
0x179: {  	[spmem:s2] =	stream.indirect.scatter.add.f32 [tilespmem:s3], [sflag:$0x6], $0x80, s21, s15, $0xb8;
	[tilespmem:$0x1FE80] =	vst v63  }
0x17a: {  	s18 =	sadd.s32 @!p5 $0x0, s23;
	_ =	swait.ge [sflag:s10], $0x4000  }
0x17b: {  	s31 =	sadd.s32 @!p5 $0x120, s18;
	[sflag:s10] =	ssyncset.done $0x0  }
0x17c: {  	s7 =	simm.s32 @!p5 $0x0;
	s21 =	simm.s32 @!p5 $0xC300;
	[sflag:s10] =	ssyncadd.s32 $0xFFFFC000  }
0x17d: {  	[tilespmem:s21], [sflag:$0xA] =	stream.linear.gather @!p5 [hbm4b:s31+s7], $0x80, $0x38;
	[tilespmem:$0x1FE80] =	vst v63  }
0x17e: {  	s18 =	sadd.s32 @!p5 $0x130, s18;
	s21 =	simm.s32 @!p5 $0xC380  }
0x17f: {  	[tilespmem:s21], [sflag:$0xA] =	stream.linear.gather @!p5 [hbm4b:s18+s7], $0x80, $0x38;
	[tilespmem:$0x1FE80] =	vst v63  }
0x180: {  	s7 =	simm.s32 @!p4 $0x7  }
0x181: {  	_ =	swait.ge @!p4 [sflag:s7], $0x100  }
0x182: {  	[sflag:s7] =	ssyncset.done @!p4 $0x0  }
0x183: {  	[sflag:s7] =	ssyncadd.s32 @!p4 $0xFFFFFF00;
	s7 =	simm.s32 @!p4 $0x80  }
0x184: {  	[tilespmem:s17], [sflag:$0x1] =	stream.indirect.gather @!p4 [hbm4b:s1+s7], $0x80, s16, s7, $0xb8;
	[tilespmem:$0x1FE80] =	vst v63  }
0x185: {  	p4 =	sle.u32 s20, $0xA;
	_ =	swait.ge [sflag:s12], $0x4000  }
0x186: {  	s7 =	sadd.s32 @!p4 $0x0, s23;
	s16 =	simm.s32 @!p4 $0xC400;
	[sflag:s12] =	ssyncset.done $0x0  }
0x187: {  	s18 =	simm.s32 @!p4 $0x0;
	s17 =	sadd.s32 @!p4 $0x140, s7;
	[sflag:s12] =	ssyncadd.s32 $0xFFFFC000  }
0x188: {  	[tilespmem:s16], [sflag:$0xB] =	stream.linear.gather @!p4 [hbm4b:s17+s18], $0x80, $0x38;
	[tilespmem:$0x1FE80] =	vst v63  }
0x189: {  	s7 =	sadd.s32 @!p4 $0x150, s7;
	s16 =	simm.s32 @!p4 $0xC480  }
0x18a: {  	[tilespmem:s16], [sflag:$0xB] =	stream.linear.gather @!p4 [hbm4b:s7+s18], $0x80, $0x38;
	[tilespmem:$0x1FE80] =	vst v63  }
0x18b: {  	s7 =	simm.s32 @!p3 $0x8  }
0x18c: {  	_ =	swait.ge @!p3 [sflag:s7], $0x100  }
0x18d: {  	s17 =	simm.s32 @!p3 $0xC100;
	[sflag:s7] =	ssyncset.done @!p3 $0x0  }
0x18e: {  	s16 =	simm.s32 @!p3 $0x4000;
	[sflag:s7] =	ssyncadd.s32 @!p3 $0xFFFFFF00;
	s7 =	simm.s32 @!p3 $0x80  }
0x18f: {  	[tilespmem:s16], [sflag:$0x2] =	stream.indirect.gather @!p3 [hbm4b:s1+s7], $0x80, s17, s7, $0xb8;
	[tilespmem:$0x1FE80] =	vst v63  }
0x190: {  	p3 =	sle.u32 s20, $0xB;
	_ =	swait.ge [sflag:s6], $0x4000  }
0x191: {  	s7 =	sadd.s32 @!p3 $0x0, s23;
	s16 =	simm.s32 @!p3 $0xC500;
	[sflag:s6] =	ssyncset.done $0x0  }
0x192: {  	s18 =	simm.s32 @!p3 $0x0;
	s17 =	sadd.s32 @!p3 $0x160, s7;
	[sflag:s6] =	ssyncadd.s32 $0xFFFFC000  }
0x193: {  	[tilespmem:s16], [sflag:$0xC] =	stream.linear.gather @!p3 [hbm4b:s17+s18], $0x80, $0x38;
	[tilespmem:$0x1FE80] =	vst v63  }
0x194: {  	s7 =	sadd.s32 @!p3 $0x170, s7;
	s16 =	simm.s32 @!p3 $0xC580;
	s17 =	simm.s32 @!p2 $0x9  }
0x195: {  	[tilespmem:s16], [sflag:$0xC] =	stream.linear.gather @!p3 [hbm4b:s7+s18], $0x80, $0x38;
	[tilespmem:$0x1FE80] =	vst v63  }
0x196: {  	s29 =	simm.s32 $0xC580;
	s28 =	simm.s32 $0xC480;
	_ =	swait.ge @!p2 [sflag:s17], $0x100  }
0x197: {  	s31 =	simm.s32 $0xC0;
	s7 =	simm.s32 $0x11;
	[sflag:s17] =	ssyncset.done @!p2 $0x0  }
0x198: {  	s16 =	simm.s32 @!p2 $0x80;
	[sflag:s17] =	ssyncadd.s32 @!p2 $0xFFFFFF00;
	s17 =	simm.s32 @!p2 $0x8000  }
.LBB2_4:
0x199: {  	[tilespmem:s17], [sflag:$0x3] =	stream.indirect.gather @!p2 [hbm4b:s1+s16], $0x80, s5, s16, $0xb8;
	[tilespmem:$0x1FE80] =	vst v63  }
0x19a: {  	s17 =	smov.u32 s31;
	s31 =	sadd.s32 $0xC0, s31  }
0x19b: {  	p3 =	sne.s32 s31, $0x9C0;
	_ =	swait.ge [sflag:s8], $0x4000  }
0x19c: {  	[sflag:s8] =	ssyncset.done $0x0  }
0x19d: {  	[sflag:s8] =	ssyncadd.s32 $0xFFFFC000  }
0x19e: {  	[spmem:s2] =	stream.indirect.scatter.add.f32 [tilespmem:s4], [sflag:$0x4], $0x80, s22, s15, $0xb8;
	[tilespmem:$0x1FE80] =	vst v63  }
0x19f: {  	_ =	swait.ge [sflag:s19], $0x4000  }
0x1a0: {  	[sflag:s19] =	ssyncset.done $0x0  }
0x1a1: {  	[sflag:s19] =	ssyncadd.s32 $0xFFFFC000  }
0x1a2: {  	[spmem:s2] =	stream.indirect.scatter.add.f32 [tilespmem:s0], [sflag:$0x5], $0x80, s24, s15, $0xb8;
	[tilespmem:$0x1FE80] =	vst v63  }
0x1a3: {  	_ =	swait.ge [sflag:s9], $0x4000  }
0x1a4: {  	[sflag:s9] =	ssyncset.done $0x0  }
0x1a5: {  	s5 =	sadd.s32 $0xFFFFFFFB, s7;
	[sflag:s9] =	ssyncadd.s32 $0xFFFFC000  }
0x1a6: {  	[spmem:s2] =	stream.indirect.scatter.add.f32 [tilespmem:s3], [sflag:$0x6], $0x80, s25, s15, $0xb8;
	[tilespmem:$0x1FE80] =	vst v63  }
0x1a7: {  	p5 =	sge.u32 s5, s20;
	_ =	swait.ge [sflag:s10], $0x4000  }
0x1a8: {  	s5 =	sadd.s32 @!p5 s17, s23;
	s18 =	simm.s32 @!p5 $0xC000;
	[sflag:s10] =	ssyncset.done $0x0  }
0x1a9: {  	s21 =	simm.s32 @!p5 $0x0;
	s16 =	sadd.s32 @!p5 $0xC0, s5;
	[sflag:s10] =	ssyncadd.s32 $0xFFFFC000  }
0x1aa: {  	[tilespmem:s18], [sflag:$0x7] =	stream.linear.gather @!p5 [hbm4b:s16+s21], $0x80, $0x38;
	[tilespmem:$0x1FE80] =	vst v63  }
0x1ab: {  	s5 =	sadd.s32 @!p5 $0xD0, s5;
	s16 =	simm.s32 @!p5 $0xC080  }
0x1ac: {  	[tilespmem:s16], [sflag:$0x7] =	stream.linear.gather @!p5 [hbm4b:s5+s21], $0x80, $0x38;
	[tilespmem:$0x1FE80] =	vst v63  }
0x1ad: {  	_ =	swait.ge [sflag:s11], $0x100  }
0x1ae: {  	[sflag:s11] =	ssyncset.done $0x0  }
0x1af: {  	s5 =	sadd.s32 $0xFFFFFFFC, s7;
	[sflag:s11] =	ssyncadd.s32 $0xFFFFFF00  }
0x1b0: {  	[tilespmem:s4], [sflag:$0x1] =	stream.indirect.gather [hbm4b:s1+s15], $0x80, s26, s15, $0xb8;
	[tilespmem:$0x1FE80] =	vst v63  }
0x1b1: {  	p4 =	sge.u32 s5, s20;
	_ =	swait.ge [sflag:s12], $0x4000  }
0x1b2: {  	s5 =	sadd.s32 @!p4 s17, s23;
	s16 =	simm.s32 @!p4 $0xC100;
	[sflag:s12] =	ssyncset.done $0x0  }
0x1b3: {  	s24 =	simm.s32 @!p4 $0x0;
	s22 =	sadd.s32 @!p4 $0xE0, s5;
	[sflag:s12] =	ssyncadd.s32 $0xFFFFC000  }
0x1b4: {  	[tilespmem:s16], [sflag:$0x8] =	stream.linear.gather @!p4 [hbm4b:s22+s24], $0x80, $0x38;
	[tilespmem:$0x1FE80] =	vst v63  }
0x1b5: {  	s5 =	sadd.s32 @!p4 $0xF0, s5;
	s22 =	simm.s32 @!p4 $0xC180  }
0x1b6: {  	[tilespmem:s22], [sflag:$0x8] =	stream.linear.gather @!p4 [hbm4b:s5+s24], $0x80, $0x38;
	[tilespmem:$0x1FE80] =	vst v63  }
0x1b7: {  	_ =	swait.ge [sflag:s13], $0x100  }
0x1b8: {  	[sflag:s13] =	ssyncset.done $0x0  }
0x1b9: {  	s5 =	sadd.s32 $0xFFFFFFFD, s7;
	s22 =	simm.s32 $0xC400;
	[sflag:s13] =	ssyncadd.s32 $0xFFFFFF00  }
0x1ba: {  	[tilespmem:s0], [sflag:$0x2] =	stream.indirect.gather [hbm4b:s1+s15], $0x80, s22, s15, $0xb8;
	[tilespmem:$0x1FE80] =	vst v63  }
0x1bb: {  	p2 =	sge.u32 s5, s20;
	_ =	swait.ge [sflag:s6], $0x4000  }
0x1bc: {  	s5 =	simm.s32 @!p2 $0xC200;
	s22 =	sadd.s32 @!p2 s17, s23;
	[sflag:s6] =	ssyncset.done $0x0  }
0x1bd: {  	s25 =	simm.s32 @!p2 $0x0;
	s24 =	sadd.s32 @!p2 $0x100, s22;
	[sflag:s6] =	ssyncadd.s32 $0xFFFFC000  }
0x1be: {  	[tilespmem:s5], [sflag:$0x9] =	stream.linear.gather @!p2 [hbm4b:s24+s25], $0x80, $0x38;
	[tilespmem:$0x1FE80] =	vst v63  }
0x1bf: {  	s22 =	sadd.s32 @!p2 $0x110, s22;
	s24 =	simm.s32 @!p2 $0xC280  }
0x1c0: {  	[tilespmem:s24], [sflag:$0x9] =	stream.linear.gather @!p2 [hbm4b:s22+s25], $0x80, $0x38;
	[tilespmem:$0x1FE80] =	vst v63  }
0x1c1: {  	_ =	swait.ge [sflag:s30], $0x100  }
0x1c2: {  	[sflag:s30] =	ssyncset.done $0x0  }
0x1c3: {  	s22 =	simm.s32 $0xC500;
	[sflag:s30] =	ssyncadd.s32 $0xFFFFFF00  }
0x1c4: {  	[tilespmem:s3], [sflag:$0x3] =	stream.indirect.gather [hbm4b:s1+s15], $0x80, s22, s15, $0xb8;
	[tilespmem:$0x1FE80] =	vst v63  }
0x1c5: {  	_ =	swait.ge [sflag:s8], $0x4000  }
0x1c6: {  	[sflag:s8] =	ssyncset.done $0x0  }
0x1c7: {  	s22 =	simm.s32 $0xC380;
	[sflag:s8] =	ssyncadd.s32 $0xFFFFC000  }
0x1c8: {  	[spmem:s2] =	stream.indirect.scatter.add.f32 [tilespmem:s4], [sflag:$0x4], $0x80, s22, s15, $0xb8;
	[tilespmem:$0x1FE80] =	vst v63  }
0x1c9: {  	_ =	swait.ge [sflag:s19], $0x4000  }
0x1ca: {  	[sflag:s19] =	ssyncset.done $0x0  }
0x1cb: {  	[sflag:s19] =	ssyncadd.s32 $0xFFFFC000  }
0x1cc: {  	[spmem:s2] =	stream.indirect.scatter.add.f32 [tilespmem:s0], [sflag:$0x5], $0x80, s28, s15, $0xb8;
	[tilespmem:$0x1FE80] =	vst v63  }
0x1cd: {  	_ =	swait.ge [sflag:s9], $0x4000  }
0x1ce: {  	[sflag:s9] =	ssyncset.done $0x0  }
0x1cf: {  	s22 =	sadd.s32 $0xFFFFFFFE, s7;
	[sflag:s9] =	ssyncadd.s32 $0xFFFFC000  }
0x1d0: {  	[spmem:s2] =	stream.indirect.scatter.add.f32 [tilespmem:s3], [sflag:$0x6], $0x80, s29, s15, $0xb8;
	[tilespmem:$0x1FE80] =	vst v63  }
0x1d1: {  	p6 =	sge.u32 s22, s20;
	_ =	swait.ge [sflag:s10], $0x4000  }
0x1d2: {  	s22 =	sadd.s32 @!p6 s17, s23;
	s24 =	simm.s32 @!p6 $0xC300;
	[sflag:s10] =	ssyncset.done $0x0  }
0x1d3: {  	s26 =	simm.s32 @!p6 $0x0;
	s25 =	sadd.s32 @!p6 $0x120, s22;
	[sflag:s10] =	ssyncadd.s32 $0xFFFFC000  }
0x1d4: {  	[tilespmem:s24], [sflag:$0xA] =	stream.linear.gather @!p6 [hbm4b:s25+s26], $0x80, $0x38;
	[tilespmem:$0x1FE80] =	vst v63  }
0x1d5: {  	s22 =	sadd.s32 @!p6 $0x130, s22;
	s24 =	simm.s32 @!p6 $0xC380;
	s25 =	simm.s32 @!p5 $0x7  }
0x1d6: {  	[tilespmem:s24], [sflag:$0xA] =	stream.linear.gather @!p6 [hbm4b:s22+s26], $0x80, $0x38;
	[tilespmem:$0x1FE80] =	vst v63  }
0x1d7: {  	s26 =	simm.s32 $0xC300  }
0x1d8: {  	_ =	swait.ge @!p5 [sflag:s25], $0x100  }
0x1d9: {  	s22 =	simm.s32 @!p5 $0x80;
	[sflag:s25] =	ssyncset.done @!p5 $0x0  }
0x1da: {  	s24 =	sadd.s32 $0xFFFFFFFF, s7;
	[sflag:s25] =	ssyncadd.s32 @!p5 $0xFFFFFF00;
	s25 =	simm.s32 $0xC280  }
0x1db: {  	[tilespmem:s21], [sflag:$0x1] =	stream.indirect.gather @!p5 [hbm4b:s1+s22], $0x80, s18, s22, $0xb8;
	[tilespmem:$0x1FE80] =	vst v63  }
0x1dc: {  	p5 =	sge.u32 s24, s20;
	_ =	swait.ge [sflag:s12], $0x4000  }
0x1dd: {  	s18 =	sadd.s32 @!p5 s17, s23;
	s21 =	simm.s32 @!p5 $0xC400;
	[sflag:s12] =	ssyncset.done $0x0  }
0x1de: {  	s24 =	simm.s32 @!p5 $0x0;
	s22 =	sadd.s32 @!p5 $0x140, s18;
	[sflag:s12] =	ssyncadd.s32 $0xFFFFC000  }
0x1df: {  	[tilespmem:s21], [sflag:$0xB] =	stream.linear.gather @!p5 [hbm4b:s22+s24], $0x80, $0x38;
	[tilespmem:$0x1FE80] =	vst v63  }
0x1e0: {  	s18 =	sadd.s32 @!p5 $0x150, s18;
	s21 =	simm.s32 @!p5 $0xC480;
	s22 =	simm.s32 @!p4 $0x8  }
0x1e1: {  	[tilespmem:s21], [sflag:$0xB] =	stream.linear.gather @!p5 [hbm4b:s18+s24], $0x80, $0x38;
	[tilespmem:$0x1FE80] =	vst v63  }
0x1e2: {  	s24 =	simm.s32 $0xC180  }
0x1e3: {  	_ =	swait.ge @!p4 [sflag:s22], $0x100  }
0x1e4: {  	s18 =	simm.s32 @!p4 $0x80;
	[sflag:s22] =	ssyncset.done @!p4 $0x0  }
0x1e5: {  	s21 =	simm.s32 @!p4 $0x4000;
	[sflag:s22] =	ssyncadd.s32 @!p4 $0xFFFFFF00;
	s22 =	simm.s32 $0xC080  }
0x1e6: {  	[tilespmem:s21], [sflag:$0x2] =	stream.indirect.gather @!p4 [hbm4b:s1+s18], $0x80, s16, s18, $0xb8;
	[tilespmem:$0x1FE80] =	vst v63  }
0x1e7: {  	p4 =	sge.u32 s7, s20  }
0x1e8: {  	_ =	swait.ge [sflag:s6], $0x4000;
	s16 =	sadd.s32 @!p4 s17, s23  }
0x1e9: {  	s17 =	simm.s32 @!p4 $0xC500;
	s21 =	simm.s32 @!p4 $0x0;
	[sflag:s6] =	ssyncset.done $0x0  }
0x1ea: {  	s18 =	sadd.s32 @!p4 $0x160, s16;
	s16 =	sadd.s32 @!p4 $0x170, s16;
	[sflag:s6] =	ssyncadd.s32 $0xFFFFC000  }
0x1eb: {  	[tilespmem:s17], [sflag:$0xC] =	stream.linear.gather @!p4 [hbm4b:s18+s21], $0x80, $0x38;
	[tilespmem:$0x1FE80] =	vst v63  }
.Ltmp1:
0x1ec: {  	s17 =	simm.s32 @!p4 $0xC580;
	s18 =	simm.s32 @!p2 $0x9;
	(pc) =	sbr.rel @p3 .LBB2_4-.Ltmp1, $4  }
0x1ed: {  	[tilespmem:s17], [sflag:$0xC] =	stream.linear.gather @!p4 [hbm4b:s16+s21], $0x80, $0x38;
	[tilespmem:$0x1FE80] =	vst v63  }
0x1ee: {  	_ =	swait.ge @!p2 [sflag:s18], $0x100  }
0x1ef: {  	s7 =	sadd.s32 $0x6, s7;
	[sflag:s18] =	ssyncset.done @!p2 $0x0  }
0x1f0: {  	s16 =	simm.s32 @!p2 $0x80;
	s17 =	simm.s32 @!p2 $0x8000;
	[sflag:s18] =	ssyncadd.s32 @!p2 $0xFFFFFF00  }
0x1f1: {  	[tilespmem:s17], [sflag:$0x3] =	stream.indirect.gather @!p2 [hbm4b:s1+s16], $0x80, s5, s16, $0xb8;
	[tilespmem:$0x1FE80] =	vst v63  }
0x1f2: {  	s5 =	simm.s32 @!p0 $0x1  }
0x1f3: {  	_ =	swait.ge @!p0 [sflag:s5], $0x4000  }
0x1f4: {  	s7 =	simm.s32 @!p0 $0xC080;
	[sflag:s5] =	ssyncset.done @!p0 $0x0  }
0x1f5: {  	s16 =	simm.s32 @!p0 $0x0;
	[sflag:s5] =	ssyncadd.s32 @!p0 $0xFFFFC000;
	s5 =	simm.s32 @!p0 $0x80  }
0x1f6: {  	[spmem:s2] =	stream.indirect.scatter.add.f32 @!p0 [tilespmem:s16], [sflag:$0x4], $0x80, s7, s5, $0xb8;
	[tilespmem:$0x1FE80] =	vst v63  }
0x1f7: {  	s5 =	simm.s32 @!p0 $0x4  }
0x1f8: {  	_ =	swait.ge @!p0 [sflag:s5], $0x4000  }
0x1f9: {  	[sflag:s5] =	ssyncset.done @!p0 $0x0  }
0x1fa: {  	[sflag:s5] =	ssyncadd.s32 @!p0 $0xFFFFC000  }
0x1fb: {  	s16 =	stileid.u32;
	[bflag:$0x0] =	sbarrier.arrive $0xFFFF  }
0x1fc: {  	s21 =	simm.s32 $0xE;
	s5 =	sshll.u32 s16, $0x6;
	s16 =	rddreg [dreg:$0x5]  }
0x1fd: {  	s5 =	sor.u32 $0x1C0E, s5;
	s18 =	rddreg [dreg:$0x11];
	s17 =	sshrl.u32 s16, $0x3  }
0x1fe: {  	[hbm:s18], [sflag:s5] =	dma.local [spmem:s17], $0x2700  }
0x1ff: {  	_ =	swait.ge [sflag:s21], $0x2700  }
0x200: {  	[sflag:s21] =	ssyncset.done $0x0;
	s17 =	rddreg [dreg:$0x7]  }
0x201: {  	s18 =	rddreg [dreg:$0x14];
	[sflag:s21] =	ssyncadd.s32 $0xFFFFD900;
	s7 =	sshrl.u32 @!p1 s17, $0x3  }
0x202: {  	[hbm:s18], [sflag:s5] =	dma.local @!p1 [spmem:s7], $0x100  }
0x203: {  	s5 =	simm.s32 @!p1 $0xE  }
0x204: {  	_ =	swait.ge @!p1 [sflag:s5], $0x100  }
0x205: {  	s7 =	sld [smem:$0x7E1];
	_ =	sdelay $0x2  }
0x206: {  	s21 =	rddreg [dreg:$0x15];
	s18 =	sadd.s32 $0x1, s7  }
0x207: {  	p2 =	sne.s32 s18, s21  }
.Ltmp2:
0x208: {  	_ = 	snop;
	(pc) =	sbr.rel @p2 .LBB2_1-.Ltmp2, $3  }
0x209: {  	_ =	sdelay $0x1  }
0x20a: {  	s29 =	simm.s32 $0xC400;
	s28 =	simm.s32 $0xC480;
	[sflag:s5] =	ssyncset.done @!p1 $0x0  }
0x20b: {  	s31 =	simm.s32 $0xC500;
	[sflag:s5] =	ssyncadd.s32 @!p1 $0xFFFFFF00;
	s21 =	simm.s32 $0xC380  }
0x20c: {  	_ =	sfence.sel $0x180000  }
0x20d: {  	[bflag:$0x0] =	sbarrier.arrive $0xFFFF  }
0x20e: {  	_ =	strace $0x90000047  }
0x20f: {  	s0 =	stileid.u32;
	[bflag:$0x2] =	sbarrier.arrive $0xFFFF  }
0x210: {  	p0 =	sne.s32 s0, $0x0;
	s0 =	rddreg [dreg:$0x4]  }
0x211: {  	s0 =	sadd.s32 @!p0 $0x100000, s0  }
0x212: {  	[sflag:s0] =	ssyncadd.tile.s32 @!p0 $0x1;
	_ =	shalt  }
.Lfunc_end2:
_tile_overlayer_lowered:
.L_overlay_start_2:
0x213: {  	(tag) =	ssettag $0x2  }
0x214: {  	s0 =	rddreg [dreg:$0x0];
	s2 =	stileid.u32  }
0x215: {  	s1 =	rddreg [dreg:$0x1];
	p0 =	sne.s32 s2, $0x0  }
0x216: {  	s3 =	rddreg [dreg:$0x2];
	[bflag:$0x3] =	sbarrier.arrive $0xFFFF;
	s2 =	simm.s32 @!p0 $0x1C0E  }
0x217: {  	[timem:s3], [sflag:s2] =	dma.local @!p0 [hbm:s0], s1  }
0x218: {  	s0 =	simm.s32 @!p0 $0xE  }
0x219: {  	_ =	swait.ge @!p0 [sflag:s0], s1  }
0x21a: {  	s1 =	ssub.s32 @!p0 $0x0, s1;
	[sflag:s0] =	ssyncset.done @!p0 $0x0  }
0x21b: {  	[sflag:s0] =	ssyncadd.s32 @!p0 s1  }
0x21c: {  	[bflag:$0x3] =	sbarrier.arrive $0xFFFF  }
0x21d: {  	_ =	shalt  }

</sc_bundles>
